<compile_context>
chip_gen: v7x
topology: tpu7x:2x2x1
jax: 0.10.2.dev20260603
libtpu: 0.0.44.dev20260713+nightly
codegen_flags: <defaults>
</compile_context>

<pallas_src>
import functools

import jax
import jax.numpy as jnp
from jax import lax
from jax.experimental import pallas as pl
from jax.experimental.pallas import tpu as pltpu
from jax.experimental.pallas import tpu_sc as plsc

N = 10000
E = 320000
D = 128
NC = 8

DA = D + 32
C = 200
NTILES = 32
EPT = E // NTILES
NCH = EPT // C
G = 2
NG = NCH // G
NPAD = 10240
RPT = NPAD // 16


def _pre_body(x_ref, we1, be1, we2, be2, w1a, w1b, b1i, h_ref, hsd_ref):
    h = jnp.maximum(x_ref[...] @ we1[...] + be1[...], 0.0) @ we2[...] + be2[...]
    h_ref[...] = h
    hsd_ref[0] = (h @ w1b[...] + b1i[...]).astype(jnp.bfloat16)
    hsd_ref[1] = (h @ w1a[...]).astype(jnp.bfloat16)


def _tc_pre(x, we1, be1, we2, be2, w1a, w1b, b1i):
    R = 2000
    grid = (N // R,)
    row = pl.BlockSpec((R, D), lambda i: (i, 0))
    full = pl.BlockSpec((D, D), lambda i: (0, 0))
    vec = pl.BlockSpec((1, D), lambda i: (0, 0))
    stk = pl.BlockSpec((2, R, D), lambda i: (0, i, 0))
    return pl.pallas_call(
        _pre_body,
        grid=grid,
        in_specs=[row, full, vec, full, vec, full, full, vec],
        out_specs=[row, stk],
        out_shape=[jax.ShapeDtypeStruct((N, D), jnp.float32),
                   jax.ShapeDtypeStruct((2, N, D), jnp.bfloat16)],
    )(x, we1, be1, we2, be2, w1a, w1b, b1i)


def _edge_body(hsd_hbm, idx_hbm, zero_hbm, tinit_hbm, out_hbm,
               ibufa, ibufb, abuf, tbuf, aggh,
               gsem0, gsem1, isema, isemb):
    c = lax.axis_index("c")
    s = lax.axis_index("s")
    tid = c * 16 + s
    gsems = (gsem0, gsem1)

    pltpu.sync_copy(zero_hbm, aggh.at[pl.ds(s * RPT, RPT)])

    pltpu.sync_copy(tinit_hbm, tbuf)

    plsc.subcore_barrier()

    pltpu.sync_copy(idx_hbm.at[tid, pl.ds(0, G)], ibufa)
    for j in range(2):
        pltpu.async_copy(hsd_hbm.at[ibufa.at[j]], abuf.at[j], gsems[j])

    def chunk(g, u, cur, nxt, isem_nxt, issue, wait_idx):
        slot = u % 2
        gsem = gsems[slot]

        pltpu.make_async_copy(hsd_hbm.at[cur.at[u]], abuf.at[slot],
                              gsem).wait()

        @plsc.parallel_loop(0, C, step=1, unroll=4)
        def _compute(r):
            for k in range(D // 32):
                va = abuf[slot, r, pl.ds(k * 32, 32)]
                vb = abuf[slot, C + r, pl.ds(k * 32, 32)]
                tbuf[r, pl.ds(k * 32, 32)] = jnp.maximum(va + vb,
                                                         jnp.bfloat16(0.0))

        if wait_idx:
            pltpu.make_async_copy(idx_hbm.at[tid, pl.ds(0, G)], nxt,
                                  isem_nxt).wait()

        if issue:
            if u + 2 < G:
                ilist = cur.at[u + 2]
            else:
                ilist = nxt.at[u + 2 - G]
            pltpu.async_copy(hsd_hbm.at[ilist], abuf.at[slot], gsem)

        pltpu.sync_copy(tbuf, aggh.at[cur.at[u, pl.ds(C, C)]], add=True)

    def group(g, cur, nxt, isem_nxt, prefetch, last):
        if prefetch:
            pltpu.async_copy(idx_hbm.at[tid, pl.ds((g + 1) * G, G)], nxt,
                             isem_nxt)
        for u in range(G):
            chunk(g, u, cur, nxt, isem_nxt,
                  issue=not (last and u >= G - 2),
                  wait_idx=(not last) and u == G - 2)

    def pair(t, carry):
        g = t * 2
        group(g, ibufa, ibufb, isemb, True, False)
        group(g + 1, ibufb, ibufa, isema, True, False)
        return carry

    lax.fori_loop(0, (NG - 1) // 2, pair, 0)
    group(NG - 1, ibufa, ibufb, isemb, False, True)

    plsc.subcore_barrier()

    pltpu.sync_copy(aggh.at[pl.ds(s * RPT, RPT)],
                    out_hbm.at[c, pl.ds(s * RPT, RPT)])


@functools.partial(
    pl.kernel,
    out_type=jax.ShapeDtypeStruct((2, NPAD, DA), jnp.bfloat16),
    mesh=plsc.VectorSubcoreMesh(core_axis_name="c", subcore_axis_name="s"),
    compiler_params=pltpu.CompilerParams(use_tc_tiling_on_sc=False),
    scratch_types=[
        pltpu.VMEM((G, 2 * C), jnp.int32),
        pltpu.VMEM((G, 2 * C), jnp.int32),
        pltpu.VMEM((2, 2 * C, D), jnp.bfloat16),
        pltpu.VMEM((C, DA), jnp.bfloat16),
        pltpu.VMEM_SHARED((NPAD, DA), jnp.bfloat16),
    ] + [pltpu.SemaphoreType.DMA] * 4,
)
def _edge_kernel(hsd, idx, zrows, tinit, out, *scratch):
    _edge_body(hsd, idx, zrows, tinit, out, *scratch)


def _post_body(h_ref, part_ref, w2i, b2i, wn1a, wn1b, bn1, wn2, bn2,
               wo1, bo1, wo2, bo2, out_ref):
    p0 = part_ref[0].astype(jnp.float32)
    p1 = part_ref[1].astype(jnp.float32)
    aggh = p0[:, :D] + p1[:, :D]
    deg = p0[:, D:D + 1] + p1[:, D:D + 1]
    agg = aggh @ w2i[...] + deg * b2i[...]
    h = h_ref[...]
    hn = jnp.maximum(h @ wn1a[...] + agg @ wn1b[...] + bn1[...], 0.0)
    hn = hn @ wn2[...] + bn2[...]
    out_ref[...] = jnp.maximum(hn @ wo1[...] + bo1[...], 0.0) @ wo2[...] + bo2[...]


def _tc_post(h, part, w2i, b2i, wn1a, wn1b, bn1, wn2, bn2, wo1, bo1, wo2, bo2):
    R = 2000
    grid = (N // R,)
    row = pl.BlockSpec((R, D), lambda i: (i, 0))
    prt = pl.BlockSpec((2, R, DA), lambda i: (0, i, 0))
    full = pl.BlockSpec((D, D), lambda i: (0, 0))
    vec = pl.BlockSpec((1, D), lambda i: (0, 0))
    ospec = pl.BlockSpec((R, NC), lambda i: (i, 0))
    ovec = pl.BlockSpec((1, NC), lambda i: (0, 0))
    wout = pl.BlockSpec((D, NC), lambda i: (0, 0))
    return pl.pallas_call(
        _post_body,
        grid=grid,
        in_specs=[row, prt, full, vec, full, full, vec, full, vec,
                  full, vec, wout, ovec],
        out_specs=ospec,
        out_shape=jax.ShapeDtypeStruct((N, NC), jnp.float32),
    )(h, part, w2i, b2i, wn1a, wn1b, bn1, wn2, bn2, wo1, bo1, wo2, bo2)


def kernel(x, edge_index, enc, inter, nodem, outp):
    (we1, be1), (we2, be2) = enc
    (w1i, b1i), (w2i, b2i) = inter
    (wn1, bn1), (wn2, bn2) = nodem
    (wo1, bo1), (wo2, bo2) = outp

    h, hsd = _tc_pre(
        x, we1, be1.reshape(1, D), we2, be2.reshape(1, D),
        w1i[:D], w1i[D:], b1i.reshape(1, D))

    ei = edge_index.astype(jnp.int32)
    srcp = ei[0].reshape(NTILES, NCH, C) + N
    dstp = ei[1].reshape(NTILES, NCH, C)
    idx = jnp.concatenate([srcp, dstp], axis=2)
    zrows = jnp.zeros((RPT, DA), jnp.bfloat16)
    tinit = jnp.zeros((C, DA), jnp.bfloat16).at[:, D].set(jnp.bfloat16(1.0))

    part = _edge_kernel(hsd.reshape(2 * N, D), idx, zrows, tinit)

    return _tc_post(
        h, part, w2i, b2i.reshape(1, D), wn1[:D], wn1[D:], bn1.reshape(1, D),
        wn2, bn2.reshape(1, D), wo1, bo1.reshape(1, D), wo2, bo2.reshape(1, NC))

# --- scband reference (transcript-rebuilt; emitter-appended) ---
"""Pipeline reference for scband-cell-fate-net-time-reversal-83854941487284 (READ-ONLY COPY).

The authoritative reference and input builder live on the scoring server;
editing this copy changes nothing except your own understanding.
"""

import jax, jax.numpy as jnp
import numpy as np

N = 10000
E = 320000
D = 128
HID = 128
NC = 8


def _mlp_init(key, dims):
    params = []
    for i in range(len(dims) - 1):
        key, k = jax.random.split(key)
        W = jax.random.normal(k, (dims[i], dims[i + 1]), jnp.float32) * (1.0 / np.sqrt(dims[i]))
        b = jnp.zeros((dims[i + 1],), jnp.float32)
        params.append((W, b))
    return params


def _mlp_apply(params, x):
    # Torch pattern: x = fc[0](x); for i in range(n_layers): x = relu(x); x = dropout(x); x = fc[2i+2](x)
    # Dropout is identity in eval (p_hidden=0.0).
    W, b = params[0]
    x = x @ W + b
    for (W, b) in params[1:]:
        x = jax.nn.relu(x)
        x = x @ W + b
    return x


def setup_inputs(seed: int = 0):
    key = jax.random.key(seed)
    k1, k2, k3, k4, k5, k6 = jax.random.split(key, 6)
    x = jax.random.normal(k1, (N, D), jnp.float32)
    edge_index = jax.random.randint(k2, (2, E), 0, N)
    enc = _mlp_init(k3, [D, HID, D])            # fc_encode (n_layers=1 -> 2 linears)
    inter = _mlp_init(k4, [2 * D, HID, D])      # fc_interaction (skip=0, edge_switch=0 -> in_feats*2)
    nodem = _mlp_init(k5, [2 * D, HID, D])      # fc_nodemodel (skip=0 -> in_feats*2)
    outp = _mlp_init(k6, [D, HID, NC])          # fc_output
    return {"x": x, "edge_index": edge_index, "enc": enc, "inter": inter, "nodem": nodem, "outp": outp}


def reference(x, edge_index, enc, inter, nodem, outp):
    # encode node features
    h = _mlp_apply(enc, x)
    # in-plane edge model: message on each edge from (src, dst) encodings
    src = jnp.take(h, edge_index[0], axis=0)
    dst = jnp.take(h, edge_index[1], axis=0)
    e = _mlp_apply(inter, jnp.concatenate([src, dst], axis=-1))
    # aggregate messages per destination node (average_switch=0 -> sum)
    agg = jax.ops.segment_sum(e, edge_index[1], num_segments=N)
    # node model on (self encoding, aggregated message)
    hn = _mlp_apply(nodem, jnp.concatenate([h, agg], axis=-1))
    # celltype readout
    logits = _mlp_apply(outp, hn)
    return logits

if __name__ == "__main__":
    import jax
    _d = setup_inputs()
    print(jax.jit(kernel)(*tuple(_d.values())))

</pallas_src>

<mosaic_0001>
#map = affine_map<(d0, d1) -> (0, 0)>
#map1 = affine_map<(d0, d1) -> (0, 0, 0)>
module attributes {stable_mosaic.version = 14 : i64} {
  func.func @_edge_kernel(%arg0: i32, %arg1: i32, %arg2: memref<20000x128xbf16, #tpu.memory_space<hbm>>, %arg3: memref<32x50x400xi32, #tpu.memory_space<hbm>>, %arg4: memref<640x160xbf16, #tpu.memory_space<hbm>>, %arg5: memref<200x160xbf16, #tpu.memory_space<hbm>>, %arg6: memref<2x10240x160xbf16, #tpu.memory_space<hbm>>, %arg7: memref<2x400xi32, #tpu.memory_space<vmem>>, %arg8: memref<2x400xi32, #tpu.memory_space<vmem>>, %arg9: memref<2x400x128xbf16, #tpu.memory_space<vmem>>, %arg10: memref<200x160xbf16, #tpu.memory_space<vmem>>, %arg11: memref<10240x160xbf16, #tpu.memory_space<vmem_shared>>, %arg12: memref<!tpu.dma_semaphore, #tpu.memory_space<semaphore_mem>>, %arg13: memref<!tpu.dma_semaphore, #tpu.memory_space<semaphore_mem>>, %arg14: memref<!tpu.dma_semaphore, #tpu.memory_space<semaphore_mem>>, %arg15: memref<!tpu.dma_semaphore, #tpu.memory_space<semaphore_mem>>) attributes {dimension_semantics = [#tpu.dimension_semantics<core_parallel>, #tpu.dimension_semantics<subcore_parallel>], iteration_bounds = array<i64: 2, 16>, scalar_prefetch = 0 : i64, scratch_operands = 9 : i64, tpu.core_type = #tpu.core_type<sc_vector_subcore>, window_params = [{transform_indices = #map}, {transform_indices = #map1}, {transform_indices = #map}, {transform_indices = #map}, {transform_indices = #map1}]} {
    %mul3A = arith.constant 16 : i32
    %mul3A_0 = arith.muli %arg0, %mul3A : i32
    %add3A = arith.addi %mul3A_0, %arg1 : i32
    %mul3A_1 = arith.constant 640 : i32
    %mul3A_2 = arith.muli %arg1, %mul3A_1 : i32
    "tpu.region"() ({
      %run_scoped3A_65 = tpu.sem_alloc : memref<!tpu.dma_semaphore, #tpu.memory_space<semaphore_mem>>
      %dma_start3A_66 = arith.constant 0 : i32
      %dma_start3A_67 = tpu.memref_slice %arg11[%mul3A_2, %dma_start3A_66] : memref<10240x160xbf16, #tpu.memory_space<vmem_shared>> -> memref<640x160xbf16, #tpu.memory_space<vmem_shared>>
      tpu.enqueue_dma source(%arg4 : memref<640x160xbf16, #tpu.memory_space<hbm>>) target(%dma_start3A_67 : memref<640x160xbf16, #tpu.memory_space<vmem_shared>>) target_semaphore(%run_scoped3A_65 : memref<!tpu.dma_semaphore, #tpu.memory_space<semaphore_mem>>)
      %dma_wait3A_68 = arith.constant 0 : i32
      %dma_wait3A_69 = tpu.memref_slice %arg11[%mul3A_2, %dma_wait3A_68] : memref<10240x160xbf16, #tpu.memory_space<vmem_shared>> -> memref<640x160xbf16, #tpu.memory_space<vmem_shared>>
      tpu.wait_dma2 semaphore(%run_scoped3A_65 : memref<!tpu.dma_semaphore, #tpu.memory_space<semaphore_mem>>) src(%arg4 : memref<640x160xbf16, #tpu.memory_space<hbm>>) dst(%dma_wait3A_69 : memref<640x160xbf16, #tpu.memory_space<vmem_shared>>)
      tpu.yield
    }) : () -> ()
    "tpu.region"() ({
      %run_scoped3A_65 = tpu.sem_alloc : memref<!tpu.dma_semaphore, #tpu.memory_space<semaphore_mem>>
      tpu.enqueue_dma source(%arg5 : memref<200x160xbf16, #tpu.memory_space<hbm>>) target(%arg10 : memref<200x160xbf16, #tpu.memory_space<vmem>>) target_semaphore(%run_scoped3A_65 : memref<!tpu.dma_semaphore, #tpu.memory_space<semaphore_mem>>)
      tpu.wait_dma2 semaphore(%run_scoped3A_65 : memref<!tpu.dma_semaphore, #tpu.memory_space<semaphore_mem>>) src(%arg5 : memref<200x160xbf16, #tpu.memory_space<hbm>>) dst(%arg10 : memref<200x160xbf16, #tpu.memory_space<vmem>>)
      tpu.yield
    }) : () -> ()
    %barrier3A = arith.constant 0 : index
    tpu.barrier barrier_id(%barrier3A)
    "tpu.region"() ({
      %run_scoped3A_65 = tpu.sem_alloc : memref<!tpu.dma_semaphore, #tpu.memory_space<semaphore_mem>>
      %dma_start3A_66 = arith.constant 0 : i32
      %dma_start3A_67 = arith.constant 0 : i32
      %dma_start3A_68 = tpu.memref_slice %arg3[%add3A, %dma_start3A_66, %dma_start3A_67] : memref<32x50x400xi32, #tpu.memory_space<hbm>> -> memref<1x2x400xi32, #tpu.memory_space<hbm>>
      %dma_start3A_69 = tpu.memref_squeeze %dma_start3A_68 : memref<1x2x400xi32, #tpu.memory_space<hbm>> -> memref<2x400xi32, #tpu.memory_space<hbm>>
      %dma_start3A_70 = arith.constant 0 : i32
      %dma_start3A_71 = arith.constant 0 : i32
      %dma_start3A_72 = tpu.memref_slice %arg3[%add3A, %dma_start3A_70, %dma_start3A_71] : memref<32x50x400xi32, #tpu.memory_space<hbm>> -> memref<1x2x400xi32, #tpu.memory_space<hbm>>
      %dma_start3A_73 = tpu.memref_squeeze %dma_start3A_72 : memref<1x2x400xi32, #tpu.memory_space<hbm>> -> memref<2x400xi32, #tpu.memory_space<hbm>>
      tpu.enqueue_dma source(%dma_start3A_73 : memref<2x400xi32, #tpu.memory_space<hbm>>) target(%arg7 : memref<2x400xi32, #tpu.memory_space<vmem>>) target_semaphore(%run_scoped3A_65 : memref<!tpu.dma_semaphore, #tpu.memory_space<semaphore_mem>>)
      %dma_wait3A_74 = arith.constant 0 : i32
      %dma_wait3A_75 = arith.constant 0 : i32
      %dma_wait3A_76 = tpu.memref_slice %arg3[%add3A, %dma_wait3A_74, %dma_wait3A_75] : memref<32x50x400xi32, #tpu.memory_space<hbm>> -> memref<1x2x400xi32, #tpu.memory_space<hbm>>
      %dma_wait3A_77 = tpu.memref_squeeze %dma_wait3A_76 : memref<1x2x400xi32, #tpu.memory_space<hbm>> -> memref<2x400xi32, #tpu.memory_space<hbm>>
      %dma_wait3A_78 = arith.constant 0 : i32
      %dma_wait3A_79 = arith.constant 0 : i32
      %dma_wait3A_80 = tpu.memref_slice %arg3[%add3A, %dma_wait3A_78, %dma_wait3A_79] : memref<32x50x400xi32, #tpu.memory_space<hbm>> -> memref<1x2x400xi32, #tpu.memory_space<hbm>>
      %dma_wait3A_81 = tpu.memref_squeeze %dma_wait3A_80 : memref<1x2x400xi32, #tpu.memory_space<hbm>> -> memref<2x400xi32, #tpu.memory_space<hbm>>
      tpu.wait_dma2 semaphore(%run_scoped3A_65 : memref<!tpu.dma_semaphore, #tpu.memory_space<semaphore_mem>>) src(%dma_wait3A_81 : memref<2x400xi32, #tpu.memory_space<hbm>>) dst(%arg7 : memref<2x400xi32, #tpu.memory_space<vmem>>)
      tpu.yield
    }) : () -> ()
    %dma_start3A = arith.constant 0 : i32
    %dma_start3A_3 = arith.constant 0 : i32
    %dma_start3A_4 = arith.constant 0 : i32
    %dma_start3A_5 = arith.constant 0 : i32
    %dma_start3A_6 = tpu.memref_slice %arg9[%dma_start3A_3, %dma_start3A_4, %dma_start3A_5] : memref<2x400x128xbf16, #tpu.memory_space<vmem>> -> memref<1x400x128xbf16, #tpu.memory_space<vmem>>
    %dma_start3A_7 = tpu.memref_squeeze %dma_start3A_6 : memref<1x400x128xbf16, #tpu.memory_space<vmem>> -> memref<400x128xbf16, #tpu.memory_space<vmem>>
    %dma_start3A_8 = arith.constant 0 : i32
    %dma_start3A_9 = tpu.memref_slice %arg7[%dma_start3A, %dma_start3A_8] : memref<2x400xi32, #tpu.memory_space<vmem>> -> memref<1x400xi32, #tpu.memory_space<vmem>>
    %dma_start3A_10 = tpu.memref_squeeze %dma_start3A_9 : memref<1x400xi32, #tpu.memory_space<vmem>> -> memref<400xi32, #tpu.memory_space<vmem>>
    %dma_start3A_11 = arith.constant 0 : i32
    %dma_start3A_12 = arith.constant 0 : i32
    %dma_start3A_13 = tpu.memref_slice %arg2[%dma_start3A_11, %dma_start3A_12] : memref<20000x128xbf16, #tpu.memory_space<hbm>> -> memref<20000x128xbf16, #tpu.memory_space<hbm>>
    tpu.enqueue_indirect_dma source(%dma_start3A_13 : memref<20000x128xbf16, #tpu.memory_space<hbm>>) target(%dma_start3A_7 : memref<400x128xbf16, #tpu.memory_space<vmem>>) offsets(%dma_start3A_10 : memref<400xi32, #tpu.memory_space<vmem>>) semaphore(%arg12 : memref<!tpu.dma_semaphore, #tpu.memory_space<semaphore_mem>>)
    %dma_start3A_14 = arith.constant 1 : i32
    %dma_start3A_15 = arith.constant 1 : i32
    %dma_start3A_16 = arith.constant 0 : i32
    %dma_start3A_17 = arith.constant 0 : i32
    %dma_start3A_18 = tpu.memref_slice %arg9[%dma_start3A_15, %dma_start3A_16, %dma_start3A_17] : memref<2x400x128xbf16, #tpu.memory_space<vmem>> -> memref<1x400x128xbf16, #tpu.memory_space<vmem>>
    %dma_start3A_19 = tpu.memref_squeeze %dma_start3A_18 : memref<1x400x128xbf16, #tpu.memory_space<vmem>> -> memref<400x128xbf16, #tpu.memory_space<vmem>>
    %dma_start3A_20 = arith.constant 0 : i32
    %dma_start3A_21 = tpu.memref_slice %arg7[%dma_start3A_14, %dma_start3A_20] : memref<2x400xi32, #tpu.memory_space<vmem>> -> memref<1x400xi32, #tpu.memory_space<vmem>>
    %dma_start3A_22 = tpu.memref_squeeze %dma_start3A_21 : memref<1x400xi32, #tpu.memory_space<vmem>> -> memref<400xi32, #tpu.memory_space<vmem>>
    %dma_start3A_23 = arith.constant 0 : i32
    %dma_start3A_24 = arith.constant 0 : i32
    %dma_start3A_25 = tpu.memref_slice %arg2[%dma_start3A_23, %dma_start3A_24] : memref<20000x128xbf16, #tpu.memory_space<hbm>> -> memref<20000x128xbf16, #tpu.memory_space<hbm>>
    tpu.enqueue_indirect_dma source(%dma_start3A_25 : memref<20000x128xbf16, #tpu.memory_space<hbm>>) target(%dma_start3A_19 : memref<400x128xbf16, #tpu.memory_space<vmem>>) offsets(%dma_start3A_22 : memref<400xi32, #tpu.memory_space<vmem>>) semaphore(%arg13 : memref<!tpu.dma_semaphore, #tpu.memory_space<semaphore_mem>>)
    %scan3A = arith.constant 0 : i32
    %scan3A_26 = arith.constant 0 : i32
    %scan3A_27 = arith.constant 12 : i32
    %scan3A_28 = arith.addi %scan3A_26, %scan3A_27 : i32
    %scan3A_29 = arith.constant 1 : i32
    scf.for %scan3A_65 = %scan3A_26 to %scan3A_28 step %scan3A_29  : i32 {
      %mul3A_66 = arith.constant 2 : i32
      %mul3A_67 = arith.muli %scan3A_65, %mul3A_66 : i32
      %add3A_68 = arith.constant 1 : i32
      %add3A_69 = arith.addi %mul3A_67, %add3A_68 : i32
      %mul3A_70 = arith.constant 2 : i32
      %mul3A_71 = arith.muli %add3A_69, %mul3A_70 : i32
      %dma_start3A_72 = arith.constant 0 : i32
      %dma_start3A_73 = tpu.memref_slice %arg3[%add3A, %mul3A_71, %dma_start3A_72] : memref<32x50x400xi32, #tpu.memory_space<hbm>> -> memref<1x2x400xi32, #tpu.memory_space<hbm>>
      %dma_start3A_74 = tpu.memref_squeeze %dma_start3A_73 : memref<1x2x400xi32, #tpu.memory_space<hbm>> -> memref<2x400xi32, #tpu.memory_space<hbm>>
      %dma_start3A_75 = arith.constant 0 : i32
      %dma_start3A_76 = tpu.memref_slice %arg3[%add3A, %mul3A_71, %dma_start3A_75] : memref<32x50x400xi32, #tpu.memory_space<hbm>> -> memref<1x2x400xi32, #tpu.memory_space<hbm>>
      %dma_start3A_77 = tpu.memref_squeeze %dma_start3A_76 : memref<1x2x400xi32, #tpu.memory_space<hbm>> -> memref<2x400xi32, #tpu.memory_space<hbm>>
      tpu.enqueue_dma source(%dma_start3A_77 : memref<2x400xi32, #tpu.memory_space<hbm>>) target(%arg8 : memref<2x400xi32, #tpu.memory_space<vmem>>) target_semaphore(%arg15 : memref<!tpu.dma_semaphore, #tpu.memory_space<semaphore_mem>>)
      %dma_wait3A_78 = arith.constant 0 : i32
      %dma_wait3A_79 = arith.constant 0 : i32
      %dma_wait3A_80 = arith.constant 0 : i32
      %dma_wait3A_81 = arith.constant 0 : i32
      %dma_wait3A_82 = tpu.memref_slice %arg9[%dma_wait3A_79, %dma_wait3A_80, %dma_wait3A_81] : memref<2x400x128xbf16, #tpu.memory_space<vmem>> -> memref<1x400x128xbf16, #tpu.memory_space<vmem>>
      %dma_wait3A_83 = tpu.memref_squeeze %dma_wait3A_82 : memref<1x400x128xbf16, #tpu.memory_space<vmem>> -> memref<400x128xbf16, #tpu.memory_space<vmem>>
      %dma_wait3A_84 = arith.constant 0 : i32
      %dma_wait3A_85 = tpu.memref_slice %arg7[%dma_wait3A_78, %dma_wait3A_84] : memref<2x400xi32, #tpu.memory_space<vmem>> -> memref<1x400xi32, #tpu.memory_space<vmem>>
      %dma_wait3A_86 = tpu.memref_squeeze %dma_wait3A_85 : memref<1x400xi32, #tpu.memory_space<vmem>> -> memref<400xi32, #tpu.memory_space<vmem>>
      %dma_wait3A_87 = arith.constant 0 : i32
      %dma_wait3A_88 = arith.constant 0 : i32
      %dma_wait3A_89 = tpu.memref_slice %arg2[%dma_wait3A_87, %dma_wait3A_88] : memref<20000x128xbf16, #tpu.memory_space<hbm>> -> memref<20000x128xbf16, #tpu.memory_space<hbm>>
      tpu.wait_indirect_dma semaphore(%arg12 : memref<!tpu.dma_semaphore, #tpu.memory_space<semaphore_mem>>) src(%dma_wait3A_89 : memref<20000x128xbf16, #tpu.memory_space<hbm>>) dst(%dma_wait3A_83 : memref<400x128xbf16, #tpu.memory_space<vmem>>)
      %parallel_loop3A_90 = arith.constant 0 : i32
      %parallel_loop3A_91 = arith.constant 200 : i32
      %parallel_loop3A_92 = arith.constant 1 : i32
      scf.for %parallel_loop3A_218 = %parallel_loop3A_90 to %parallel_loop3A_91 step %parallel_loop3A_92  : i32 {
        %parallel_loop3A_219 = arith.constant 0 : i32
        %parallel_loop3A_220 = arith.index_cast %parallel_loop3A_219 : i32 to index
        %parallel_loop3A_221 = arith.index_cast %parallel_loop3A_218 : i32 to index
        %parallel_loop3A_222 = arith.constant 0 : index
        %parallel_loop3A_223 = tpu.vector_load %arg9[%parallel_loop3A_220, %parallel_loop3A_221, %parallel_loop3A_222] {strides = array<i32>} : memref<2x400x128xbf16, #tpu.memory_space<vmem>>, vector<1x1x32xbf16>,
        %parallel_loop3A_224 = vector.shape_cast %parallel_loop3A_223 : vector<1x1x32xbf16> to vector<32xbf16>
        %parallel_loop3A_225 = arith.constant 200 : i32
        %parallel_loop3A_226 = arith.addi %parallel_loop3A_225, %parallel_loop3A_218 : i32
        %parallel_loop3A_227 = arith.constant 0 : i32
        %parallel_loop3A_228 = arith.index_cast %parallel_loop3A_227 : i32 to index
        %parallel_loop3A_229 = arith.index_cast %parallel_loop3A_226 : i32 to index
        %parallel_loop3A_230 = arith.constant 0 : index
        %parallel_loop3A_231 = tpu.vector_load %arg9[%parallel_loop3A_228, %parallel_loop3A_229, %parallel_loop3A_230] {strides = array<i32>} : memref<2x400x128xbf16, #tpu.memory_space<vmem>>, vector<1x1x32xbf16>,
        %parallel_loop3A_232 = vector.shape_cast %parallel_loop3A_231 : vector<1x1x32xbf16> to vector<32xbf16>
        %parallel_loop3A_233 = arith.addf %parallel_loop3A_224, %parallel_loop3A_232 : vector<32xbf16>
        %parallel_loop3A_234 = arith.constant 0.000000e+00 : bf16
        %parallel_loop3A_235 = vector.broadcast %parallel_loop3A_234 : bf16 to vector<32xbf16>
        %parallel_loop3A_236 = arith.maximumf %parallel_loop3A_233, %parallel_loop3A_235 : vector<32xbf16>
        %parallel_loop3A_237 = arith.index_cast %parallel_loop3A_218 : i32 to index
        %parallel_loop3A_238 = arith.constant 0 : index
        %parallel_loop3A_239 = tpu.vector_load %arg10[%parallel_loop3A_237, %parallel_loop3A_238] {strides = array<i32>} : memref<200x160xbf16, #tpu.memory_space<vmem>>, vector<1x32xbf16>,
        %parallel_loop3A_240 = vector.shape_cast %parallel_loop3A_239 : vector<1x32xbf16> to vector<32xbf16>
        %parallel_loop3A_241 = vector.shape_cast %parallel_loop3A_236 : vector<32xbf16> to vector<1x32xbf16>
        tpu.vector_store %arg10[%parallel_loop3A_237, %parallel_loop3A_238], %parallel_loop3A_241 {strides = array<i32>} : memref<200x160xbf16, #tpu.memory_space<vmem>>, vector<1x32xbf16>,
        %parallel_loop3A_242 = arith.constant 0 : i32
        %parallel_loop3A_243 = arith.index_cast %parallel_loop3A_242 : i32 to index
        %parallel_loop3A_244 = arith.index_cast %parallel_loop3A_218 : i32 to index
        %parallel_loop3A_245 = arith.constant 32 : index
        %parallel_loop3A_246 = tpu.vector_load %arg9[%parallel_loop3A_243, %parallel_loop3A_244, %parallel_loop3A_245] {strides = array<i32>} : memref<2x400x128xbf16, #tpu.memory_space<vmem>>, vector<1x1x32xbf16>,
        %parallel_loop3A_247 = vector.shape_cast %parallel_loop3A_246 : vector<1x1x32xbf16> to vector<32xbf16>
        %parallel_loop3A_248 = arith.constant 200 : i32
        %parallel_loop3A_249 = arith.addi %parallel_loop3A_248, %parallel_loop3A_218 : i32
        %parallel_loop3A_250 = arith.constant 0 : i32
        %parallel_loop3A_251 = arith.index_cast %parallel_loop3A_250 : i32 to index
        %parallel_loop3A_252 = arith.index_cast %parallel_loop3A_249 : i32 to index
        %parallel_loop3A_253 = arith.constant 32 : index
        %parallel_loop3A_254 = tpu.vector_load %arg9[%parallel_loop3A_251, %parallel_loop3A_252, %parallel_loop3A_253] {strides = array<i32>} : memref<2x400x128xbf16, #tpu.memory_space<vmem>>, vector<1x1x32xbf16>,
        %parallel_loop3A_255 = vector.shape_cast %parallel_loop3A_254 : vector<1x1x32xbf16> to vector<32xbf16>
        %parallel_loop3A_256 = arith.addf %parallel_loop3A_247, %parallel_loop3A_255 : vector<32xbf16>
        %parallel_loop3A_257 = arith.constant 0.000000e+00 : bf16
        %parallel_loop3A_258 = vector.broadcast %parallel_loop3A_257 : bf16 to vector<32xbf16>
        %parallel_loop3A_259 = arith.maximumf %parallel_loop3A_256, %parallel_loop3A_258 : vector<32xbf16>
        %parallel_loop3A_260 = arith.index_cast %parallel_loop3A_218 : i32 to index
        %parallel_loop3A_261 = arith.constant 32 : index
        %parallel_loop3A_262 = tpu.vector_load %arg10[%parallel_loop3A_260, %parallel_loop3A_261] {strides = array<i32>} : memref<200x160xbf16, #tpu.memory_space<vmem>>, vector<1x32xbf16>,
        %parallel_loop3A_263 = vector.shape_cast %parallel_loop3A_262 : vector<1x32xbf16> to vector<32xbf16>
        %parallel_loop3A_264 = vector.shape_cast %parallel_loop3A_259 : vector<32xbf16> to vector<1x32xbf16>
        tpu.vector_store %arg10[%parallel_loop3A_260, %parallel_loop3A_261], %parallel_loop3A_264 {strides = array<i32>} : memref<200x160xbf16, #tpu.memory_space<vmem>>, vector<1x32xbf16>,
        %parallel_loop3A_265 = arith.constant 0 : i32
        %parallel_loop3A_266 = arith.index_cast %parallel_loop3A_265 : i32 to index
        %parallel_loop3A_267 = arith.index_cast %parallel_loop3A_218 : i32 to index
        %parallel_loop3A_268 = arith.constant 64 : index
        %parallel_loop3A_269 = tpu.vector_load %arg9[%parallel_loop3A_266, %parallel_loop3A_267, %parallel_loop3A_268] {strides = array<i32>} : memref<2x400x128xbf16, #tpu.memory_space<vmem>>, vector<1x1x32xbf16>,
        %parallel_loop3A_270 = vector.shape_cast %parallel_loop3A_269 : vector<1x1x32xbf16> to vector<32xbf16>
        %parallel_loop3A_271 = arith.constant 200 : i32
        %parallel_loop3A_272 = arith.addi %parallel_loop3A_271, %parallel_loop3A_218 : i32
        %parallel_loop3A_273 = arith.constant 0 : i32
        %parallel_loop3A_274 = arith.index_cast %parallel_loop3A_273 : i32 to index
        %parallel_loop3A_275 = arith.index_cast %parallel_loop3A_272 : i32 to index
        %parallel_loop3A_276 = arith.constant 64 : index
        %parallel_loop3A_277 = tpu.vector_load %arg9[%parallel_loop3A_274, %parallel_loop3A_275, %parallel_loop3A_276] {strides = array<i32>} : memref<2x400x128xbf16, #tpu.memory_space<vmem>>, vector<1x1x32xbf16>,
        %parallel_loop3A_278 = vector.shape_cast %parallel_loop3A_277 : vector<1x1x32xbf16> to vector<32xbf16>
        %parallel_loop3A_279 = arith.addf %parallel_loop3A_270, %parallel_loop3A_278 : vector<32xbf16>
        %parallel_loop3A_280 = arith.constant 0.000000e+00 : bf16
        %parallel_loop3A_281 = vector.broadcast %parallel_loop3A_280 : bf16 to vector<32xbf16>
        %parallel_loop3A_282 = arith.maximumf %parallel_loop3A_279, %parallel_loop3A_281 : vector<32xbf16>
        %parallel_loop3A_283 = arith.index_cast %parallel_loop3A_218 : i32 to index
        %parallel_loop3A_284 = arith.constant 64 : index
        %parallel_loop3A_285 = tpu.vector_load %arg10[%parallel_loop3A_283, %parallel_loop3A_284] {strides = array<i32>} : memref<200x160xbf16, #tpu.memory_space<vmem>>, vector<1x32xbf16>,
        %parallel_loop3A_286 = vector.shape_cast %parallel_loop3A_285 : vector<1x32xbf16> to vector<32xbf16>
        %parallel_loop3A_287 = vector.shape_cast %parallel_loop3A_282 : vector<32xbf16> to vector<1x32xbf16>
        tpu.vector_store %arg10[%parallel_loop3A_283, %parallel_loop3A_284], %parallel_loop3A_287 {strides = array<i32>} : memref<200x160xbf16, #tpu.memory_space<vmem>>, vector<1x32xbf16>,
        %parallel_loop3A_288 = arith.constant 0 : i32
        %parallel_loop3A_289 = arith.index_cast %parallel_loop3A_288 : i32 to index
        %parallel_loop3A_290 = arith.index_cast %parallel_loop3A_218 : i32 to index
        %parallel_loop3A_291 = arith.constant 96 : index
        %parallel_loop3A_292 = tpu.vector_load %arg9[%parallel_loop3A_289, %parallel_loop3A_290, %parallel_loop3A_291] {strides = array<i32>} : memref<2x400x128xbf16, #tpu.memory_space<vmem>>, vector<1x1x32xbf16>,
        %parallel_loop3A_293 = vector.shape_cast %parallel_loop3A_292 : vector<1x1x32xbf16> to vector<32xbf16>
        %parallel_loop3A_294 = arith.constant 200 : i32
        %parallel_loop3A_295 = arith.addi %parallel_loop3A_294, %parallel_loop3A_218 : i32
        %parallel_loop3A_296 = arith.constant 0 : i32
        %parallel_loop3A_297 = arith.index_cast %parallel_loop3A_296 : i32 to index
        %parallel_loop3A_298 = arith.index_cast %parallel_loop3A_295 : i32 to index
        %parallel_loop3A_299 = arith.constant 96 : index
        %parallel_loop3A_300 = tpu.vector_load %arg9[%parallel_loop3A_297, %parallel_loop3A_298, %parallel_loop3A_299] {strides = array<i32>} : memref<2x400x128xbf16, #tpu.memory_space<vmem>>, vector<1x1x32xbf16>,
        %parallel_loop3A_301 = vector.shape_cast %parallel_loop3A_300 : vector<1x1x32xbf16> to vector<32xbf16>
        %parallel_loop3A_302 = arith.addf %parallel_loop3A_293, %parallel_loop3A_301 : vector<32xbf16>
        %parallel_loop3A_303 = arith.constant 0.000000e+00 : bf16
        %parallel_loop3A_304 = vector.broadcast %parallel_loop3A_303 : bf16 to vector<32xbf16>
        %parallel_loop3A_305 = arith.maximumf %parallel_loop3A_302, %parallel_loop3A_304 : vector<32xbf16>
        %parallel_loop3A_306 = arith.index_cast %parallel_loop3A_218 : i32 to index
        %parallel_loop3A_307 = arith.constant 96 : index
        %parallel_loop3A_308 = tpu.vector_load %arg10[%parallel_loop3A_306, %parallel_loop3A_307] {strides = array<i32>} : memref<200x160xbf16, #tpu.memory_space<vmem>>, vector<1x32xbf16>,
        %parallel_loop3A_309 = vector.shape_cast %parallel_loop3A_308 : vector<1x32xbf16> to vector<32xbf16>
        %parallel_loop3A_310 = vector.shape_cast %parallel_loop3A_305 : vector<32xbf16> to vector<1x32xbf16>
        tpu.vector_store %arg10[%parallel_loop3A_306, %parallel_loop3A_307], %parallel_loop3A_310 {strides = array<i32>} : memref<200x160xbf16, #tpu.memory_space<vmem>>, vector<1x32xbf16>,
      } {sc.loop_unroll_factor = 4 : i64, sc.parallel_access}
      %dma_wait3A_93 = arith.constant 0 : i32
      %dma_wait3A_94 = arith.constant 0 : i32
      %dma_wait3A_95 = tpu.memref_slice %arg3[%add3A, %dma_wait3A_93, %dma_wait3A_94] : memref<32x50x400xi32, #tpu.memory_space<hbm>> -> memref<1x2x400xi32, #tpu.memory_space<hbm>>
      %dma_wait3A_96 = tpu.memref_squeeze %dma_wait3A_95 : memref<1x2x400xi32, #tpu.memory_space<hbm>> -> memref<2x400xi32, #tpu.memory_space<hbm>>
      %dma_wait3A_97 = arith.constant 0 : i32
      %dma_wait3A_98 = arith.constant 0 : i32
      %dma_wait3A_99 = tpu.memref_slice %arg3[%add3A, %dma_wait3A_97, %dma_wait3A_98] : memref<32x50x400xi32, #tpu.memory_space<hbm>> -> memref<1x2x400xi32, #tpu.memory_space<hbm>>
      %dma_wait3A_100 = tpu.memref_squeeze %dma_wait3A_99 : memref<1x2x400xi32, #tpu.memory_space<hbm>> -> memref<2x400xi32, #tpu.memory_space<hbm>>
      tpu.wait_dma2 semaphore(%arg15 : memref<!tpu.dma_semaphore, #tpu.memory_space<semaphore_mem>>) src(%dma_wait3A_100 : memref<2x400xi32, #tpu.memory_space<hbm>>) dst(%arg8 : memref<2x400xi32, #tpu.memory_space<vmem>>)
      %dma_start3A_101 = arith.constant 0 : i32
      %dma_start3A_102 = arith.constant 0 : i32
      %dma_start3A_103 = arith.constant 0 : i32
      %dma_start3A_104 = arith.constant 0 : i32
      %dma_start3A_105 = tpu.memref_slice %arg9[%dma_start3A_102, %dma_start3A_103, %dma_start3A_104] : memref<2x400x128xbf16, #tpu.memory_space<vmem>> -> memref<1x400x128xbf16, #tpu.memory_space<vmem>>
      %dma_start3A_106 = tpu.memref_squeeze %dma_start3A_105 : memref<1x400x128xbf16, #tpu.memory_space<vmem>> -> memref<400x128xbf16, #tpu.memory_space<vmem>>
      %dma_start3A_107 = arith.constant 0 : i32
      %dma_start3A_108 = tpu.memref_slice %arg8[%dma_start3A_101, %dma_start3A_107] : memref<2x400xi32, #tpu.memory_space<vmem>> -> memref<1x400xi32, #tpu.memory_space<vmem>>
      %dma_start3A_109 = tpu.memref_squeeze %dma_start3A_108 : memref<1x400xi32, #tpu.memory_space<vmem>> -> memref<400xi32, #tpu.memory_space<vmem>>
      %dma_start3A_110 = arith.constant 0 : i32
      %dma_start3A_111 = arith.constant 0 : i32
      %dma_start3A_112 = tpu.memref_slice %arg2[%dma_start3A_110, %dma_start3A_111] : memref<20000x128xbf16, #tpu.memory_space<hbm>> -> memref<20000x128xbf16, #tpu.memory_space<hbm>>
      tpu.enqueue_indirect_dma source(%dma_start3A_112 : memref<20000x128xbf16, #tpu.memory_space<hbm>>) target(%dma_start3A_106 : memref<400x128xbf16, #tpu.memory_space<vmem>>) offsets(%dma_start3A_109 : memref<400xi32, #tpu.memory_space<vmem>>) semaphore(%arg12 : memref<!tpu.dma_semaphore, #tpu.memory_space<semaphore_mem>>)
      %run_scoped3A_113 = arith.constant 0 : i32
      "tpu.region"() ({
        %run_scoped3A_218 = tpu.sem_alloc : memref<!tpu.dma_semaphore, #tpu.memory_space<semaphore_mem>>
        %dma_start3A_219 = arith.constant 200 : i32
        %dma_start3A_220 = tpu.memref_slice %arg7[%run_scoped3A_113, %dma_start3A_219] : memref<2x400xi32, #tpu.memory_space<vmem>> -> memref<1x200xi32, #tpu.memory_space<vmem>>
        %dma_start3A_221 = tpu.memref_squeeze %dma_start3A_220 : memref<1x200xi32, #tpu.memory_space<vmem>> -> memref<200xi32, #tpu.memory_space<vmem>>
        %dma_start3A_222 = arith.constant 0 : i32
        %dma_start3A_223 = arith.constant 0 : i32
        %dma_start3A_224 = tpu.memref_slice %arg11[%dma_start3A_222, %dma_start3A_223] : memref<10240x160xbf16, #tpu.memory_space<vmem_shared>> -> memref<10240x160xbf16, #tpu.memory_space<vmem_shared>>
        tpu.enqueue_indirect_dma source(%arg10 : memref<200x160xbf16, #tpu.memory_space<vmem>>) target(%dma_start3A_224 : memref<10240x160xbf16, #tpu.memory_space<vmem_shared>>) offsets(%dma_start3A_221 : memref<200xi32, #tpu.memory_space<vmem>>) semaphore(%run_scoped3A_218 : memref<!tpu.dma_semaphore, #tpu.memory_space<semaphore_mem>>) {add = true}
        %dma_wait3A_225 = arith.constant 200 : i32
        %dma_wait3A_226 = tpu.memref_slice %arg7[%run_scoped3A_113, %dma_wait3A_225] : memref<2x400xi32, #tpu.memory_space<vmem>> -> memref<1x200xi32, #tpu.memory_space<vmem>>
        %dma_wait3A_227 = tpu.memref_squeeze %dma_wait3A_226 : memref<1x200xi32, #tpu.memory_space<vmem>> -> memref<200xi32, #tpu.memory_space<vmem>>
        %dma_wait3A_228 = arith.constant 0 : i32
        %dma_wait3A_229 = arith.constant 0 : i32
        %dma_wait3A_230 = tpu.memref_slice %arg11[%dma_wait3A_228, %dma_wait3A_229] : memref<10240x160xbf16, #tpu.memory_space<vmem_shared>> -> memref<10240x160xbf16, #tpu.memory_space<vmem_shared>>
        tpu.wait_indirect_dma semaphore(%run_scoped3A_218 : memref<!tpu.dma_semaphore, #tpu.memory_space<semaphore_mem>>) src(%arg10 : memref<200x160xbf16, #tpu.memory_space<vmem>>) dst(%dma_wait3A_230 : memref<10240x160xbf16, #tpu.memory_space<vmem_shared>>)
        tpu.yield
      }) : () -> ()
      %dma_wait3A_114 = arith.constant 1 : i32
      %dma_wait3A_115 = arith.constant 1 : i32
      %dma_wait3A_116 = arith.constant 0 : i32
      %dma_wait3A_117 = arith.constant 0 : i32
      %dma_wait3A_118 = tpu.memref_slice %arg9[%dma_wait3A_115, %dma_wait3A_116, %dma_wait3A_117] : memref<2x400x128xbf16, #tpu.memory_space<vmem>> -> memref<1x400x128xbf16, #tpu.memory_space<vmem>>
      %dma_wait3A_119 = tpu.memref_squeeze %dma_wait3A_118 : memref<1x400x128xbf16, #tpu.memory_space<vmem>> -> memref<400x128xbf16, #tpu.memory_space<vmem>>
      %dma_wait3A_120 = arith.constant 0 : i32
      %dma_wait3A_121 = tpu.memref_slice %arg7[%dma_wait3A_114, %dma_wait3A_120] : memref<2x400xi32, #tpu.memory_space<vmem>> -> memref<1x400xi32, #tpu.memory_space<vmem>>
      %dma_wait3A_122 = tpu.memref_squeeze %dma_wait3A_121 : memref<1x400xi32, #tpu.memory_space<vmem>> -> memref<400xi32, #tpu.memory_space<vmem>>
      %dma_wait3A_123 = arith.constant 0 : i32
      %dma_wait3A_124 = arith.constant 0 : i32
      %dma_wait3A_125 = tpu.memref_slice %arg2[%dma_wait3A_123, %dma_wait3A_124] : memref<20000x128xbf16, #tpu.memory_space<hbm>> -> memref<20000x128xbf16, #tpu.memory_space<hbm>>
      tpu.wait_indirect_dma semaphore(%arg13 : memref<!tpu.dma_semaphore, #tpu.memory_space<semaphore_mem>>) src(%dma_wait3A_125 : memref<20000x128xbf16, #tpu.memory_space<hbm>>) dst(%dma_wait3A_119 : memref<400x128xbf16, #tpu.memory_space<vmem>>)
      %parallel_loop3A_126 = arith.constant 0 : i32
      %parallel_loop3A_127 = arith.constant 200 : i32
      %parallel_loop3A_128 = arith.constant 1 : i32
      scf.for %parallel_loop3A_218 = %parallel_loop3A_126 to %parallel_loop3A_127 step %parallel_loop3A_128  : i32 {
        %parallel_loop3A_219 = arith.constant 1 : i32
        %parallel_loop3A_220 = arith.index_cast %parallel_loop3A_219 : i32 to index
        %parallel_loop3A_221 = arith.index_cast %parallel_loop3A_218 : i32 to index
        %parallel_loop3A_222 = arith.constant 0 : index
        %parallel_loop3A_223 = tpu.vector_load %arg9[%parallel_loop3A_220, %parallel_loop3A_221, %parallel_loop3A_222] {strides = array<i32>} : memref<2x400x128xbf16, #tpu.memory_space<vmem>>, vector<1x1x32xbf16>,
        %parallel_loop3A_224 = vector.shape_cast %parallel_loop3A_223 : vector<1x1x32xbf16> to vector<32xbf16>
        %parallel_loop3A_225 = arith.constant 200 : i32
        %parallel_loop3A_226 = arith.addi %parallel_loop3A_225, %parallel_loop3A_218 : i32
        %parallel_loop3A_227 = arith.constant 1 : i32
        %parallel_loop3A_228 = arith.index_cast %parallel_loop3A_227 : i32 to index
        %parallel_loop3A_229 = arith.index_cast %parallel_loop3A_226 : i32 to index
        %parallel_loop3A_230 = arith.constant 0 : index
        %parallel_loop3A_231 = tpu.vector_load %arg9[%parallel_loop3A_228, %parallel_loop3A_229, %parallel_loop3A_230] {strides = array<i32>} : memref<2x400x128xbf16, #tpu.memory_space<vmem>>, vector<1x1x32xbf16>,
        %parallel_loop3A_232 = vector.shape_cast %parallel_loop3A_231 : vector<1x1x32xbf16> to vector<32xbf16>
        %parallel_loop3A_233 = arith.addf %parallel_loop3A_224, %parallel_loop3A_232 : vector<32xbf16>
        %parallel_loop3A_234 = arith.constant 0.000000e+00 : bf16
        %parallel_loop3A_235 = vector.broadcast %parallel_loop3A_234 : bf16 to vector<32xbf16>
        %parallel_loop3A_236 = arith.maximumf %parallel_loop3A_233, %parallel_loop3A_235 : vector<32xbf16>
        %parallel_loop3A_237 = arith.index_cast %parallel_loop3A_218 : i32 to index
        %parallel_loop3A_238 = arith.constant 0 : index
        %parallel_loop3A_239 = tpu.vector_load %arg10[%parallel_loop3A_237, %parallel_loop3A_238] {strides = array<i32>} : memref<200x160xbf16, #tpu.memory_space<vmem>>, vector<1x32xbf16>,
        %parallel_loop3A_240 = vector.shape_cast %parallel_loop3A_239 : vector<1x32xbf16> to vector<32xbf16>
        %parallel_loop3A_241 = vector.shape_cast %parallel_loop3A_236 : vector<32xbf16> to vector<1x32xbf16>
        tpu.vector_store %arg10[%parallel_loop3A_237, %parallel_loop3A_238], %parallel_loop3A_241 {strides = array<i32>} : memref<200x160xbf16, #tpu.memory_space<vmem>>, vector<1x32xbf16>,
        %parallel_loop3A_242 = arith.constant 1 : i32
        %parallel_loop3A_243 = arith.index_cast %parallel_loop3A_242 : i32 to index
        %parallel_loop3A_244 = arith.index_cast %parallel_loop3A_218 : i32 to index
        %parallel_loop3A_245 = arith.constant 32 : index
        %parallel_loop3A_246 = tpu.vector_load %arg9[%parallel_loop3A_243, %parallel_loop3A_244, %parallel_loop3A_245] {strides = array<i32>} : memref<2x400x128xbf16, #tpu.memory_space<vmem>>, vector<1x1x32xbf16>,
        %parallel_loop3A_247 = vector.shape_cast %parallel_loop3A_246 : vector<1x1x32xbf16> to vector<32xbf16>
        %parallel_loop3A_248 = arith.constant 200 : i32
        %parallel_loop3A_249 = arith.addi %parallel_loop3A_248, %parallel_loop3A_218 : i32
        %parallel_loop3A_250 = arith.constant 1 : i32
        %parallel_loop3A_251 = arith.index_cast %parallel_loop3A_250 : i32 to index
        %parallel_loop3A_252 = arith.index_cast %parallel_loop3A_249 : i32 to index
        %parallel_loop3A_253 = arith.constant 32 : index
        %parallel_loop3A_254 = tpu.vector_load %arg9[%parallel_loop3A_251, %parallel_loop3A_252, %parallel_loop3A_253] {strides = array<i32>} : memref<2x400x128xbf16, #tpu.memory_space<vmem>>, vector<1x1x32xbf16>,
        %parallel_loop3A_255 = vector.shape_cast %parallel_loop3A_254 : vector<1x1x32xbf16> to vector<32xbf16>
        %parallel_loop3A_256 = arith.addf %parallel_loop3A_247, %parallel_loop3A_255 : vector<32xbf16>
        %parallel_loop3A_257 = arith.constant 0.000000e+00 : bf16
        %parallel_loop3A_258 = vector.broadcast %parallel_loop3A_257 : bf16 to vector<32xbf16>
        %parallel_loop3A_259 = arith.maximumf %parallel_loop3A_256, %parallel_loop3A_258 : vector<32xbf16>
        %parallel_loop3A_260 = arith.index_cast %parallel_loop3A_218 : i32 to index
        %parallel_loop3A_261 = arith.constant 32 : index
        %parallel_loop3A_262 = tpu.vector_load %arg10[%parallel_loop3A_260, %parallel_loop3A_261] {strides = array<i32>} : memref<200x160xbf16, #tpu.memory_space<vmem>>, vector<1x32xbf16>,
        %parallel_loop3A_263 = vector.shape_cast %parallel_loop3A_262 : vector<1x32xbf16> to vector<32xbf16>
        %parallel_loop3A_264 = vector.shape_cast %parallel_loop3A_259 : vector<32xbf16> to vector<1x32xbf16>
        tpu.vector_store %arg10[%parallel_loop3A_260, %parallel_loop3A_261], %parallel_loop3A_264 {strides = array<i32>} : memref<200x160xbf16, #tpu.memory_space<vmem>>, vector<1x32xbf16>,
        %parallel_loop3A_265 = arith.constant 1 : i32
        %parallel_loop3A_266 = arith.index_cast %parallel_loop3A_265 : i32 to index
        %parallel_loop3A_267 = arith.index_cast %parallel_loop3A_218 : i32 to index
        %parallel_loop3A_268 = arith.constant 64 : index
        %parallel_loop3A_269 = tpu.vector_load %arg9[%parallel_loop3A_266, %parallel_loop3A_267, %parallel_loop3A_268] {strides = array<i32>} : memref<2x400x128xbf16, #tpu.memory_space<vmem>>, vector<1x1x32xbf16>,
        %parallel_loop3A_270 = vector.shape_cast %parallel_loop3A_269 : vector<1x1x32xbf16> to vector<32xbf16>
        %parallel_loop3A_271 = arith.constant 200 : i32
        %parallel_loop3A_272 = arith.addi %parallel_loop3A_271, %parallel_loop3A_218 : i32
        %parallel_loop3A_273 = arith.constant 1 : i32
        %parallel_loop3A_274 = arith.index_cast %parallel_loop3A_273 : i32 to index
        %parallel_loop3A_275 = arith.index_cast %parallel_loop3A_272 : i32 to index
        %parallel_loop3A_276 = arith.constant 64 : index
        %parallel_loop3A_277 = tpu.vector_load %arg9[%parallel_loop3A_274, %parallel_loop3A_275, %parallel_loop3A_276] {strides = array<i32>} : memref<2x400x128xbf16, #tpu.memory_space<vmem>>, vector<1x1x32xbf16>,
        %parallel_loop3A_278 = vector.shape_cast %parallel_loop3A_277 : vector<1x1x32xbf16> to vector<32xbf16>
        %parallel_loop3A_279 = arith.addf %parallel_loop3A_270, %parallel_loop3A_278 : vector<32xbf16>
        %parallel_loop3A_280 = arith.constant 0.000000e+00 : bf16
        %parallel_loop3A_281 = vector.broadcast %parallel_loop3A_280 : bf16 to vector<32xbf16>
        %parallel_loop3A_282 = arith.maximumf %parallel_loop3A_279, %parallel_loop3A_281 : vector<32xbf16>
        %parallel_loop3A_283 = arith.index_cast %parallel_loop3A_218 : i32 to index
        %parallel_loop3A_284 = arith.constant 64 : index
        %parallel_loop3A_285 = tpu.vector_load %arg10[%parallel_loop3A_283, %parallel_loop3A_284] {strides = array<i32>} : memref<200x160xbf16, #tpu.memory_space<vmem>>, vector<1x32xbf16>,
        %parallel_loop3A_286 = vector.shape_cast %parallel_loop3A_285 : vector<1x32xbf16> to vector<32xbf16>
        %parallel_loop3A_287 = vector.shape_cast %parallel_loop3A_282 : vector<32xbf16> to vector<1x32xbf16>
        tpu.vector_store %arg10[%parallel_loop3A_283, %parallel_loop3A_284], %parallel_loop3A_287 {strides = array<i32>} : memref<200x160xbf16, #tpu.memory_space<vmem>>, vector<1x32xbf16>,
        %parallel_loop3A_288 = arith.constant 1 : i32
        %parallel_loop3A_289 = arith.index_cast %parallel_loop3A_288 : i32 to index
        %parallel_loop3A_290 = arith.index_cast %parallel_loop3A_218 : i32 to index
        %parallel_loop3A_291 = arith.constant 96 : index
        %parallel_loop3A_292 = tpu.vector_load %arg9[%parallel_loop3A_289, %parallel_loop3A_290, %parallel_loop3A_291] {strides = array<i32>} : memref<2x400x128xbf16, #tpu.memory_space<vmem>>, vector<1x1x32xbf16>,
        %parallel_loop3A_293 = vector.shape_cast %parallel_loop3A_292 : vector<1x1x32xbf16> to vector<32xbf16>
        %parallel_loop3A_294 = arith.constant 200 : i32
        %parallel_loop3A_295 = arith.addi %parallel_loop3A_294, %parallel_loop3A_218 : i32
        %parallel_loop3A_296 = arith.constant 1 : i32
        %parallel_loop3A_297 = arith.index_cast %parallel_loop3A_296 : i32 to index
        %parallel_loop3A_298 = arith.index_cast %parallel_loop3A_295 : i32 to index
        %parallel_loop3A_299 = arith.constant 96 : index
        %parallel_loop3A_300 = tpu.vector_load %arg9[%parallel_loop3A_297, %parallel_loop3A_298, %parallel_loop3A_299] {strides = array<i32>} : memref<2x400x128xbf16, #tpu.memory_space<vmem>>, vector<1x1x32xbf16>,
        %parallel_loop3A_301 = vector.shape_cast %parallel_loop3A_300 : vector<1x1x32xbf16> to vector<32xbf16>
        %parallel_loop3A_302 = arith.addf %parallel_loop3A_293, %parallel_loop3A_301 : vector<32xbf16>
        %parallel_loop3A_303 = arith.constant 0.000000e+00 : bf16
        %parallel_loop3A_304 = vector.broadcast %parallel_loop3A_303 : bf16 to vector<32xbf16>
        %parallel_loop3A_305 = arith.maximumf %parallel_loop3A_302, %parallel_loop3A_304 : vector<32xbf16>
        %parallel_loop3A_306 = arith.index_cast %parallel_loop3A_218 : i32 to index
        %parallel_loop3A_307 = arith.constant 96 : index
        %parallel_loop3A_308 = tpu.vector_load %arg10[%parallel_loop3A_306, %parallel_loop3A_307] {strides = array<i32>} : memref<200x160xbf16, #tpu.memory_space<vmem>>, vector<1x32xbf16>,
        %parallel_loop3A_309 = vector.shape_cast %parallel_loop3A_308 : vector<1x32xbf16> to vector<32xbf16>
        %parallel_loop3A_310 = vector.shape_cast %parallel_loop3A_305 : vector<32xbf16> to vector<1x32xbf16>
        tpu.vector_store %arg10[%parallel_loop3A_306, %parallel_loop3A_307], %parallel_loop3A_310 {strides = array<i32>} : memref<200x160xbf16, #tpu.memory_space<vmem>>, vector<1x32xbf16>,
      } {sc.loop_unroll_factor = 4 : i64, sc.parallel_access}
      %dma_start3A_129 = arith.constant 1 : i32
      %dma_start3A_130 = arith.constant 1 : i32
      %dma_start3A_131 = arith.constant 0 : i32
      %dma_start3A_132 = arith.constant 0 : i32
      %dma_start3A_133 = tpu.memref_slice %arg9[%dma_start3A_130, %dma_start3A_131, %dma_start3A_132] : memref<2x400x128xbf16, #tpu.memory_space<vmem>> -> memref<1x400x128xbf16, #tpu.memory_space<vmem>>
      %dma_start3A_134 = tpu.memref_squeeze %dma_start3A_133 : memref<1x400x128xbf16, #tpu.memory_space<vmem>> -> memref<400x128xbf16, #tpu.memory_space<vmem>>
      %dma_start3A_135 = arith.constant 0 : i32
      %dma_start3A_136 = tpu.memref_slice %arg8[%dma_start3A_129, %dma_start3A_135] : memref<2x400xi32, #tpu.memory_space<vmem>> -> memref<1x400xi32, #tpu.memory_space<vmem>>
      %dma_start3A_137 = tpu.memref_squeeze %dma_start3A_136 : memref<1x400xi32, #tpu.memory_space<vmem>> -> memref<400xi32, #tpu.memory_space<vmem>>
      %dma_start3A_138 = arith.constant 0 : i32
      %dma_start3A_139 = arith.constant 0 : i32
      %dma_start3A_140 = tpu.memref_slice %arg2[%dma_start3A_138, %dma_start3A_139] : memref<20000x128xbf16, #tpu.memory_space<hbm>> -> memref<20000x128xbf16, #tpu.memory_space<hbm>>
      tpu.enqueue_indirect_dma source(%dma_start3A_140 : memref<20000x128xbf16, #tpu.memory_space<hbm>>) target(%dma_start3A_134 : memref<400x128xbf16, #tpu.memory_space<vmem>>) offsets(%dma_start3A_137 : memref<400xi32, #tpu.memory_space<vmem>>) semaphore(%arg13 : memref<!tpu.dma_semaphore, #tpu.memory_space<semaphore_mem>>)
      %run_scoped3A_141 = arith.constant 1 : i32
      "tpu.region"() ({
        %run_scoped3A_218 = tpu.sem_alloc : memref<!tpu.dma_semaphore, #tpu.memory_space<semaphore_mem>>
        %dma_start3A_219 = arith.constant 200 : i32
        %dma_start3A_220 = tpu.memref_slice %arg7[%run_scoped3A_141, %dma_start3A_219] : memref<2x400xi32, #tpu.memory_space<vmem>> -> memref<1x200xi32, #tpu.memory_space<vmem>>
        %dma_start3A_221 = tpu.memref_squeeze %dma_start3A_220 : memref<1x200xi32, #tpu.memory_space<vmem>> -> memref<200xi32, #tpu.memory_space<vmem>>
        %dma_start3A_222 = arith.constant 0 : i32
        %dma_start3A_223 = arith.constant 0 : i32
        %dma_start3A_224 = tpu.memref_slice %arg11[%dma_start3A_222, %dma_start3A_223] : memref<10240x160xbf16, #tpu.memory_space<vmem_shared>> -> memref<10240x160xbf16, #tpu.memory_space<vmem_shared>>
        tpu.enqueue_indirect_dma source(%arg10 : memref<200x160xbf16, #tpu.memory_space<vmem>>) target(%dma_start3A_224 : memref<10240x160xbf16, #tpu.memory_space<vmem_shared>>) offsets(%dma_start3A_221 : memref<200xi32, #tpu.memory_space<vmem>>) semaphore(%run_scoped3A_218 : memref<!tpu.dma_semaphore, #tpu.memory_space<semaphore_mem>>) {add = true}
        %dma_wait3A_225 = arith.constant 200 : i32
        %dma_wait3A_226 = tpu.memref_slice %arg7[%run_scoped3A_141, %dma_wait3A_225] : memref<2x400xi32, #tpu.memory_space<vmem>> -> memref<1x200xi32, #tpu.memory_space<vmem>>
        %dma_wait3A_227 = tpu.memref_squeeze %dma_wait3A_226 : memref<1x200xi32, #tpu.memory_space<vmem>> -> memref<200xi32, #tpu.memory_space<vmem>>
        %dma_wait3A_228 = arith.constant 0 : i32
        %dma_wait3A_229 = arith.constant 0 : i32
        %dma_wait3A_230 = tpu.memref_slice %arg11[%dma_wait3A_228, %dma_wait3A_229] : memref<10240x160xbf16, #tpu.memory_space<vmem_shared>> -> memref<10240x160xbf16, #tpu.memory_space<vmem_shared>>
        tpu.wait_indirect_dma semaphore(%run_scoped3A_218 : memref<!tpu.dma_semaphore, #tpu.memory_space<semaphore_mem>>) src(%arg10 : memref<200x160xbf16, #tpu.memory_space<vmem>>) dst(%dma_wait3A_230 : memref<10240x160xbf16, #tpu.memory_space<vmem_shared>>)
        tpu.yield
      }) : () -> ()
      %add3A_142 = arith.constant 1 : i32
      %add3A_143 = arith.addi %mul3A_67, %add3A_142 : i32
      %add3A_144 = arith.constant 1 : i32
      %add3A_145 = arith.addi %add3A_143, %add3A_144 : i32
      %mul3A_146 = arith.constant 2 : i32
      %mul3A_147 = arith.muli %add3A_145, %mul3A_146 : i32
      %dma_start3A_148 = arith.constant 0 : i32
      %dma_start3A_149 = tpu.memref_slice %arg3[%add3A, %mul3A_147, %dma_start3A_148] : memref<32x50x400xi32, #tpu.memory_space<hbm>> -> memref<1x2x400xi32, #tpu.memory_space<hbm>>
      %dma_start3A_150 = tpu.memref_squeeze %dma_start3A_149 : memref<1x2x400xi32, #tpu.memory_space<hbm>> -> memref<2x400xi32, #tpu.memory_space<hbm>>
      %dma_start3A_151 = arith.constant 0 : i32
      %dma_start3A_152 = tpu.memref_slice %arg3[%add3A, %mul3A_147, %dma_start3A_151] : memref<32x50x400xi32, #tpu.memory_space<hbm>> -> memref<1x2x400xi32, #tpu.memory_space<hbm>>
      %dma_start3A_153 = tpu.memref_squeeze %dma_start3A_152 : memref<1x2x400xi32, #tpu.memory_space<hbm>> -> memref<2x400xi32, #tpu.memory_space<hbm>>
      tpu.enqueue_dma source(%dma_start3A_153 : memref<2x400xi32, #tpu.memory_space<hbm>>) target(%arg7 : memref<2x400xi32, #tpu.memory_space<vmem>>) target_semaphore(%arg14 : memref<!tpu.dma_semaphore, #tpu.memory_space<semaphore_mem>>)
      %dma_wait3A_154 = arith.constant 0 : i32
      %dma_wait3A_155 = arith.constant 0 : i32
      %dma_wait3A_156 = arith.constant 0 : i32
      %dma_wait3A_157 = arith.constant 0 : i32
      %dma_wait3A_158 = tpu.memref_slice %arg9[%dma_wait3A_155, %dma_wait3A_156, %dma_wait3A_157] : memref<2x400x128xbf16, #tpu.memory_space<vmem>> -> memref<1x400x128xbf16, #tpu.memory_space<vmem>>
      %dma_wait3A_159 = tpu.memref_squeeze %dma_wait3A_158 : memref<1x400x128xbf16, #tpu.memory_space<vmem>> -> memref<400x128xbf16, #tpu.memory_space<vmem>>
      %dma_wait3A_160 = arith.constant 0 : i32
      %dma_wait3A_161 = tpu.memref_slice %arg8[%dma_wait3A_154, %dma_wait3A_160] : memref<2x400xi32, #tpu.memory_space<vmem>> -> memref<1x400xi32, #tpu.memory_space<vmem>>
      %dma_wait3A_162 = tpu.memref_squeeze %dma_wait3A_161 : memref<1x400xi32, #tpu.memory_space<vmem>> -> memref<400xi32, #tpu.memory_space<vmem>>
      %dma_wait3A_163 = arith.constant 0 : i32
      %dma_wait3A_164 = arith.constant 0 : i32
      %dma_wait3A_165 = tpu.memref_slice %arg2[%dma_wait3A_163, %dma_wait3A_164] : memref<20000x128xbf16, #tpu.memory_space<hbm>> -> memref<20000x128xbf16, #tpu.memory_space<hbm>>
      tpu.wait_indirect_dma semaphore(%arg12 : memref<!tpu.dma_semaphore, #tpu.memory_space<semaphore_mem>>) src(%dma_wait3A_165 : memref<20000x128xbf16, #tpu.memory_space<hbm>>) dst(%dma_wait3A_159 : memref<400x128xbf16, #tpu.memory_space<vmem>>)
      %parallel_loop3A_166 = arith.constant 0 : i32
      %parallel_loop3A_167 = arith.constant 200 : i32
      %parallel_loop3A_168 = arith.constant 1 : i32
      scf.for %parallel_loop3A_218 = %parallel_loop3A_166 to %parallel_loop3A_167 step %parallel_loop3A_168  : i32 {
        %parallel_loop3A_219 = arith.constant 0 : i32
        %parallel_loop3A_220 = arith.index_cast %parallel_loop3A_219 : i32 to index
        %parallel_loop3A_221 = arith.index_cast %parallel_loop3A_218 : i32 to index
        %parallel_loop3A_222 = arith.constant 0 : index
        %parallel_loop3A_223 = tpu.vector_load %arg9[%parallel_loop3A_220, %parallel_loop3A_221, %parallel_loop3A_222] {strides = array<i32>} : memref<2x400x128xbf16, #tpu.memory_space<vmem>>, vector<1x1x32xbf16>,
        %parallel_loop3A_224 = vector.shape_cast %parallel_loop3A_223 : vector<1x1x32xbf16> to vector<32xbf16>
        %parallel_loop3A_225 = arith.constant 200 : i32
        %parallel_loop3A_226 = arith.addi %parallel_loop3A_225, %parallel_loop3A_218 : i32
        %parallel_loop3A_227 = arith.constant 0 : i32
        %parallel_loop3A_228 = arith.index_cast %parallel_loop3A_227 : i32 to index
        %parallel_loop3A_229 = arith.index_cast %parallel_loop3A_226 : i32 to index
        %parallel_loop3A_230 = arith.constant 0 : index
        %parallel_loop3A_231 = tpu.vector_load %arg9[%parallel_loop3A_228, %parallel_loop3A_229, %parallel_loop3A_230] {strides = array<i32>} : memref<2x400x128xbf16, #tpu.memory_space<vmem>>, vector<1x1x32xbf16>,
        %parallel_loop3A_232 = vector.shape_cast %parallel_loop3A_231 : vector<1x1x32xbf16> to vector<32xbf16>
        %parallel_loop3A_233 = arith.addf %parallel_loop3A_224, %parallel_loop3A_232 : vector<32xbf16>
        %parallel_loop3A_234 = arith.constant 0.000000e+00 : bf16
        %parallel_loop3A_235 = vector.broadcast %parallel_loop3A_234 : bf16 to vector<32xbf16>
        %parallel_loop3A_236 = arith.maximumf %parallel_loop3A_233, %parallel_loop3A_235 : vector<32xbf16>
        %parallel_loop3A_237 = arith.index_cast %parallel_loop3A_218 : i32 to index
        %parallel_loop3A_238 = arith.constant 0 : index
        %parallel_loop3A_239 = tpu.vector_load %arg10[%parallel_loop3A_237, %parallel_loop3A_238] {strides = array<i32>} : memref<200x160xbf16, #tpu.memory_space<vmem>>, vector<1x32xbf16>,
        %parallel_loop3A_240 = vector.shape_cast %parallel_loop3A_239 : vector<1x32xbf16> to vector<32xbf16>
        %parallel_loop3A_241 = vector.shape_cast %parallel_loop3A_236 : vector<32xbf16> to vector<1x32xbf16>
        tpu.vector_store %arg10[%parallel_loop3A_237, %parallel_loop3A_238], %parallel_loop3A_241 {strides = array<i32>} : memref<200x160xbf16, #tpu.memory_space<vmem>>, vector<1x32xbf16>,
        %parallel_loop3A_242 = arith.constant 0 : i32
        %parallel_loop3A_243 = arith.index_cast %parallel_loop3A_242 : i32 to index
        %parallel_loop3A_244 = arith.index_cast %parallel_loop3A_218 : i32 to index
        %parallel_loop3A_245 = arith.constant 32 : index
        %parallel_loop3A_246 = tpu.vector_load %arg9[%parallel_loop3A_243, %parallel_loop3A_244, %parallel_loop3A_245] {strides = array<i32>} : memref<2x400x128xbf16, #tpu.memory_space<vmem>>, vector<1x1x32xbf16>,
        %parallel_loop3A_247 = vector.shape_cast %parallel_loop3A_246 : vector<1x1x32xbf16> to vector<32xbf16>
        %parallel_loop3A_248 = arith.constant 200 : i32
        %parallel_loop3A_249 = arith.addi %parallel_loop3A_248, %parallel_loop3A_218 : i32
        %parallel_loop3A_250 = arith.constant 0 : i32
        %parallel_loop3A_251 = arith.index_cast %parallel_loop3A_250 : i32 to index
        %parallel_loop3A_252 = arith.index_cast %parallel_loop3A_249 : i32 to index
        %parallel_loop3A_253 = arith.constant 32 : index
        %parallel_loop3A_254 = tpu.vector_load %arg9[%parallel_loop3A_251, %parallel_loop3A_252, %parallel_loop3A_253] {strides = array<i32>} : memref<2x400x128xbf16, #tpu.memory_space<vmem>>, vector<1x1x32xbf16>,
        %parallel_loop3A_255 = vector.shape_cast %parallel_loop3A_254 : vector<1x1x32xbf16> to vector<32xbf16>
        %parallel_loop3A_256 = arith.addf %parallel_loop3A_247, %parallel_loop3A_255 : vector<32xbf16>
        %parallel_loop3A_257 = arith.constant 0.000000e+00 : bf16
        %parallel_loop3A_258 = vector.broadcast %parallel_loop3A_257 : bf16 to vector<32xbf16>
        %parallel_loop3A_259 = arith.maximumf %parallel_loop3A_256, %parallel_loop3A_258 : vector<32xbf16>
        %parallel_loop3A_260 = arith.index_cast %parallel_loop3A_218 : i32 to index
        %parallel_loop3A_261 = arith.constant 32 : index
        %parallel_loop3A_262 = tpu.vector_load %arg10[%parallel_loop3A_260, %parallel_loop3A_261] {strides = array<i32>} : memref<200x160xbf16, #tpu.memory_space<vmem>>, vector<1x32xbf16>,
        %parallel_loop3A_263 = vector.shape_cast %parallel_loop3A_262 : vector<1x32xbf16> to vector<32xbf16>
        %parallel_loop3A_264 = vector.shape_cast %parallel_loop3A_259 : vector<32xbf16> to vector<1x32xbf16>
        tpu.vector_store %arg10[%parallel_loop3A_260, %parallel_loop3A_261], %parallel_loop3A_264 {strides = array<i32>} : memref<200x160xbf16, #tpu.memory_space<vmem>>, vector<1x32xbf16>,
        %parallel_loop3A_265 = arith.constant 0 : i32
        %parallel_loop3A_266 = arith.index_cast %parallel_loop3A_265 : i32 to index
        %parallel_loop3A_267 = arith.index_cast %parallel_loop3A_218 : i32 to index
        %parallel_loop3A_268 = arith.constant 64 : index
        %parallel_loop3A_269 = tpu.vector_load %arg9[%parallel_loop3A_266, %parallel_loop3A_267, %parallel_loop3A_268] {strides = array<i32>} : memref<2x400x128xbf16, #tpu.memory_space<vmem>>, vector<1x1x32xbf16>,
        %parallel_loop3A_270 = vector.shape_cast %parallel_loop3A_269 : vector<1x1x32xbf16> to vector<32xbf16>
        %parallel_loop3A_271 = arith.constant 200 : i32
        %parallel_loop3A_272 = arith.addi %parallel_loop3A_271, %parallel_loop3A_218 : i32
        %parallel_loop3A_273 = arith.constant 0 : i32
        %parallel_loop3A_274 = arith.index_cast %parallel_loop3A_273 : i32 to index
        %parallel_loop3A_275 = arith.index_cast %parallel_loop3A_272 : i32 to index
        %parallel_loop3A_276 = arith.constant 64 : index
        %parallel_loop3A_277 = tpu.vector_load %arg9[%parallel_loop3A_274, %parallel_loop3A_275, %parallel_loop3A_276] {strides = array<i32>} : memref<2x400x128xbf16, #tpu.memory_space<vmem>>, vector<1x1x32xbf16>,
        %parallel_loop3A_278 = vector.shape_cast %parallel_loop3A_277 : vector<1x1x32xbf16> to vector<32xbf16>
        %parallel_loop3A_279 = arith.addf %parallel_loop3A_270, %parallel_loop3A_278 : vector<32xbf16>
        %parallel_loop3A_280 = arith.constant 0.000000e+00 : bf16
        %parallel_loop3A_281 = vector.broadcast %parallel_loop3A_280 : bf16 to vector<32xbf16>
        %parallel_loop3A_282 = arith.maximumf %parallel_loop3A_279, %parallel_loop3A_281 : vector<32xbf16>
        %parallel_loop3A_283 = arith.index_cast %parallel_loop3A_218 : i32 to index
        %parallel_loop3A_284 = arith.constant 64 : index
        %parallel_loop3A_285 = tpu.vector_load %arg10[%parallel_loop3A_283, %parallel_loop3A_284] {strides = array<i32>} : memref<200x160xbf16, #tpu.memory_space<vmem>>, vector<1x32xbf16>,
        %parallel_loop3A_286 = vector.shape_cast %parallel_loop3A_285 : vector<1x32xbf16> to vector<32xbf16>
        %parallel_loop3A_287 = vector.shape_cast %parallel_loop3A_282 : vector<32xbf16> to vector<1x32xbf16>
        tpu.vector_store %arg10[%parallel_loop3A_283, %parallel_loop3A_284], %parallel_loop3A_287 {strides = array<i32>} : memref<200x160xbf16, #tpu.memory_space<vmem>>, vector<1x32xbf16>,
        %parallel_loop3A_288 = arith.constant 0 : i32
        %parallel_loop3A_289 = arith.index_cast %parallel_loop3A_288 : i32 to index
        %parallel_loop3A_290 = arith.index_cast %parallel_loop3A_218 : i32 to index
        %parallel_loop3A_291 = arith.constant 96 : index
        %parallel_loop3A_292 = tpu.vector_load %arg9[%parallel_loop3A_289, %parallel_loop3A_290, %parallel_loop3A_291] {strides = array<i32>} : memref<2x400x128xbf16, #tpu.memory_space<vmem>>, vector<1x1x32xbf16>,
        %parallel_loop3A_293 = vector.shape_cast %parallel_loop3A_292 : vector<1x1x32xbf16> to vector<32xbf16>
        %parallel_loop3A_294 = arith.constant 200 : i32
        %parallel_loop3A_295 = arith.addi %parallel_loop3A_294, %parallel_loop3A_218 : i32
        %parallel_loop3A_296 = arith.constant 0 : i32
        %parallel_loop3A_297 = arith.index_cast %parallel_loop3A_296 : i32 to index
        %parallel_loop3A_298 = arith.index_cast %parallel_loop3A_295 : i32 to index
        %parallel_loop3A_299 = arith.constant 96 : index
        %parallel_loop3A_300 = tpu.vector_load %arg9[%parallel_loop3A_297, %parallel_loop3A_298, %parallel_loop3A_299] {strides = array<i32>} : memref<2x400x128xbf16, #tpu.memory_space<vmem>>, vector<1x1x32xbf16>,
        %parallel_loop3A_301 = vector.shape_cast %parallel_loop3A_300 : vector<1x1x32xbf16> to vector<32xbf16>
        %parallel_loop3A_302 = arith.addf %parallel_loop3A_293, %parallel_loop3A_301 : vector<32xbf16>
        %parallel_loop3A_303 = arith.constant 0.000000e+00 : bf16
        %parallel_loop3A_304 = vector.broadcast %parallel_loop3A_303 : bf16 to vector<32xbf16>
        %parallel_loop3A_305 = arith.maximumf %parallel_loop3A_302, %parallel_loop3A_304 : vector<32xbf16>
        %parallel_loop3A_306 = arith.index_cast %parallel_loop3A_218 : i32 to index
        %parallel_loop3A_307 = arith.constant 96 : index
        %parallel_loop3A_308 = tpu.vector_load %arg10[%parallel_loop3A_306, %parallel_loop3A_307] {strides = array<i32>} : memref<200x160xbf16, #tpu.memory_space<vmem>>, vector<1x32xbf16>,
        %parallel_loop3A_309 = vector.shape_cast %parallel_loop3A_308 : vector<1x32xbf16> to vector<32xbf16>
        %parallel_loop3A_310 = vector.shape_cast %parallel_loop3A_305 : vector<32xbf16> to vector<1x32xbf16>
        tpu.vector_store %arg10[%parallel_loop3A_306, %parallel_loop3A_307], %parallel_loop3A_310 {strides = array<i32>} : memref<200x160xbf16, #tpu.memory_space<vmem>>, vector<1x32xbf16>,
      } {sc.loop_unroll_factor = 4 : i64, sc.parallel_access}
      %dma_wait3A_169 = arith.constant 0 : i32
      %dma_wait3A_170 = arith.constant 0 : i32
      %dma_wait3A_171 = tpu.memref_slice %arg3[%add3A, %dma_wait3A_169, %dma_wait3A_170] : memref<32x50x400xi32, #tpu.memory_space<hbm>> -> memref<1x2x400xi32, #tpu.memory_space<hbm>>
      %dma_wait3A_172 = tpu.memref_squeeze %dma_wait3A_171 : memref<1x2x400xi32, #tpu.memory_space<hbm>> -> memref<2x400xi32, #tpu.memory_space<hbm>>
      %dma_wait3A_173 = arith.constant 0 : i32
      %dma_wait3A_174 = arith.constant 0 : i32
      %dma_wait3A_175 = tpu.memref_slice %arg3[%add3A, %dma_wait3A_173, %dma_wait3A_174] : memref<32x50x400xi32, #tpu.memory_space<hbm>> -> memref<1x2x400xi32, #tpu.memory_space<hbm>>
      %dma_wait3A_176 = tpu.memref_squeeze %dma_wait3A_175 : memref<1x2x400xi32, #tpu.memory_space<hbm>> -> memref<2x400xi32, #tpu.memory_space<hbm>>
      tpu.wait_dma2 semaphore(%arg14 : memref<!tpu.dma_semaphore, #tpu.memory_space<semaphore_mem>>) src(%dma_wait3A_176 : memref<2x400xi32, #tpu.memory_space<hbm>>) dst(%arg7 : memref<2x400xi32, #tpu.memory_space<vmem>>)
      %dma_start3A_177 = arith.constant 0 : i32
      %dma_start3A_178 = arith.constant 0 : i32
      %dma_start3A_179 = arith.constant 0 : i32
      %dma_start3A_180 = arith.constant 0 : i32
      %dma_start3A_181 = tpu.memref_slice %arg9[%dma_start3A_178, %dma_start3A_179, %dma_start3A_180] : memref<2x400x128xbf16, #tpu.memory_space<vmem>> -> memref<1x400x128xbf16, #tpu.memory_space<vmem>>
      %dma_start3A_182 = tpu.memref_squeeze %dma_start3A_181 : memref<1x400x128xbf16, #tpu.memory_space<vmem>> -> memref<400x128xbf16, #tpu.memory_space<vmem>>
      %dma_start3A_183 = arith.constant 0 : i32
      %dma_start3A_184 = tpu.memref_slice %arg7[%dma_start3A_177, %dma_start3A_183] : memref<2x400xi32, #tpu.memory_space<vmem>> -> memref<1x400xi32, #tpu.memory_space<vmem>>
      %dma_start3A_185 = tpu.memref_squeeze %dma_start3A_184 : memref<1x400xi32, #tpu.memory_space<vmem>> -> memref<400xi32, #tpu.memory_space<vmem>>
      %dma_start3A_186 = arith.constant 0 : i32
      %dma_start3A_187 = arith.constant 0 : i32
      %dma_start3A_188 = tpu.memref_slice %arg2[%dma_start3A_186, %dma_start3A_187] : memref<20000x128xbf16, #tpu.memory_space<hbm>> -> memref<20000x128xbf16, #tpu.memory_space<hbm>>
      tpu.enqueue_indirect_dma source(%dma_start3A_188 : memref<20000x128xbf16, #tpu.memory_space<hbm>>) target(%dma_start3A_182 : memref<400x128xbf16, #tpu.memory_space<vmem>>) offsets(%dma_start3A_185 : memref<400xi32, #tpu.memory_space<vmem>>) semaphore(%arg12 : memref<!tpu.dma_semaphore, #tpu.memory_space<semaphore_mem>>)
      %run_scoped3A_189 = arith.constant 0 : i32
      "tpu.region"() ({
        %run_scoped3A_218 = tpu.sem_alloc : memref<!tpu.dma_semaphore, #tpu.memory_space<semaphore_mem>>
        %dma_start3A_219 = arith.constant 200 : i32
        %dma_start3A_220 = tpu.memref_slice %arg8[%run_scoped3A_189, %dma_start3A_219] : memref<2x400xi32, #tpu.memory_space<vmem>> -> memref<1x200xi32, #tpu.memory_space<vmem>>
        %dma_start3A_221 = tpu.memref_squeeze %dma_start3A_220 : memref<1x200xi32, #tpu.memory_space<vmem>> -> memref<200xi32, #tpu.memory_space<vmem>>
        %dma_start3A_222 = arith.constant 0 : i32
        %dma_start3A_223 = arith.constant 0 : i32
        %dma_start3A_224 = tpu.memref_slice %arg11[%dma_start3A_222, %dma_start3A_223] : memref<10240x160xbf16, #tpu.memory_space<vmem_shared>> -> memref<10240x160xbf16, #tpu.memory_space<vmem_shared>>
        tpu.enqueue_indirect_dma source(%arg10 : memref<200x160xbf16, #tpu.memory_space<vmem>>) target(%dma_start3A_224 : memref<10240x160xbf16, #tpu.memory_space<vmem_shared>>) offsets(%dma_start3A_221 : memref<200xi32, #tpu.memory_space<vmem>>) semaphore(%run_scoped3A_218 : memref<!tpu.dma_semaphore, #tpu.memory_space<semaphore_mem>>) {add = true}
        %dma_wait3A_225 = arith.constant 200 : i32
        %dma_wait3A_226 = tpu.memref_slice %arg8[%run_scoped3A_189, %dma_wait3A_225] : memref<2x400xi32, #tpu.memory_space<vmem>> -> memref<1x200xi32, #tpu.memory_space<vmem>>
        %dma_wait3A_227 = tpu.memref_squeeze %dma_wait3A_226 : memref<1x200xi32, #tpu.memory_space<vmem>> -> memref<200xi32, #tpu.memory_space<vmem>>
        %dma_wait3A_228 = arith.constant 0 : i32
        %dma_wait3A_229 = arith.constant 0 : i32
        %dma_wait3A_230 = tpu.memref_slice %arg11[%dma_wait3A_228, %dma_wait3A_229] : memref<10240x160xbf16, #tpu.memory_space<vmem_shared>> -> memref<10240x160xbf16, #tpu.memory_space<vmem_shared>>
        tpu.wait_indirect_dma semaphore(%run_scoped3A_218 : memref<!tpu.dma_semaphore, #tpu.memory_space<semaphore_mem>>) src(%arg10 : memref<200x160xbf16, #tpu.memory_space<vmem>>) dst(%dma_wait3A_230 : memref<10240x160xbf16, #tpu.memory_space<vmem_shared>>)
        tpu.yield
      }) : () -> ()
      %dma_wait3A_190 = arith.constant 1 : i32
      %dma_wait3A_191 = arith.constant 1 : i32
      %dma_wait3A_192 = arith.constant 0 : i32
      %dma_wait3A_193 = arith.constant 0 : i32
      %dma_wait3A_194 = tpu.memref_slice %arg9[%dma_wait3A_191, %dma_wait3A_192, %dma_wait3A_193] : memref<2x400x128xbf16, #tpu.memory_space<vmem>> -> memref<1x400x128xbf16, #tpu.memory_space<vmem>>
      %dma_wait3A_195 = tpu.memref_squeeze %dma_wait3A_194 : memref<1x400x128xbf16, #tpu.memory_space<vmem>> -> memref<400x128xbf16, #tpu.memory_space<vmem>>
      %dma_wait3A_196 = arith.constant 0 : i32
      %dma_wait3A_197 = tpu.memref_slice %arg8[%dma_wait3A_190, %dma_wait3A_196] : memref<2x400xi32, #tpu.memory_space<vmem>> -> memref<1x400xi32, #tpu.memory_space<vmem>>
      %dma_wait3A_198 = tpu.memref_squeeze %dma_wait3A_197 : memref<1x400xi32, #tpu.memory_space<vmem>> -> memref<400xi32, #tpu.memory_space<vmem>>
      %dma_wait3A_199 = arith.constant 0 : i32
      %dma_wait3A_200 = arith.constant 0 : i32
      %dma_wait3A_201 = tpu.memref_slice %arg2[%dma_wait3A_199, %dma_wait3A_200] : memref<20000x128xbf16, #tpu.memory_space<hbm>> -> memref<20000x128xbf16, #tpu.memory_space<hbm>>
      tpu.wait_indirect_dma semaphore(%arg13 : memref<!tpu.dma_semaphore, #tpu.memory_space<semaphore_mem>>) src(%dma_wait3A_201 : memref<20000x128xbf16, #tpu.memory_space<hbm>>) dst(%dma_wait3A_195 : memref<400x128xbf16, #tpu.memory_space<vmem>>)
      %parallel_loop3A_202 = arith.constant 0 : i32
      %parallel_loop3A_203 = arith.constant 200 : i32
      %parallel_loop3A_204 = arith.constant 1 : i32
      scf.for %parallel_loop3A_218 = %parallel_loop3A_202 to %parallel_loop3A_203 step %parallel_loop3A_204  : i32 {
        %parallel_loop3A_219 = arith.constant 1 : i32
        %parallel_loop3A_220 = arith.index_cast %parallel_loop3A_219 : i32 to index
        %parallel_loop3A_221 = arith.index_cast %parallel_loop3A_218 : i32 to index
        %parallel_loop3A_222 = arith.constant 0 : index
        %parallel_loop3A_223 = tpu.vector_load %arg9[%parallel_loop3A_220, %parallel_loop3A_221, %parallel_loop3A_222] {strides = array<i32>} : memref<2x400x128xbf16, #tpu.memory_space<vmem>>, vector<1x1x32xbf16>,
        %parallel_loop3A_224 = vector.shape_cast %parallel_loop3A_223 : vector<1x1x32xbf16> to vector<32xbf16>
        %parallel_loop3A_225 = arith.constant 200 : i32
        %parallel_loop3A_226 = arith.addi %parallel_loop3A_225, %parallel_loop3A_218 : i32
        %parallel_loop3A_227 = arith.constant 1 : i32
        %parallel_loop3A_228 = arith.index_cast %parallel_loop3A_227 : i32 to index
        %parallel_loop3A_229 = arith.index_cast %parallel_loop3A_226 : i32 to index
        %parallel_loop3A_230 = arith.constant 0 : index
        %parallel_loop3A_231 = tpu.vector_load %arg9[%parallel_loop3A_228, %parallel_loop3A_229, %parallel_loop3A_230] {strides = array<i32>} : memref<2x400x128xbf16, #tpu.memory_space<vmem>>, vector<1x1x32xbf16>,
        %parallel_loop3A_232 = vector.shape_cast %parallel_loop3A_231 : vector<1x1x32xbf16> to vector<32xbf16>
        %parallel_loop3A_233 = arith.addf %parallel_loop3A_224, %parallel_loop3A_232 : vector<32xbf16>
        %parallel_loop3A_234 = arith.constant 0.000000e+00 : bf16
        %parallel_loop3A_235 = vector.broadcast %parallel_loop3A_234 : bf16 to vector<32xbf16>
        %parallel_loop3A_236 = arith.maximumf %parallel_loop3A_233, %parallel_loop3A_235 : vector<32xbf16>
        %parallel_loop3A_237 = arith.index_cast %parallel_loop3A_218 : i32 to index
        %parallel_loop3A_238 = arith.constant 0 : index
        %parallel_loop3A_239 = tpu.vector_load %arg10[%parallel_loop3A_237, %parallel_loop3A_238] {strides = array<i32>} : memref<200x160xbf16, #tpu.memory_space<vmem>>, vector<1x32xbf16>,
        %parallel_loop3A_240 = vector.shape_cast %parallel_loop3A_239 : vector<1x32xbf16> to vector<32xbf16>
        %parallel_loop3A_241 = vector.shape_cast %parallel_loop3A_236 : vector<32xbf16> to vector<1x32xbf16>
        tpu.vector_store %arg10[%parallel_loop3A_237, %parallel_loop3A_238], %parallel_loop3A_241 {strides = array<i32>} : memref<200x160xbf16, #tpu.memory_space<vmem>>, vector<1x32xbf16>,
        %parallel_loop3A_242 = arith.constant 1 : i32
        %parallel_loop3A_243 = arith.index_cast %parallel_loop3A_242 : i32 to index
        %parallel_loop3A_244 = arith.index_cast %parallel_loop3A_218 : i32 to index
        %parallel_loop3A_245 = arith.constant 32 : index
        %parallel_loop3A_246 = tpu.vector_load %arg9[%parallel_loop3A_243, %parallel_loop3A_244, %parallel_loop3A_245] {strides = array<i32>} : memref<2x400x128xbf16, #tpu.memory_space<vmem>>, vector<1x1x32xbf16>,
        %parallel_loop3A_247 = vector.shape_cast %parallel_loop3A_246 : vector<1x1x32xbf16> to vector<32xbf16>
        %parallel_loop3A_248 = arith.constant 200 : i32
        %parallel_loop3A_249 = arith.addi %parallel_loop3A_248, %parallel_loop3A_218 : i32
        %parallel_loop3A_250 = arith.constant 1 : i32
        %parallel_loop3A_251 = arith.index_cast %parallel_loop3A_250 : i32 to index
        %parallel_loop3A_252 = arith.index_cast %parallel_loop3A_249 : i32 to index
        %parallel_loop3A_253 = arith.constant 32 : index
        %parallel_loop3A_254 = tpu.vector_load %arg9[%parallel_loop3A_251, %parallel_loop3A_252, %parallel_loop3A_253] {strides = array<i32>} : memref<2x400x128xbf16, #tpu.memory_space<vmem>>, vector<1x1x32xbf16>,
        %parallel_loop3A_255 = vector.shape_cast %parallel_loop3A_254 : vector<1x1x32xbf16> to vector<32xbf16>
        %parallel_loop3A_256 = arith.addf %parallel_loop3A_247, %parallel_loop3A_255 : vector<32xbf16>
        %parallel_loop3A_257 = arith.constant 0.000000e+00 : bf16
        %parallel_loop3A_258 = vector.broadcast %parallel_loop3A_257 : bf16 to vector<32xbf16>
        %parallel_loop3A_259 = arith.maximumf %parallel_loop3A_256, %parallel_loop3A_258 : vector<32xbf16>
        %parallel_loop3A_260 = arith.index_cast %parallel_loop3A_218 : i32 to index
        %parallel_loop3A_261 = arith.constant 32 : index
        %parallel_loop3A_262 = tpu.vector_load %arg10[%parallel_loop3A_260, %parallel_loop3A_261] {strides = array<i32>} : memref<200x160xbf16, #tpu.memory_space<vmem>>, vector<1x32xbf16>,
        %parallel_loop3A_263 = vector.shape_cast %parallel_loop3A_262 : vector<1x32xbf16> to vector<32xbf16>
        %parallel_loop3A_264 = vector.shape_cast %parallel_loop3A_259 : vector<32xbf16> to vector<1x32xbf16>
        tpu.vector_store %arg10[%parallel_loop3A_260, %parallel_loop3A_261], %parallel_loop3A_264 {strides = array<i32>} : memref<200x160xbf16, #tpu.memory_space<vmem>>, vector<1x32xbf16>,
        %parallel_loop3A_265 = arith.constant 1 : i32
        %parallel_loop3A_266 = arith.index_cast %parallel_loop3A_265 : i32 to index
        %parallel_loop3A_267 = arith.index_cast %parallel_loop3A_218 : i32 to index
        %parallel_loop3A_268 = arith.constant 64 : index
        %parallel_loop3A_269 = tpu.vector_load %arg9[%parallel_loop3A_266, %parallel_loop3A_267, %parallel_loop3A_268] {strides = array<i32>} : memref<2x400x128xbf16, #tpu.memory_space<vmem>>, vector<1x1x32xbf16>,
        %parallel_loop3A_270 = vector.shape_cast %parallel_loop3A_269 : vector<1x1x32xbf16> to vector<32xbf16>
        %parallel_loop3A_271 = arith.constant 200 : i32
        %parallel_loop3A_272 = arith.addi %parallel_loop3A_271, %parallel_loop3A_218 : i32
        %parallel_loop3A_273 = arith.constant 1 : i32
        %parallel_loop3A_274 = arith.index_cast %parallel_loop3A_273 : i32 to index
        %parallel_loop3A_275 = arith.index_cast %parallel_loop3A_272 : i32 to index
        %parallel_loop3A_276 = arith.constant 64 : index
        %parallel_loop3A_277 = tpu.vector_load %arg9[%parallel_loop3A_274, %parallel_loop3A_275, %parallel_loop3A_276] {strides = array<i32>} : memref<2x400x128xbf16, #tpu.memory_space<vmem>>, vector<1x1x32xbf16>,
        %parallel_loop3A_278 = vector.shape_cast %parallel_loop3A_277 : vector<1x1x32xbf16> to vector<32xbf16>
        %parallel_loop3A_279 = arith.addf %parallel_loop3A_270, %parallel_loop3A_278 : vector<32xbf16>
        %parallel_loop3A_280 = arith.constant 0.000000e+00 : bf16
        %parallel_loop3A_281 = vector.broadcast %parallel_loop3A_280 : bf16 to vector<32xbf16>
        %parallel_loop3A_282 = arith.maximumf %parallel_loop3A_279, %parallel_loop3A_281 : vector<32xbf16>
        %parallel_loop3A_283 = arith.index_cast %parallel_loop3A_218 : i32 to index
        %parallel_loop3A_284 = arith.constant 64 : index
        %parallel_loop3A_285 = tpu.vector_load %arg10[%parallel_loop3A_283, %parallel_loop3A_284] {strides = array<i32>} : memref<200x160xbf16, #tpu.memory_space<vmem>>, vector<1x32xbf16>,
        %parallel_loop3A_286 = vector.shape_cast %parallel_loop3A_285 : vector<1x32xbf16> to vector<32xbf16>
        %parallel_loop3A_287 = vector.shape_cast %parallel_loop3A_282 : vector<32xbf16> to vector<1x32xbf16>
        tpu.vector_store %arg10[%parallel_loop3A_283, %parallel_loop3A_284], %parallel_loop3A_287 {strides = array<i32>} : memref<200x160xbf16, #tpu.memory_space<vmem>>, vector<1x32xbf16>,
        %parallel_loop3A_288 = arith.constant 1 : i32
        %parallel_loop3A_289 = arith.index_cast %parallel_loop3A_288 : i32 to index
        %parallel_loop3A_290 = arith.index_cast %parallel_loop3A_218 : i32 to index
        %parallel_loop3A_291 = arith.constant 96 : index
        %parallel_loop3A_292 = tpu.vector_load %arg9[%parallel_loop3A_289, %parallel_loop3A_290, %parallel_loop3A_291] {strides = array<i32>} : memref<2x400x128xbf16, #tpu.memory_space<vmem>>, vector<1x1x32xbf16>,
        %parallel_loop3A_293 = vector.shape_cast %parallel_loop3A_292 : vector<1x1x32xbf16> to vector<32xbf16>
        %parallel_loop3A_294 = arith.constant 200 : i32
        %parallel_loop3A_295 = arith.addi %parallel_loop3A_294, %parallel_loop3A_218 : i32
        %parallel_loop3A_296 = arith.constant 1 : i32
        %parallel_loop3A_297 = arith.index_cast %parallel_loop3A_296 : i32 to index
        %parallel_loop3A_298 = arith.index_cast %parallel_loop3A_295 : i32 to index
        %parallel_loop3A_299 = arith.constant 96 : index
        %parallel_loop3A_300 = tpu.vector_load %arg9[%parallel_loop3A_297, %parallel_loop3A_298, %parallel_loop3A_299] {strides = array<i32>} : memref<2x400x128xbf16, #tpu.memory_space<vmem>>, vector<1x1x32xbf16>,
        %parallel_loop3A_301 = vector.shape_cast %parallel_loop3A_300 : vector<1x1x32xbf16> to vector<32xbf16>
        %parallel_loop3A_302 = arith.addf %parallel_loop3A_293, %parallel_loop3A_301 : vector<32xbf16>
        %parallel_loop3A_303 = arith.constant 0.000000e+00 : bf16
        %parallel_loop3A_304 = vector.broadcast %parallel_loop3A_303 : bf16 to vector<32xbf16>
        %parallel_loop3A_305 = arith.maximumf %parallel_loop3A_302, %parallel_loop3A_304 : vector<32xbf16>
        %parallel_loop3A_306 = arith.index_cast %parallel_loop3A_218 : i32 to index
        %parallel_loop3A_307 = arith.constant 96 : index
        %parallel_loop3A_308 = tpu.vector_load %arg10[%parallel_loop3A_306, %parallel_loop3A_307] {strides = array<i32>} : memref<200x160xbf16, #tpu.memory_space<vmem>>, vector<1x32xbf16>,
        %parallel_loop3A_309 = vector.shape_cast %parallel_loop3A_308 : vector<1x32xbf16> to vector<32xbf16>
        %parallel_loop3A_310 = vector.shape_cast %parallel_loop3A_305 : vector<32xbf16> to vector<1x32xbf16>
        tpu.vector_store %arg10[%parallel_loop3A_306, %parallel_loop3A_307], %parallel_loop3A_310 {strides = array<i32>} : memref<200x160xbf16, #tpu.memory_space<vmem>>, vector<1x32xbf16>,
      } {sc.loop_unroll_factor = 4 : i64, sc.parallel_access}
      %dma_start3A_205 = arith.constant 1 : i32
      %dma_start3A_206 = arith.constant 1 : i32
      %dma_start3A_207 = arith.constant 0 : i32
      %dma_start3A_208 = arith.constant 0 : i32
      %dma_start3A_209 = tpu.memref_slice %arg9[%dma_start3A_206, %dma_start3A_207, %dma_start3A_208] : memref<2x400x128xbf16, #tpu.memory_space<vmem>> -> memref<1x400x128xbf16, #tpu.memory_space<vmem>>
      %dma_start3A_210 = tpu.memref_squeeze %dma_start3A_209 : memref<1x400x128xbf16, #tpu.memory_space<vmem>> -> memref<400x128xbf16, #tpu.memory_space<vmem>>
      %dma_start3A_211 = arith.constant 0 : i32
      %dma_start3A_212 = tpu.memref_slice %arg7[%dma_start3A_205, %dma_start3A_211] : memref<2x400xi32, #tpu.memory_space<vmem>> -> memref<1x400xi32, #tpu.memory_space<vmem>>
      %dma_start3A_213 = tpu.memref_squeeze %dma_start3A_212 : memref<1x400xi32, #tpu.memory_space<vmem>> -> memref<400xi32, #tpu.memory_space<vmem>>
      %dma_start3A_214 = arith.constant 0 : i32
      %dma_start3A_215 = arith.constant 0 : i32
      %dma_start3A_216 = tpu.memref_slice %arg2[%dma_start3A_214, %dma_start3A_215] : memref<20000x128xbf16, #tpu.memory_space<hbm>> -> memref<20000x128xbf16, #tpu.memory_space<hbm>>
      tpu.enqueue_indirect_dma source(%dma_start3A_216 : memref<20000x128xbf16, #tpu.memory_space<hbm>>) target(%dma_start3A_210 : memref<400x128xbf16, #tpu.memory_space<vmem>>) offsets(%dma_start3A_213 : memref<400xi32, #tpu.memory_space<vmem>>) semaphore(%arg13 : memref<!tpu.dma_semaphore, #tpu.memory_space<semaphore_mem>>)
      %run_scoped3A_217 = arith.constant 1 : i32
      "tpu.region"() ({
        %run_scoped3A_218 = tpu.sem_alloc : memref<!tpu.dma_semaphore, #tpu.memory_space<semaphore_mem>>
        %dma_start3A_219 = arith.constant 200 : i32
        %dma_start3A_220 = tpu.memref_slice %arg8[%run_scoped3A_217, %dma_start3A_219] : memref<2x400xi32, #tpu.memory_space<vmem>> -> memref<1x200xi32, #tpu.memory_space<vmem>>
        %dma_start3A_221 = tpu.memref_squeeze %dma_start3A_220 : memref<1x200xi32, #tpu.memory_space<vmem>> -> memref<200xi32, #tpu.memory_space<vmem>>
        %dma_start3A_222 = arith.constant 0 : i32
        %dma_start3A_223 = arith.constant 0 : i32
        %dma_start3A_224 = tpu.memref_slice %arg11[%dma_start3A_222, %dma_start3A_223] : memref<10240x160xbf16, #tpu.memory_space<vmem_shared>> -> memref<10240x160xbf16, #tpu.memory_space<vmem_shared>>
        tpu.enqueue_indirect_dma source(%arg10 : memref<200x160xbf16, #tpu.memory_space<vmem>>) target(%dma_start3A_224 : memref<10240x160xbf16, #tpu.memory_space<vmem_shared>>) offsets(%dma_start3A_221 : memref<200xi32, #tpu.memory_space<vmem>>) semaphore(%run_scoped3A_218 : memref<!tpu.dma_semaphore, #tpu.memory_space<semaphore_mem>>) {add = true}
        %dma_wait3A_225 = arith.constant 200 : i32
        %dma_wait3A_226 = tpu.memref_slice %arg8[%run_scoped3A_217, %dma_wait3A_225] : memref<2x400xi32, #tpu.memory_space<vmem>> -> memref<1x200xi32, #tpu.memory_space<vmem>>
        %dma_wait3A_227 = tpu.memref_squeeze %dma_wait3A_226 : memref<1x200xi32, #tpu.memory_space<vmem>> -> memref<200xi32, #tpu.memory_space<vmem>>
        %dma_wait3A_228 = arith.constant 0 : i32
        %dma_wait3A_229 = arith.constant 0 : i32
        %dma_wait3A_230 = tpu.memref_slice %arg11[%dma_wait3A_228, %dma_wait3A_229] : memref<10240x160xbf16, #tpu.memory_space<vmem_shared>> -> memref<10240x160xbf16, #tpu.memory_space<vmem_shared>>
        tpu.wait_indirect_dma semaphore(%run_scoped3A_218 : memref<!tpu.dma_semaphore, #tpu.memory_space<semaphore_mem>>) src(%arg10 : memref<200x160xbf16, #tpu.memory_space<vmem>>) dst(%dma_wait3A_230 : memref<10240x160xbf16, #tpu.memory_space<vmem_shared>>)
        tpu.yield
      }) : () -> ()
    }
    %scan3A_30 = arith.constant 12 : i32
    %dma_wait3A = arith.constant 0 : i32
    %dma_wait3A_31 = arith.constant 0 : i32
    %dma_wait3A_32 = arith.constant 0 : i32
    %dma_wait3A_33 = arith.constant 0 : i32
    %dma_wait3A_34 = tpu.memref_slice %arg9[%dma_wait3A_31, %dma_wait3A_32, %dma_wait3A_33] : memref<2x400x128xbf16, #tpu.memory_space<vmem>> -> memref<1x400x128xbf16, #tpu.memory_space<vmem>>
    %dma_wait3A_35 = tpu.memref_squeeze %dma_wait3A_34 : memref<1x400x128xbf16, #tpu.memory_space<vmem>> -> memref<400x128xbf16, #tpu.memory_space<vmem>>
    %dma_wait3A_36 = arith.constant 0 : i32
    %dma_wait3A_37 = tpu.memref_slice %arg7[%dma_wait3A, %dma_wait3A_36] : memref<2x400xi32, #tpu.memory_space<vmem>> -> memref<1x400xi32, #tpu.memory_space<vmem>>
    %dma_wait3A_38 = tpu.memref_squeeze %dma_wait3A_37 : memref<1x400xi32, #tpu.memory_space<vmem>> -> memref<400xi32, #tpu.memory_space<vmem>>
    %dma_wait3A_39 = arith.constant 0 : i32
    %dma_wait3A_40 = arith.constant 0 : i32
    %dma_wait3A_41 = tpu.memref_slice %arg2[%dma_wait3A_39, %dma_wait3A_40] : memref<20000x128xbf16, #tpu.memory_space<hbm>> -> memref<20000x128xbf16, #tpu.memory_space<hbm>>
    tpu.wait_indirect_dma semaphore(%arg12 : memref<!tpu.dma_semaphore, #tpu.memory_space<semaphore_mem>>) src(%dma_wait3A_41 : memref<20000x128xbf16, #tpu.memory_space<hbm>>) dst(%dma_wait3A_35 : memref<400x128xbf16, #tpu.memory_space<vmem>>)
    %parallel_loop3A = arith.constant 0 : i32
    %parallel_loop3A_42 = arith.constant 200 : i32
    %parallel_loop3A_43 = arith.constant 1 : i32
    scf.for %parallel_loop3A_65 = %parallel_loop3A to %parallel_loop3A_42 step %parallel_loop3A_43  : i32 {
      %parallel_loop3A_66 = arith.constant 0 : i32
      %parallel_loop3A_67 = arith.index_cast %parallel_loop3A_66 : i32 to index
      %parallel_loop3A_68 = arith.index_cast %parallel_loop3A_65 : i32 to index
      %parallel_loop3A_69 = arith.constant 0 : index
      %parallel_loop3A_70 = tpu.vector_load %arg9[%parallel_loop3A_67, %parallel_loop3A_68, %parallel_loop3A_69] {strides = array<i32>} : memref<2x400x128xbf16, #tpu.memory_space<vmem>>, vector<1x1x32xbf16>,
      %parallel_loop3A_71 = vector.shape_cast %parallel_loop3A_70 : vector<1x1x32xbf16> to vector<32xbf16>
      %parallel_loop3A_72 = arith.constant 200 : i32
      %parallel_loop3A_73 = arith.addi %parallel_loop3A_72, %parallel_loop3A_65 : i32
      %parallel_loop3A_74 = arith.constant 0 : i32
      %parallel_loop3A_75 = arith.index_cast %parallel_loop3A_74 : i32 to index
      %parallel_loop3A_76 = arith.index_cast %parallel_loop3A_73 : i32 to index
      %parallel_loop3A_77 = arith.constant 0 : index
      %parallel_loop3A_78 = tpu.vector_load %arg9[%parallel_loop3A_75, %parallel_loop3A_76, %parallel_loop3A_77] {strides = array<i32>} : memref<2x400x128xbf16, #tpu.memory_space<vmem>>, vector<1x1x32xbf16>,
      %parallel_loop3A_79 = vector.shape_cast %parallel_loop3A_78 : vector<1x1x32xbf16> to vector<32xbf16>
      %parallel_loop3A_80 = arith.addf %parallel_loop3A_71, %parallel_loop3A_79 : vector<32xbf16>
      %parallel_loop3A_81 = arith.constant 0.000000e+00 : bf16
      %parallel_loop3A_82 = vector.broadcast %parallel_loop3A_81 : bf16 to vector<32xbf16>
      %parallel_loop3A_83 = arith.maximumf %parallel_loop3A_80, %parallel_loop3A_82 : vector<32xbf16>
      %parallel_loop3A_84 = arith.index_cast %parallel_loop3A_65 : i32 to index
      %parallel_loop3A_85 = arith.constant 0 : index
      %parallel_loop3A_86 = tpu.vector_load %arg10[%parallel_loop3A_84, %parallel_loop3A_85] {strides = array<i32>} : memref<200x160xbf16, #tpu.memory_space<vmem>>, vector<1x32xbf16>,
      %parallel_loop3A_87 = vector.shape_cast %parallel_loop3A_86 : vector<1x32xbf16> to vector<32xbf16>
      %parallel_loop3A_88 = vector.shape_cast %parallel_loop3A_83 : vector<32xbf16> to vector<1x32xbf16>
      tpu.vector_store %arg10[%parallel_loop3A_84, %parallel_loop3A_85], %parallel_loop3A_88 {strides = array<i32>} : memref<200x160xbf16, #tpu.memory_space<vmem>>, vector<1x32xbf16>,
      %parallel_loop3A_89 = arith.constant 0 : i32
      %parallel_loop3A_90 = arith.index_cast %parallel_loop3A_89 : i32 to index
      %parallel_loop3A_91 = arith.index_cast %parallel_loop3A_65 : i32 to index
      %parallel_loop3A_92 = arith.constant 32 : index
      %parallel_loop3A_93 = tpu.vector_load %arg9[%parallel_loop3A_90, %parallel_loop3A_91, %parallel_loop3A_92] {strides = array<i32>} : memref<2x400x128xbf16, #tpu.memory_space<vmem>>, vector<1x1x32xbf16>,
      %parallel_loop3A_94 = vector.shape_cast %parallel_loop3A_93 : vector<1x1x32xbf16> to vector<32xbf16>
      %parallel_loop3A_95 = arith.constant 200 : i32
      %parallel_loop3A_96 = arith.addi %parallel_loop3A_95, %parallel_loop3A_65 : i32
      %parallel_loop3A_97 = arith.constant 0 : i32
      %parallel_loop3A_98 = arith.index_cast %parallel_loop3A_97 : i32 to index
      %parallel_loop3A_99 = arith.index_cast %parallel_loop3A_96 : i32 to index
      %parallel_loop3A_100 = arith.constant 32 : index
      %parallel_loop3A_101 = tpu.vector_load %arg9[%parallel_loop3A_98, %parallel_loop3A_99, %parallel_loop3A_100] {strides = array<i32>} : memref<2x400x128xbf16, #tpu.memory_space<vmem>>, vector<1x1x32xbf16>,
      %parallel_loop3A_102 = vector.shape_cast %parallel_loop3A_101 : vector<1x1x32xbf16> to vector<32xbf16>
      %parallel_loop3A_103 = arith.addf %parallel_loop3A_94, %parallel_loop3A_102 : vector<32xbf16>
      %parallel_loop3A_104 = arith.constant 0.000000e+00 : bf16
      %parallel_loop3A_105 = vector.broadcast %parallel_loop3A_104 : bf16 to vector<32xbf16>
      %parallel_loop3A_106 = arith.maximumf %parallel_loop3A_103, %parallel_loop3A_105 : vector<32xbf16>
      %parallel_loop3A_107 = arith.index_cast %parallel_loop3A_65 : i32 to index
      %parallel_loop3A_108 = arith.constant 32 : index
      %parallel_loop3A_109 = tpu.vector_load %arg10[%parallel_loop3A_107, %parallel_loop3A_108] {strides = array<i32>} : memref<200x160xbf16, #tpu.memory_space<vmem>>, vector<1x32xbf16>,
      %parallel_loop3A_110 = vector.shape_cast %parallel_loop3A_109 : vector<1x32xbf16> to vector<32xbf16>
      %parallel_loop3A_111 = vector.shape_cast %parallel_loop3A_106 : vector<32xbf16> to vector<1x32xbf16>
      tpu.vector_store %arg10[%parallel_loop3A_107, %parallel_loop3A_108], %parallel_loop3A_111 {strides = array<i32>} : memref<200x160xbf16, #tpu.memory_space<vmem>>, vector<1x32xbf16>,
      %parallel_loop3A_112 = arith.constant 0 : i32
      %parallel_loop3A_113 = arith.index_cast %parallel_loop3A_112 : i32 to index
      %parallel_loop3A_114 = arith.index_cast %parallel_loop3A_65 : i32 to index
      %parallel_loop3A_115 = arith.constant 64 : index
      %parallel_loop3A_116 = tpu.vector_load %arg9[%parallel_loop3A_113, %parallel_loop3A_114, %parallel_loop3A_115] {strides = array<i32>} : memref<2x400x128xbf16, #tpu.memory_space<vmem>>, vector<1x1x32xbf16>,
      %parallel_loop3A_117 = vector.shape_cast %parallel_loop3A_116 : vector<1x1x32xbf16> to vector<32xbf16>
      %parallel_loop3A_118 = arith.constant 200 : i32
      %parallel_loop3A_119 = arith.addi %parallel_loop3A_118, %parallel_loop3A_65 : i32
      %parallel_loop3A_120 = arith.constant 0 : i32
      %parallel_loop3A_121 = arith.index_cast %parallel_loop3A_120 : i32 to index
      %parallel_loop3A_122 = arith.index_cast %parallel_loop3A_119 : i32 to index
      %parallel_loop3A_123 = arith.constant 64 : index
      %parallel_loop3A_124 = tpu.vector_load %arg9[%parallel_loop3A_121, %parallel_loop3A_122, %parallel_loop3A_123] {strides = array<i32>} : memref<2x400x128xbf16, #tpu.memory_space<vmem>>, vector<1x1x32xbf16>,
      %parallel_loop3A_125 = vector.shape_cast %parallel_loop3A_124 : vector<1x1x32xbf16> to vector<32xbf16>
      %parallel_loop3A_126 = arith.addf %parallel_loop3A_117, %parallel_loop3A_125 : vector<32xbf16>
      %parallel_loop3A_127 = arith.constant 0.000000e+00 : bf16
      %parallel_loop3A_128 = vector.broadcast %parallel_loop3A_127 : bf16 to vector<32xbf16>
      %parallel_loop3A_129 = arith.maximumf %parallel_loop3A_126, %parallel_loop3A_128 : vector<32xbf16>
      %parallel_loop3A_130 = arith.index_cast %parallel_loop3A_65 : i32 to index
      %parallel_loop3A_131 = arith.constant 64 : index
      %parallel_loop3A_132 = tpu.vector_load %arg10[%parallel_loop3A_130, %parallel_loop3A_131] {strides = array<i32>} : memref<200x160xbf16, #tpu.memory_space<vmem>>, vector<1x32xbf16>,
      %parallel_loop3A_133 = vector.shape_cast %parallel_loop3A_132 : vector<1x32xbf16> to vector<32xbf16>
      %parallel_loop3A_134 = vector.shape_cast %parallel_loop3A_129 : vector<32xbf16> to vector<1x32xbf16>
      tpu.vector_store %arg10[%parallel_loop3A_130, %parallel_loop3A_131], %parallel_loop3A_134 {strides = array<i32>} : memref<200x160xbf16, #tpu.memory_space<vmem>>, vector<1x32xbf16>,
      %parallel_loop3A_135 = arith.constant 0 : i32
      %parallel_loop3A_136 = arith.index_cast %parallel_loop3A_135 : i32 to index
      %parallel_loop3A_137 = arith.index_cast %parallel_loop3A_65 : i32 to index
      %parallel_loop3A_138 = arith.constant 96 : index
      %parallel_loop3A_139 = tpu.vector_load %arg9[%parallel_loop3A_136, %parallel_loop3A_137, %parallel_loop3A_138] {strides = array<i32>} : memref<2x400x128xbf16, #tpu.memory_space<vmem>>, vector<1x1x32xbf16>,
      %parallel_loop3A_140 = vector.shape_cast %parallel_loop3A_139 : vector<1x1x32xbf16> to vector<32xbf16>
      %parallel_loop3A_141 = arith.constant 200 : i32
      %parallel_loop3A_142 = arith.addi %parallel_loop3A_141, %parallel_loop3A_65 : i32
      %parallel_loop3A_143 = arith.constant 0 : i32
      %parallel_loop3A_144 = arith.index_cast %parallel_loop3A_143 : i32 to index
      %parallel_loop3A_145 = arith.index_cast %parallel_loop3A_142 : i32 to index
      %parallel_loop3A_146 = arith.constant 96 : index
      %parallel_loop3A_147 = tpu.vector_load %arg9[%parallel_loop3A_144, %parallel_loop3A_145, %parallel_loop3A_146] {strides = array<i32>} : memref<2x400x128xbf16, #tpu.memory_space<vmem>>, vector<1x1x32xbf16>,
      %parallel_loop3A_148 = vector.shape_cast %parallel_loop3A_147 : vector<1x1x32xbf16> to vector<32xbf16>
      %parallel_loop3A_149 = arith.addf %parallel_loop3A_140, %parallel_loop3A_148 : vector<32xbf16>
      %parallel_loop3A_150 = arith.constant 0.000000e+00 : bf16
      %parallel_loop3A_151 = vector.broadcast %parallel_loop3A_150 : bf16 to vector<32xbf16>
      %parallel_loop3A_152 = arith.maximumf %parallel_loop3A_149, %parallel_loop3A_151 : vector<32xbf16>
      %parallel_loop3A_153 = arith.index_cast %parallel_loop3A_65 : i32 to index
      %parallel_loop3A_154 = arith.constant 96 : index
      %parallel_loop3A_155 = tpu.vector_load %arg10[%parallel_loop3A_153, %parallel_loop3A_154] {strides = array<i32>} : memref<200x160xbf16, #tpu.memory_space<vmem>>, vector<1x32xbf16>,
      %parallel_loop3A_156 = vector.shape_cast %parallel_loop3A_155 : vector<1x32xbf16> to vector<32xbf16>
      %parallel_loop3A_157 = vector.shape_cast %parallel_loop3A_152 : vector<32xbf16> to vector<1x32xbf16>
      tpu.vector_store %arg10[%parallel_loop3A_153, %parallel_loop3A_154], %parallel_loop3A_157 {strides = array<i32>} : memref<200x160xbf16, #tpu.memory_space<vmem>>, vector<1x32xbf16>,
    } {sc.loop_unroll_factor = 4 : i64, sc.parallel_access}
    %run_scoped3A = arith.constant 0 : i32
    "tpu.region"() ({
      %run_scoped3A_65 = tpu.sem_alloc : memref<!tpu.dma_semaphore, #tpu.memory_space<semaphore_mem>>
      %dma_start3A_66 = arith.constant 200 : i32
      %dma_start3A_67 = tpu.memref_slice %arg7[%run_scoped3A, %dma_start3A_66] : memref<2x400xi32, #tpu.memory_space<vmem>> -> memref<1x200xi32, #tpu.memory_space<vmem>>
      %dma_start3A_68 = tpu.memref_squeeze %dma_start3A_67 : memref<1x200xi32, #tpu.memory_space<vmem>> -> memref<200xi32, #tpu.memory_space<vmem>>
      %dma_start3A_69 = arith.constant 0 : i32
      %dma_start3A_70 = arith.constant 0 : i32
      %dma_start3A_71 = tpu.memref_slice %arg11[%dma_start3A_69, %dma_start3A_70] : memref<10240x160xbf16, #tpu.memory_space<vmem_shared>> -> memref<10240x160xbf16, #tpu.memory_space<vmem_shared>>
      tpu.enqueue_indirect_dma source(%arg10 : memref<200x160xbf16, #tpu.memory_space<vmem>>) target(%dma_start3A_71 : memref<10240x160xbf16, #tpu.memory_space<vmem_shared>>) offsets(%dma_start3A_68 : memref<200xi32, #tpu.memory_space<vmem>>) semaphore(%run_scoped3A_65 : memref<!tpu.dma_semaphore, #tpu.memory_space<semaphore_mem>>) {add = true}
      %dma_wait3A_72 = arith.constant 200 : i32
      %dma_wait3A_73 = tpu.memref_slice %arg7[%run_scoped3A, %dma_wait3A_72] : memref<2x400xi32, #tpu.memory_space<vmem>> -> memref<1x200xi32, #tpu.memory_space<vmem>>
      %dma_wait3A_74 = tpu.memref_squeeze %dma_wait3A_73 : memref<1x200xi32, #tpu.memory_space<vmem>> -> memref<200xi32, #tpu.memory_space<vmem>>
      %dma_wait3A_75 = arith.constant 0 : i32
      %dma_wait3A_76 = arith.constant 0 : i32
      %dma_wait3A_77 = tpu.memref_slice %arg11[%dma_wait3A_75, %dma_wait3A_76] : memref<10240x160xbf16, #tpu.memory_space<vmem_shared>> -> memref<10240x160xbf16, #tpu.memory_space<vmem_shared>>
      tpu.wait_indirect_dma semaphore(%run_scoped3A_65 : memref<!tpu.dma_semaphore, #tpu.memory_space<semaphore_mem>>) src(%arg10 : memref<200x160xbf16, #tpu.memory_space<vmem>>) dst(%dma_wait3A_77 : memref<10240x160xbf16, #tpu.memory_space<vmem_shared>>)
      tpu.yield
    }) : () -> ()
    %dma_wait3A_44 = arith.constant 1 : i32
    %dma_wait3A_45 = arith.constant 1 : i32
    %dma_wait3A_46 = arith.constant 0 : i32
    %dma_wait3A_47 = arith.constant 0 : i32
    %dma_wait3A_48 = tpu.memref_slice %arg9[%dma_wait3A_45, %dma_wait3A_46, %dma_wait3A_47] : memref<2x400x128xbf16, #tpu.memory_space<vmem>> -> memref<1x400x128xbf16, #tpu.memory_space<vmem>>
    %dma_wait3A_49 = tpu.memref_squeeze %dma_wait3A_48 : memref<1x400x128xbf16, #tpu.memory_space<vmem>> -> memref<400x128xbf16, #tpu.memory_space<vmem>>
    %dma_wait3A_50 = arith.constant 0 : i32
    %dma_wait3A_51 = tpu.memref_slice %arg7[%dma_wait3A_44, %dma_wait3A_50] : memref<2x400xi32, #tpu.memory_space<vmem>> -> memref<1x400xi32, #tpu.memory_space<vmem>>
    %dma_wait3A_52 = tpu.memref_squeeze %dma_wait3A_51 : memref<1x400xi32, #tpu.memory_space<vmem>> -> memref<400xi32, #tpu.memory_space<vmem>>
    %dma_wait3A_53 = arith.constant 0 : i32
    %dma_wait3A_54 = arith.constant 0 : i32
    %dma_wait3A_55 = tpu.memref_slice %arg2[%dma_wait3A_53, %dma_wait3A_54] : memref<20000x128xbf16, #tpu.memory_space<hbm>> -> memref<20000x128xbf16, #tpu.memory_space<hbm>>
    tpu.wait_indirect_dma semaphore(%arg13 : memref<!tpu.dma_semaphore, #tpu.memory_space<semaphore_mem>>) src(%dma_wait3A_55 : memref<20000x128xbf16, #tpu.memory_space<hbm>>) dst(%dma_wait3A_49 : memref<400x128xbf16, #tpu.memory_space<vmem>>)
    %parallel_loop3A_56 = arith.constant 0 : i32
    %parallel_loop3A_57 = arith.constant 200 : i32
    %parallel_loop3A_58 = arith.constant 1 : i32
    scf.for %parallel_loop3A_65 = %parallel_loop3A_56 to %parallel_loop3A_57 step %parallel_loop3A_58  : i32 {
      %parallel_loop3A_66 = arith.constant 1 : i32
      %parallel_loop3A_67 = arith.index_cast %parallel_loop3A_66 : i32 to index
      %parallel_loop3A_68 = arith.index_cast %parallel_loop3A_65 : i32 to index
      %parallel_loop3A_69 = arith.constant 0 : index
      %parallel_loop3A_70 = tpu.vector_load %arg9[%parallel_loop3A_67, %parallel_loop3A_68, %parallel_loop3A_69] {strides = array<i32>} : memref<2x400x128xbf16, #tpu.memory_space<vmem>>, vector<1x1x32xbf16>,
      %parallel_loop3A_71 = vector.shape_cast %parallel_loop3A_70 : vector<1x1x32xbf16> to vector<32xbf16>
      %parallel_loop3A_72 = arith.constant 200 : i32
      %parallel_loop3A_73 = arith.addi %parallel_loop3A_72, %parallel_loop3A_65 : i32
      %parallel_loop3A_74 = arith.constant 1 : i32
      %parallel_loop3A_75 = arith.index_cast %parallel_loop3A_74 : i32 to index
      %parallel_loop3A_76 = arith.index_cast %parallel_loop3A_73 : i32 to index
      %parallel_loop3A_77 = arith.constant 0 : index
      %parallel_loop3A_78 = tpu.vector_load %arg9[%parallel_loop3A_75, %parallel_loop3A_76, %parallel_loop3A_77] {strides = array<i32>} : memref<2x400x128xbf16, #tpu.memory_space<vmem>>, vector<1x1x32xbf16>,
      %parallel_loop3A_79 = vector.shape_cast %parallel_loop3A_78 : vector<1x1x32xbf16> to vector<32xbf16>
      %parallel_loop3A_80 = arith.addf %parallel_loop3A_71, %parallel_loop3A_79 : vector<32xbf16>
      %parallel_loop3A_81 = arith.constant 0.000000e+00 : bf16
      %parallel_loop3A_82 = vector.broadcast %parallel_loop3A_81 : bf16 to vector<32xbf16>
      %parallel_loop3A_83 = arith.maximumf %parallel_loop3A_80, %parallel_loop3A_82 : vector<32xbf16>
      %parallel_loop3A_84 = arith.index_cast %parallel_loop3A_65 : i32 to index
      %parallel_loop3A_85 = arith.constant 0 : index
      %parallel_loop3A_86 = tpu.vector_load %arg10[%parallel_loop3A_84, %parallel_loop3A_85] {strides = array<i32>} : memref<200x160xbf16, #tpu.memory_space<vmem>>, vector<1x32xbf16>,
      %parallel_loop3A_87 = vector.shape_cast %parallel_loop3A_86 : vector<1x32xbf16> to vector<32xbf16>
      %parallel_loop3A_88 = vector.shape_cast %parallel_loop3A_83 : vector<32xbf16> to vector<1x32xbf16>
      tpu.vector_store %arg10[%parallel_loop3A_84, %parallel_loop3A_85], %parallel_loop3A_88 {strides = array<i32>} : memref<200x160xbf16, #tpu.memory_space<vmem>>, vector<1x32xbf16>,
      %parallel_loop3A_89 = arith.constant 1 : i32
      %parallel_loop3A_90 = arith.index_cast %parallel_loop3A_89 : i32 to index
      %parallel_loop3A_91 = arith.index_cast %parallel_loop3A_65 : i32 to index
      %parallel_loop3A_92 = arith.constant 32 : index
      %parallel_loop3A_93 = tpu.vector_load %arg9[%parallel_loop3A_90, %parallel_loop3A_91, %parallel_loop3A_92] {strides = array<i32>} : memref<2x400x128xbf16, #tpu.memory_space<vmem>>, vector<1x1x32xbf16>,
      %parallel_loop3A_94 = vector.shape_cast %parallel_loop3A_93 : vector<1x1x32xbf16> to vector<32xbf16>
      %parallel_loop3A_95 = arith.constant 200 : i32
      %parallel_loop3A_96 = arith.addi %parallel_loop3A_95, %parallel_loop3A_65 : i32
      %parallel_loop3A_97 = arith.constant 1 : i32
      %parallel_loop3A_98 = arith.index_cast %parallel_loop3A_97 : i32 to index
      %parallel_loop3A_99 = arith.index_cast %parallel_loop3A_96 : i32 to index
      %parallel_loop3A_100 = arith.constant 32 : index
      %parallel_loop3A_101 = tpu.vector_load %arg9[%parallel_loop3A_98, %parallel_loop3A_99, %parallel_loop3A_100] {strides = array<i32>} : memref<2x400x128xbf16, #tpu.memory_space<vmem>>, vector<1x1x32xbf16>,
      %parallel_loop3A_102 = vector.shape_cast %parallel_loop3A_101 : vector<1x1x32xbf16> to vector<32xbf16>
      %parallel_loop3A_103 = arith.addf %parallel_loop3A_94, %parallel_loop3A_102 : vector<32xbf16>
      %parallel_loop3A_104 = arith.constant 0.000000e+00 : bf16
      %parallel_loop3A_105 = vector.broadcast %parallel_loop3A_104 : bf16 to vector<32xbf16>
      %parallel_loop3A_106 = arith.maximumf %parallel_loop3A_103, %parallel_loop3A_105 : vector<32xbf16>
      %parallel_loop3A_107 = arith.index_cast %parallel_loop3A_65 : i32 to index
      %parallel_loop3A_108 = arith.constant 32 : index
      %parallel_loop3A_109 = tpu.vector_load %arg10[%parallel_loop3A_107, %parallel_loop3A_108] {strides = array<i32>} : memref<200x160xbf16, #tpu.memory_space<vmem>>, vector<1x32xbf16>,
      %parallel_loop3A_110 = vector.shape_cast %parallel_loop3A_109 : vector<1x32xbf16> to vector<32xbf16>
      %parallel_loop3A_111 = vector.shape_cast %parallel_loop3A_106 : vector<32xbf16> to vector<1x32xbf16>
      tpu.vector_store %arg10[%parallel_loop3A_107, %parallel_loop3A_108], %parallel_loop3A_111 {strides = array<i32>} : memref<200x160xbf16, #tpu.memory_space<vmem>>, vector<1x32xbf16>,
      %parallel_loop3A_112 = arith.constant 1 : i32
      %parallel_loop3A_113 = arith.index_cast %parallel_loop3A_112 : i32 to index
      %parallel_loop3A_114 = arith.index_cast %parallel_loop3A_65 : i32 to index
      %parallel_loop3A_115 = arith.constant 64 : index
      %parallel_loop3A_116 = tpu.vector_load %arg9[%parallel_loop3A_113, %parallel_loop3A_114, %parallel_loop3A_115] {strides = array<i32>} : memref<2x400x128xbf16, #tpu.memory_space<vmem>>, vector<1x1x32xbf16>,
      %parallel_loop3A_117 = vector.shape_cast %parallel_loop3A_116 : vector<1x1x32xbf16> to vector<32xbf16>
      %parallel_loop3A_118 = arith.constant 200 : i32
      %parallel_loop3A_119 = arith.addi %parallel_loop3A_118, %parallel_loop3A_65 : i32
      %parallel_loop3A_120 = arith.constant 1 : i32
      %parallel_loop3A_121 = arith.index_cast %parallel_loop3A_120 : i32 to index
      %parallel_loop3A_122 = arith.index_cast %parallel_loop3A_119 : i32 to index
      %parallel_loop3A_123 = arith.constant 64 : index
      %parallel_loop3A_124 = tpu.vector_load %arg9[%parallel_loop3A_121, %parallel_loop3A_122, %parallel_loop3A_123] {strides = array<i32>} : memref<2x400x128xbf16, #tpu.memory_space<vmem>>, vector<1x1x32xbf16>,
      %parallel_loop3A_125 = vector.shape_cast %parallel_loop3A_124 : vector<1x1x32xbf16> to vector<32xbf16>
      %parallel_loop3A_126 = arith.addf %parallel_loop3A_117, %parallel_loop3A_125 : vector<32xbf16>
      %parallel_loop3A_127 = arith.constant 0.000000e+00 : bf16
      %parallel_loop3A_128 = vector.broadcast %parallel_loop3A_127 : bf16 to vector<32xbf16>
      %parallel_loop3A_129 = arith.maximumf %parallel_loop3A_126, %parallel_loop3A_128 : vector<32xbf16>
      %parallel_loop3A_130 = arith.index_cast %parallel_loop3A_65 : i32 to index
      %parallel_loop3A_131 = arith.constant 64 : index
      %parallel_loop3A_132 = tpu.vector_load %arg10[%parallel_loop3A_130, %parallel_loop3A_131] {strides = array<i32>} : memref<200x160xbf16, #tpu.memory_space<vmem>>, vector<1x32xbf16>,
      %parallel_loop3A_133 = vector.shape_cast %parallel_loop3A_132 : vector<1x32xbf16> to vector<32xbf16>
      %parallel_loop3A_134 = vector.shape_cast %parallel_loop3A_129 : vector<32xbf16> to vector<1x32xbf16>
      tpu.vector_store %arg10[%parallel_loop3A_130, %parallel_loop3A_131], %parallel_loop3A_134 {strides = array<i32>} : memref<200x160xbf16, #tpu.memory_space<vmem>>, vector<1x32xbf16>,
      %parallel_loop3A_135 = arith.constant 1 : i32
      %parallel_loop3A_136 = arith.index_cast %parallel_loop3A_135 : i32 to index
      %parallel_loop3A_137 = arith.index_cast %parallel_loop3A_65 : i32 to index
      %parallel_loop3A_138 = arith.constant 96 : index
      %parallel_loop3A_139 = tpu.vector_load %arg9[%parallel_loop3A_136, %parallel_loop3A_137, %parallel_loop3A_138] {strides = array<i32>} : memref<2x400x128xbf16, #tpu.memory_space<vmem>>, vector<1x1x32xbf16>,
      %parallel_loop3A_140 = vector.shape_cast %parallel_loop3A_139 : vector<1x1x32xbf16> to vector<32xbf16>
      %parallel_loop3A_141 = arith.constant 200 : i32
      %parallel_loop3A_142 = arith.addi %parallel_loop3A_141, %parallel_loop3A_65 : i32
      %parallel_loop3A_143 = arith.constant 1 : i32
      %parallel_loop3A_144 = arith.index_cast %parallel_loop3A_143 : i32 to index
      %parallel_loop3A_145 = arith.index_cast %parallel_loop3A_142 : i32 to index
      %parallel_loop3A_146 = arith.constant 96 : index
      %parallel_loop3A_147 = tpu.vector_load %arg9[%parallel_loop3A_144, %parallel_loop3A_145, %parallel_loop3A_146] {strides = array<i32>} : memref<2x400x128xbf16, #tpu.memory_space<vmem>>, vector<1x1x32xbf16>,
      %parallel_loop3A_148 = vector.shape_cast %parallel_loop3A_147 : vector<1x1x32xbf16> to vector<32xbf16>
      %parallel_loop3A_149 = arith.addf %parallel_loop3A_140, %parallel_loop3A_148 : vector<32xbf16>
      %parallel_loop3A_150 = arith.constant 0.000000e+00 : bf16
      %parallel_loop3A_151 = vector.broadcast %parallel_loop3A_150 : bf16 to vector<32xbf16>
      %parallel_loop3A_152 = arith.maximumf %parallel_loop3A_149, %parallel_loop3A_151 : vector<32xbf16>
      %parallel_loop3A_153 = arith.index_cast %parallel_loop3A_65 : i32 to index
      %parallel_loop3A_154 = arith.constant 96 : index
      %parallel_loop3A_155 = tpu.vector_load %arg10[%parallel_loop3A_153, %parallel_loop3A_154] {strides = array<i32>} : memref<200x160xbf16, #tpu.memory_space<vmem>>, vector<1x32xbf16>,
      %parallel_loop3A_156 = vector.shape_cast %parallel_loop3A_155 : vector<1x32xbf16> to vector<32xbf16>
      %parallel_loop3A_157 = vector.shape_cast %parallel_loop3A_152 : vector<32xbf16> to vector<1x32xbf16>
      tpu.vector_store %arg10[%parallel_loop3A_153, %parallel_loop3A_154], %parallel_loop3A_157 {strides = array<i32>} : memref<200x160xbf16, #tpu.memory_space<vmem>>, vector<1x32xbf16>,
    } {sc.loop_unroll_factor = 4 : i64, sc.parallel_access}
    %run_scoped3A_59 = arith.constant 1 : i32
    "tpu.region"() ({
      %run_scoped3A_65 = tpu.sem_alloc : memref<!tpu.dma_semaphore, #tpu.memory_space<semaphore_mem>>
      %dma_start3A_66 = arith.constant 200 : i32
      %dma_start3A_67 = tpu.memref_slice %arg7[%run_scoped3A_59, %dma_start3A_66] : memref<2x400xi32, #tpu.memory_space<vmem>> -> memref<1x200xi32, #tpu.memory_space<vmem>>
      %dma_start3A_68 = tpu.memref_squeeze %dma_start3A_67 : memref<1x200xi32, #tpu.memory_space<vmem>> -> memref<200xi32, #tpu.memory_space<vmem>>
      %dma_start3A_69 = arith.constant 0 : i32
      %dma_start3A_70 = arith.constant 0 : i32
      %dma_start3A_71 = tpu.memref_slice %arg11[%dma_start3A_69, %dma_start3A_70] : memref<10240x160xbf16, #tpu.memory_space<vmem_shared>> -> memref<10240x160xbf16, #tpu.memory_space<vmem_shared>>
      tpu.enqueue_indirect_dma source(%arg10 : memref<200x160xbf16, #tpu.memory_space<vmem>>) target(%dma_start3A_71 : memref<10240x160xbf16, #tpu.memory_space<vmem_shared>>) offsets(%dma_start3A_68 : memref<200xi32, #tpu.memory_space<vmem>>) semaphore(%run_scoped3A_65 : memref<!tpu.dma_semaphore, #tpu.memory_space<semaphore_mem>>) {add = true}
      %dma_wait3A_72 = arith.constant 200 : i32
      %dma_wait3A_73 = tpu.memref_slice %arg7[%run_scoped3A_59, %dma_wait3A_72] : memref<2x400xi32, #tpu.memory_space<vmem>> -> memref<1x200xi32, #tpu.memory_space<vmem>>
      %dma_wait3A_74 = tpu.memref_squeeze %dma_wait3A_73 : memref<1x200xi32, #tpu.memory_space<vmem>> -> memref<200xi32, #tpu.memory_space<vmem>>
      %dma_wait3A_75 = arith.constant 0 : i32
      %dma_wait3A_76 = arith.constant 0 : i32
      %dma_wait3A_77 = tpu.memref_slice %arg11[%dma_wait3A_75, %dma_wait3A_76] : memref<10240x160xbf16, #tpu.memory_space<vmem_shared>> -> memref<10240x160xbf16, #tpu.memory_space<vmem_shared>>
      tpu.wait_indirect_dma semaphore(%run_scoped3A_65 : memref<!tpu.dma_semaphore, #tpu.memory_space<semaphore_mem>>) src(%arg10 : memref<200x160xbf16, #tpu.memory_space<vmem>>) dst(%dma_wait3A_77 : memref<10240x160xbf16, #tpu.memory_space<vmem_shared>>)
      tpu.yield
    }) : () -> ()
    %barrier3A_60 = arith.constant 0 : index
    tpu.barrier barrier_id(%barrier3A_60)
    %mul3A_61 = arith.constant 640 : i32
    %mul3A_62 = arith.muli %arg1, %mul3A_61 : i32
    %mul3A_63 = arith.constant 640 : i32
    %mul3A_64 = arith.muli %arg1, %mul3A_63 : i32
    "tpu.region"() ({
      %run_scoped3A_65 = tpu.sem_alloc : memref<!tpu.dma_semaphore, #tpu.memory_space<semaphore_mem>>
      %dma_start3A_66 = arith.constant 0 : i32
      %dma_start3A_67 = tpu.memref_slice %arg6[%arg0, %mul3A_64, %dma_start3A_66] : memref<2x10240x160xbf16, #tpu.memory_space<hbm>> -> memref<1x640x160xbf16, #tpu.memory_space<hbm>>
      %dma_start3A_68 = tpu.memref_squeeze %dma_start3A_67 : memref<1x640x160xbf16, #tpu.memory_space<hbm>> -> memref<640x160xbf16, #tpu.memory_space<hbm>>
      %dma_start3A_69 = arith.constant 0 : i32
      %dma_start3A_70 = tpu.memref_slice %arg11[%mul3A_62, %dma_start3A_69] : memref<10240x160xbf16, #tpu.memory_space<vmem_shared>> -> memref<640x160xbf16, #tpu.memory_space<vmem_shared>>
      tpu.enqueue_dma source(%dma_start3A_70 : memref<640x160xbf16, #tpu.memory_space<vmem_shared>>) target(%dma_start3A_68 : memref<640x160xbf16, #tpu.memory_space<hbm>>) target_semaphore(%run_scoped3A_65 : memref<!tpu.dma_semaphore, #tpu.memory_space<semaphore_mem>>)
      %dma_wait3A_71 = arith.constant 0 : i32
      %dma_wait3A_72 = tpu.memref_slice %arg6[%arg0, %mul3A_64, %dma_wait3A_71] : memref<2x10240x160xbf16, #tpu.memory_space<hbm>> -> memref<1x640x160xbf16, #tpu.memory_space<hbm>>
      %dma_wait3A_73 = tpu.memref_squeeze %dma_wait3A_72 : memref<1x640x160xbf16, #tpu.memory_space<hbm>> -> memref<640x160xbf16, #tpu.memory_space<hbm>>
      %dma_wait3A_74 = arith.constant 0 : i32
      %dma_wait3A_75 = tpu.memref_slice %arg11[%mul3A_62, %dma_wait3A_74] : memref<10240x160xbf16, #tpu.memory_space<vmem_shared>> -> memref<640x160xbf16, #tpu.memory_space<vmem_shared>>
      tpu.wait_dma2 semaphore(%run_scoped3A_65 : memref<!tpu.dma_semaphore, #tpu.memory_space<semaphore_mem>>) src(%dma_wait3A_75 : memref<640x160xbf16, #tpu.memory_space<vmem_shared>>) dst(%dma_wait3A_73 : memref<640x160xbf16, #tpu.memory_space<hbm>>)
      tpu.yield
    }) : () -> ()
    return
  }
}

module attributes {stable_mosaic.version = 14 : i64} {
  func.func @_pre_body(%arg0: i32, %arg1: memref<2000x128xf32, #tpu.memory_space<vmem>>, %arg2: memref<128x128xf32, #tpu.memory_space<vmem>>, %arg3: memref<1x128xf32, #tpu.memory_space<vmem>>, %arg4: memref<128x128xf32, #tpu.memory_space<vmem>>, %arg5: memref<1x128xf32, #tpu.memory_space<vmem>>, %arg6: memref<128x128xf32, #tpu.memory_space<vmem>>, %arg7: memref<128x128xf32, #tpu.memory_space<vmem>>, %arg8: memref<1x128xf32, #tpu.memory_space<vmem>>, %arg9: memref<2000x128xf32, #tpu.memory_space<vmem>>, %arg10: memref<2x2000x128xbf16, #tpu.memory_space<vmem>>) attributes {dimension_semantics = [#tpu.dimension_semantics<arbitrary>], iteration_bounds = array<i64: 5>, scalar_prefetch = 0 : i64, scratch_operands = 0 : i64, tpu.core_type = #tpu.core_type<tc>, window_params = [{transform_indices = @transform_0, window_bounds = array<i64: 2000, 128>}, {pipeline_mode = #tpu.pipeline_mode<synchronous>, transform_indices = @transform_1, window_bounds = array<i64: 128, 128>}, {pipeline_mode = #tpu.pipeline_mode<synchronous>, transform_indices = @transform_2, window_bounds = array<i64: 1, 128>}, {pipeline_mode = #tpu.pipeline_mode<synchronous>, transform_indices = @transform_3, window_bounds = array<i64: 128, 128>}, {pipeline_mode = #tpu.pipeline_mode<synchronous>, transform_indices = @transform_4, window_bounds = array<i64: 1, 128>}, {pipeline_mode = #tpu.pipeline_mode<synchronous>, transform_indices = @transform_5, window_bounds = array<i64: 128, 128>}, {pipeline_mode = #tpu.pipeline_mode<synchronous>, transform_indices = @transform_6, window_bounds = array<i64: 128, 128>}, {pipeline_mode = #tpu.pipeline_mode<synchronous>, transform_indices = @transform_7, window_bounds = array<i64: 1, 128>}, {transform_indices = @transform_8, window_bounds = array<i64: 2000, 128>}, {transform_indices = @transform_9, window_bounds = array<i64: 2, 2000, 128>}]} {
    %get3A = arith.constant 0 : index
    %get3A_0 = arith.constant 0 : index
    %get3A_1 = vector.load %arg1[%get3A, %get3A_0] : memref<2000x128xf32, #tpu.memory_space<vmem>>, vector<2000x128xf32>
    %get3A_2 = arith.constant 0 : index
    %get3A_3 = arith.constant 0 : index
    %get3A_4 = vector.load %arg2[%get3A_2, %get3A_3] : memref<128x128xf32, #tpu.memory_space<vmem>>, vector<128x128xf32>
    %dot_general3A = arith.constant dense<0.000000e+00> : vector<2000x128xf32>
    %dot_general3A_5 = tpu.matmul %get3A_1, %get3A_4, %dot_general3A {dimension_numbers = #tpu.dot_dimension_numbers<[1], [0], [0], [1], [0, 0, 1, 1], [], []>, transpose_lhs_hint = false} : vector<2000x128xf32>, vector<128x128xf32>, vector<2000x128xf32> -> vector<2000x128xf32>
    %get3A_6 = arith.constant 0 : index
    %get3A_7 = arith.constant 0 : index
    %get3A_8 = vector.load %arg3[%get3A_6, %get3A_7] : memref<1x128xf32, #tpu.memory_space<vmem>>, vector<1x128xf32>
    %add3A = vector.broadcast %get3A_8 : vector<1x128xf32> to vector<2000x128xf32>
    %add3A_9 = arith.addf %dot_general3A_5, %add3A : vector<2000x128xf32>
    %max3A = arith.constant 0.000000e+00 : f32
    %max3A_10 = vector.broadcast %max3A : f32 to vector<2000x128xf32>
    %max3A_11 = arith.maximumf %add3A_9, %max3A_10 : vector<2000x128xf32>
    %get3A_12 = arith.constant 0 : index
    %get3A_13 = arith.constant 0 : index
    %get3A_14 = vector.load %arg4[%get3A_12, %get3A_13] : memref<128x128xf32, #tpu.memory_space<vmem>>, vector<128x128xf32>
    %dot_general3A_15 = arith.constant dense<0.000000e+00> : vector<2000x128xf32>
    %dot_general3A_16 = tpu.matmul %max3A_11, %get3A_14, %dot_general3A_15 {dimension_numbers = #tpu.dot_dimension_numbers<[1], [0], [0], [1], [0, 0, 1, 1], [], []>, transpose_lhs_hint = false} : vector<2000x128xf32>, vector<128x128xf32>, vector<2000x128xf32> -> vector<2000x128xf32>
    %get3A_17 = arith.constant 0 : index
    %get3A_18 = arith.constant 0 : index
    %get3A_19 = vector.load %arg5[%get3A_17, %get3A_18] : memref<1x128xf32, #tpu.memory_space<vmem>>, vector<1x128xf32>
    %add3A_20 = vector.broadcast %get3A_19 : vector<1x128xf32> to vector<2000x128xf32>
    %add3A_21 = arith.addf %dot_general3A_16, %add3A_20 : vector<2000x128xf32>
    %swap3A = arith.constant 0 : index
    %swap3A_22 = arith.constant 0 : index
    %swap3A_23 = vector.load %arg9[%swap3A, %swap3A_22] : memref<2000x128xf32, #tpu.memory_space<vmem>>, vector<2000x128xf32>
    tpu.vector_store %arg9[%swap3A, %swap3A_22], %add3A_21 {strides = array<i32>} : memref<2000x128xf32, #tpu.memory_space<vmem>>, vector<2000x128xf32>,
    %get3A_24 = arith.constant 0 : index
    %get3A_25 = arith.constant 0 : index
    %get3A_26 = vector.load %arg7[%get3A_24, %get3A_25] : memref<128x128xf32, #tpu.memory_space<vmem>>, vector<128x128xf32>
    %dot_general3A_27 = arith.constant dense<0.000000e+00> : vector<2000x128xf32>
    %dot_general3A_28 = tpu.matmul %add3A_21, %get3A_26, %dot_general3A_27 {dimension_numbers = #tpu.dot_dimension_numbers<[1], [0], [0], [1], [0, 0, 1, 1], [], []>, transpose_lhs_hint = false} : vector<2000x128xf32>, vector<128x128xf32>, vector<2000x128xf32> -> vector<2000x128xf32>
    %get3A_29 = arith.constant 0 : index
    %get3A_30 = arith.constant 0 : index
    %get3A_31 = vector.load %arg8[%get3A_29, %get3A_30] : memref<1x128xf32, #tpu.memory_space<vmem>>, vector<1x128xf32>
    %add3A_32 = vector.broadcast %get3A_31 : vector<1x128xf32> to vector<2000x128xf32>
    %add3A_33 = arith.addf %dot_general3A_28, %add3A_32 : vector<2000x128xf32>
    %convert_element_type3A = arith.truncf %add3A_33 : vector<2000x128xf32> to vector<2000x128xbf16>
    %swap3A_34 = arith.constant 0 : index
    %swap3A_35 = arith.constant 0 : index
    %swap3A_36 = arith.constant 0 : index
    %swap3A_37 = vector.load %arg10[%swap3A_34, %swap3A_35, %swap3A_36] : memref<2x2000x128xbf16, #tpu.memory_space<vmem>>, vector<1x2000x128xbf16>
    %swap3A_38 = vector.shape_cast %swap3A_37 : vector<1x2000x128xbf16> to vector<2000x128xbf16>
    %swap3A_39 = vector.shape_cast %convert_element_type3A : vector<2000x128xbf16> to vector<1x2000x128xbf16>
    tpu.vector_store %arg10[%swap3A_34, %swap3A_35, %swap3A_36], %swap3A_39 {strides = array<i32>} : memref<2x2000x128xbf16, #tpu.memory_space<vmem>>, vector<1x2000x128xbf16>,
    %get3A_40 = arith.constant 0 : index
    %get3A_41 = arith.constant 0 : index
    %get3A_42 = vector.load %arg6[%get3A_40, %get3A_41] : memref<128x128xf32, #tpu.memory_space<vmem>>, vector<128x128xf32>
    %dot_general3A_43 = arith.constant dense<0.000000e+00> : vector<2000x128xf32>
    %dot_general3A_44 = tpu.matmul %add3A_21, %get3A_42, %dot_general3A_43 {dimension_numbers = #tpu.dot_dimension_numbers<[1], [0], [0], [1], [0, 0, 1, 1], [], []>, transpose_lhs_hint = false} : vector<2000x128xf32>, vector<128x128xf32>, vector<2000x128xf32> -> vector<2000x128xf32>
    %convert_element_type3A_45 = arith.truncf %dot_general3A_44 : vector<2000x128xf32> to vector<2000x128xbf16>
    %swap3A_46 = arith.constant 1 : index
    %swap3A_47 = arith.constant 0 : index
    %swap3A_48 = arith.constant 0 : index
    %swap3A_49 = vector.load %arg10[%swap3A_46, %swap3A_47, %swap3A_48] : memref<2x2000x128xbf16, #tpu.memory_space<vmem>>, vector<1x2000x128xbf16>
    %swap3A_50 = vector.shape_cast %swap3A_49 : vector<1x2000x128xbf16> to vector<2000x128xbf16>
    %swap3A_51 = vector.shape_cast %convert_element_type3A_45 : vector<2000x128xbf16> to vector<1x2000x128xbf16>
    tpu.vector_store %arg10[%swap3A_46, %swap3A_47, %swap3A_48], %swap3A_51 {strides = array<i32>} : memref<2x2000x128xbf16, #tpu.memory_space<vmem>>, vector<1x2000x128xbf16>,
    return
  }
  func.func @transform_0(%arg0: i32) -> (i32, i32) {
    %c0_i32 = arith.constant 0 : i32
    %c0_i32_0 = arith.constant 0 : i32
    return %arg0, %c0_i32 : i32, i32
  }
  func.func @transform_1(%arg0: i32) -> (i32, i32) {
    %c0_i32 = arith.constant 0 : i32
    %c0_i32_0 = arith.constant 0 : i32
    %c0_i32_1 = arith.constant 0 : i32
    return %c0_i32, %c0_i32_0 : i32, i32
  }
  func.func @transform_2(%arg0: i32) -> (i32, i32) {
    %c0_i32 = arith.constant 0 : i32
    %c0_i32_0 = arith.constant 0 : i32
    %c0_i32_1 = arith.constant 0 : i32
    return %c0_i32, %c0_i32_0 : i32, i32
  }
  func.func @transform_3(%arg0: i32) -> (i32, i32) {
    %c0_i32 = arith.constant 0 : i32
    %c0_i32_0 = arith.constant 0 : i32
    %c0_i32_1 = arith.constant 0 : i32
    return %c0_i32, %c0_i32_0 : i32, i32
  }
  func.func @transform_4(%arg0: i32) -> (i32, i32) {
    %c0_i32 = arith.constant 0 : i32
    %c0_i32_0 = arith.constant 0 : i32
    %c0_i32_1 = arith.constant 0 : i32
    return %c0_i32, %c0_i32_0 : i32, i32
  }
  func.func @transform_5(%arg0: i32) -> (i32, i32) {
    %c0_i32 = arith.constant 0 : i32
    %c0_i32_0 = arith.constant 0 : i32
    %c0_i32_1 = arith.constant 0 : i32
    return %c0_i32, %c0_i32_0 : i32, i32
  }
  func.func @transform_6(%arg0: i32) -> (i32, i32) {
    %c0_i32 = arith.constant 0 : i32
    %c0_i32_0 = arith.constant 0 : i32
    %c0_i32_1 = arith.constant 0 : i32
    return %c0_i32, %c0_i32_0 : i32, i32
  }
  func.func @transform_7(%arg0: i32) -> (i32, i32) {
    %c0_i32 = arith.constant 0 : i32
    %c0_i32_0 = arith.constant 0 : i32
    %c0_i32_1 = arith.constant 0 : i32
    return %c0_i32, %c0_i32_0 : i32, i32
  }
  func.func @transform_8(%arg0: i32) -> (i32, i32) {
    %c0_i32 = arith.constant 0 : i32
    %c0_i32_0 = arith.constant 0 : i32
    return %arg0, %c0_i32 : i32, i32
  }
  func.func @transform_9(%arg0: i32) -> (i32, i32, i32) {
    %c0_i32 = arith.constant 0 : i32
    %c0_i32_0 = arith.constant 0 : i32
    %c0_i32_1 = arith.constant 0 : i32
    return %c0_i32, %arg0, %c0_i32_0 : i32, i32, i32
  }
}

module attributes {stable_mosaic.version = 14 : i64} {
  func.func @_post_body(%arg0: i32, %arg1: memref<2000x128xf32, #tpu.memory_space<vmem>>, %arg2: memref<2x2000x160xbf16, #tpu.memory_space<vmem>>, %arg3: memref<128x128xf32, #tpu.memory_space<vmem>>, %arg4: memref<1x128xf32, #tpu.memory_space<vmem>>, %arg5: memref<128x128xf32, #tpu.memory_space<vmem>>, %arg6: memref<128x128xf32, #tpu.memory_space<vmem>>, %arg7: memref<1x128xf32, #tpu.memory_space<vmem>>, %arg8: memref<128x128xf32, #tpu.memory_space<vmem>>, %arg9: memref<1x128xf32, #tpu.memory_space<vmem>>, %arg10: memref<128x128xf32, #tpu.memory_space<vmem>>, %arg11: memref<1x128xf32, #tpu.memory_space<vmem>>, %arg12: memref<128x8xf32, #tpu.memory_space<vmem>>, %arg13: memref<1x8xf32, #tpu.memory_space<vmem>>, %arg14: memref<2000x8xf32, #tpu.memory_space<vmem>>) attributes {dimension_semantics = [#tpu.dimension_semantics<arbitrary>], iteration_bounds = array<i64: 5>, scalar_prefetch = 0 : i64, scratch_operands = 0 : i64, tpu.core_type = #tpu.core_type<tc>, window_params = [{transform_indices = @transform_0, window_bounds = array<i64: 2000, 128>}, {transform_indices = @transform_1, window_bounds = array<i64: 2, 2000, 160>}, {pipeline_mode = #tpu.pipeline_mode<synchronous>, transform_indices = @transform_2, window_bounds = array<i64: 128, 128>}, {pipeline_mode = #tpu.pipeline_mode<synchronous>, transform_indices = @transform_3, window_bounds = array<i64: 1, 128>}, {pipeline_mode = #tpu.pipeline_mode<synchronous>, transform_indices = @transform_4, window_bounds = array<i64: 128, 128>}, {pipeline_mode = #tpu.pipeline_mode<synchronous>, transform_indices = @transform_5, window_bounds = array<i64: 128, 128>}, {pipeline_mode = #tpu.pipeline_mode<synchronous>, transform_indices = @transform_6, window_bounds = array<i64: 1, 128>}, {pipeline_mode = #tpu.pipeline_mode<synchronous>, transform_indices = @transform_7, window_bounds = array<i64: 128, 128>}, {pipeline_mode = #tpu.pipeline_mode<synchronous>, transform_indices = @transform_8, window_bounds = array<i64: 1, 128>}, {pipeline_mode = #tpu.pipeline_mode<synchronous>, transform_indices = @transform_9, window_bounds = array<i64: 128, 128>}, {pipeline_mode = #tpu.pipeline_mode<synchronous>, transform_indices = @transform_10, window_bounds = array<i64: 1, 128>}, {pipeline_mode = #tpu.pipeline_mode<synchronous>, transform_indices = @transform_11, window_bounds = array<i64: 128, 8>}, {pipeline_mode = #tpu.pipeline_mode<synchronous>, transform_indices = @transform_12, window_bounds = array<i64: 1, 8>}, {transform_indices = @transform_13, window_bounds = array<i64: 2000, 8>}]} {
    %get3A = arith.constant 0 : index
    %get3A_0 = arith.constant 0 : index
    %get3A_1 = arith.constant 0 : index
    %get3A_2 = vector.load %arg2[%get3A, %get3A_0, %get3A_1] : memref<2x2000x160xbf16, #tpu.memory_space<vmem>>, vector<1x2000x160xbf16>
    %get3A_3 = vector.shape_cast %get3A_2 : vector<1x2000x160xbf16> to vector<2000x160xbf16>
    %convert_element_type3A = arith.extf %get3A_3 : vector<2000x160xbf16> to vector<2000x160xf32>
    %get3A_4 = arith.constant 1 : index
    %get3A_5 = arith.constant 0 : index
    %get3A_6 = arith.constant 0 : index
    %get3A_7 = vector.load %arg2[%get3A_4, %get3A_5, %get3A_6] : memref<2x2000x160xbf16, #tpu.memory_space<vmem>>, vector<1x2000x160xbf16>
    %get3A_8 = vector.shape_cast %get3A_7 : vector<1x2000x160xbf16> to vector<2000x160xbf16>
    %convert_element_type3A_9 = arith.extf %get3A_8 : vector<2000x160xbf16> to vector<2000x160xf32>
    %slice3A = vector.extract_strided_slice %convert_element_type3A {offsets = [0, 0], sizes = [2000, 128], strides = [1, 1]} : vector<2000x160xf32> to vector<2000x128xf32>
    %slice3A_10 = vector.extract_strided_slice %convert_element_type3A_9 {offsets = [0, 0], sizes = [2000, 128], strides = [1, 1]} : vector<2000x160xf32> to vector<2000x128xf32>
    %add3A = arith.addf %slice3A, %slice3A_10 : vector<2000x128xf32>
    %slice3A_11 = vector.extract_strided_slice %convert_element_type3A {offsets = [0, 128], sizes = [2000, 1], strides = [1, 1]} : vector<2000x160xf32> to vector<2000x1xf32>
    %slice3A_12 = vector.extract_strided_slice %convert_element_type3A_9 {offsets = [0, 128], sizes = [2000, 1], strides = [1, 1]} : vector<2000x160xf32> to vector<2000x1xf32>
    %add3A_13 = arith.addf %slice3A_11, %slice3A_12 : vector<2000x1xf32>
    %get3A_14 = arith.constant 0 : index
    %get3A_15 = arith.constant 0 : index
    %get3A_16 = vector.load %arg3[%get3A_14, %get3A_15] : memref<128x128xf32, #tpu.memory_space<vmem>>, vector<128x128xf32>
    %dot_general3A = arith.constant dense<0.000000e+00> : vector<2000x128xf32>
    %dot_general3A_17 = tpu.matmul %add3A, %get3A_16, %dot_general3A {dimension_numbers = #tpu.dot_dimension_numbers<[1], [0], [0], [1], [0, 0, 1, 1], [], []>, transpose_lhs_hint = false} : vector<2000x128xf32>, vector<128x128xf32>, vector<2000x128xf32> -> vector<2000x128xf32>
    %get3A_18 = arith.constant 0 : index
    %get3A_19 = arith.constant 0 : index
    %get3A_20 = vector.load %arg4[%get3A_18, %get3A_19] : memref<1x128xf32, #tpu.memory_space<vmem>>, vector<1x128xf32>
    %mul3A = vector.broadcast %add3A_13 : vector<2000x1xf32> to vector<2000x128xf32>
    %mul3A_21 = vector.broadcast %get3A_20 : vector<1x128xf32> to vector<2000x128xf32>
    %mul3A_22 = arith.mulf %mul3A, %mul3A_21 : vector<2000x128xf32>
    %add3A_23 = arith.addf %dot_general3A_17, %mul3A_22 : vector<2000x128xf32>
    %get3A_24 = arith.constant 0 : index
    %get3A_25 = arith.constant 0 : index
    %get3A_26 = vector.load %arg1[%get3A_24, %get3A_25] : memref<2000x128xf32, #tpu.memory_space<vmem>>, vector<2000x128xf32>
    %get3A_27 = arith.constant 0 : index
    %get3A_28 = arith.constant 0 : index
    %get3A_29 = vector.load %arg5[%get3A_27, %get3A_28] : memref<128x128xf32, #tpu.memory_space<vmem>>, vector<128x128xf32>
    %dot_general3A_30 = arith.constant dense<0.000000e+00> : vector<2000x128xf32>
    %dot_general3A_31 = tpu.matmul %get3A_26, %get3A_29, %dot_general3A_30 {dimension_numbers = #tpu.dot_dimension_numbers<[1], [0], [0], [1], [0, 0, 1, 1], [], []>, transpose_lhs_hint = false} : vector<2000x128xf32>, vector<128x128xf32>, vector<2000x128xf32> -> vector<2000x128xf32>
    %get3A_32 = arith.constant 0 : index
    %get3A_33 = arith.constant 0 : index
    %get3A_34 = vector.load %arg6[%get3A_32, %get3A_33] : memref<128x128xf32, #tpu.memory_space<vmem>>, vector<128x128xf32>
    %dot_general3A_35 = arith.constant dense<0.000000e+00> : vector<2000x128xf32>
    %dot_general3A_36 = tpu.matmul %add3A_23, %get3A_34, %dot_general3A_35 {dimension_numbers = #tpu.dot_dimension_numbers<[1], [0], [0], [1], [0, 0, 1, 1], [], []>, transpose_lhs_hint = false} : vector<2000x128xf32>, vector<128x128xf32>, vector<2000x128xf32> -> vector<2000x128xf32>
    %add3A_37 = arith.addf %dot_general3A_31, %dot_general3A_36 : vector<2000x128xf32>
    %get3A_38 = arith.constant 0 : index
    %get3A_39 = arith.constant 0 : index
    %get3A_40 = vector.load %arg7[%get3A_38, %get3A_39] : memref<1x128xf32, #tpu.memory_space<vmem>>, vector<1x128xf32>
    %add3A_41 = vector.broadcast %get3A_40 : vector<1x128xf32> to vector<2000x128xf32>
    %add3A_42 = arith.addf %add3A_37, %add3A_41 : vector<2000x128xf32>
    %max3A = arith.constant 0.000000e+00 : f32
    %max3A_43 = vector.broadcast %max3A : f32 to vector<2000x128xf32>
    %max3A_44 = arith.maximumf %add3A_42, %max3A_43 : vector<2000x128xf32>
    %get3A_45 = arith.constant 0 : index
    %get3A_46 = arith.constant 0 : index
    %get3A_47 = vector.load %arg8[%get3A_45, %get3A_46] : memref<128x128xf32, #tpu.memory_space<vmem>>, vector<128x128xf32>
    %dot_general3A_48 = arith.constant dense<0.000000e+00> : vector<2000x128xf32>
    %dot_general3A_49 = tpu.matmul %max3A_44, %get3A_47, %dot_general3A_48 {dimension_numbers = #tpu.dot_dimension_numbers<[1], [0], [0], [1], [0, 0, 1, 1], [], []>, transpose_lhs_hint = false} : vector<2000x128xf32>, vector<128x128xf32>, vector<2000x128xf32> -> vector<2000x128xf32>
    %get3A_50 = arith.constant 0 : index
    %get3A_51 = arith.constant 0 : index
    %get3A_52 = vector.load %arg9[%get3A_50, %get3A_51] : memref<1x128xf32, #tpu.memory_space<vmem>>, vector<1x128xf32>
    %add3A_53 = vector.broadcast %get3A_52 : vector<1x128xf32> to vector<2000x128xf32>
    %add3A_54 = arith.addf %dot_general3A_49, %add3A_53 : vector<2000x128xf32>
    %get3A_55 = arith.constant 0 : index
    %get3A_56 = arith.constant 0 : index
    %get3A_57 = vector.load %arg10[%get3A_55, %get3A_56] : memref<128x128xf32, #tpu.memory_space<vmem>>, vector<128x128xf32>
    %dot_general3A_58 = arith.constant dense<0.000000e+00> : vector<2000x128xf32>
    %dot_general3A_59 = tpu.matmul %add3A_54, %get3A_57, %dot_general3A_58 {dimension_numbers = #tpu.dot_dimension_numbers<[1], [0], [0], [1], [0, 0, 1, 1], [], []>, transpose_lhs_hint = false} : vector<2000x128xf32>, vector<128x128xf32>, vector<2000x128xf32> -> vector<2000x128xf32>
    %get3A_60 = arith.constant 0 : index
    %get3A_61 = arith.constant 0 : index
    %get3A_62 = vector.load %arg11[%get3A_60, %get3A_61] : memref<1x128xf32, #tpu.memory_space<vmem>>, vector<1x128xf32>
    %add3A_63 = vector.broadcast %get3A_62 : vector<1x128xf32> to vector<2000x128xf32>
    %add3A_64 = arith.addf %dot_general3A_59, %add3A_63 : vector<2000x128xf32>
    %max3A_65 = arith.constant 0.000000e+00 : f32
    %max3A_66 = vector.broadcast %max3A_65 : f32 to vector<2000x128xf32>
    %max3A_67 = arith.maximumf %add3A_64, %max3A_66 : vector<2000x128xf32>
    %get3A_68 = arith.constant 0 : index
    %get3A_69 = arith.constant 0 : index
    %get3A_70 = vector.load %arg12[%get3A_68, %get3A_69] : memref<128x8xf32, #tpu.memory_space<vmem>>, vector<128x8xf32>
    %dot_general3A_71 = arith.constant dense<0.000000e+00> : vector<2000x8xf32>
    %dot_general3A_72 = tpu.matmul %max3A_67, %get3A_70, %dot_general3A_71 {dimension_numbers = #tpu.dot_dimension_numbers<[1], [0], [0], [1], [0, 0, 1, 1], [], []>, transpose_lhs_hint = false} : vector<2000x128xf32>, vector<128x8xf32>, vector<2000x8xf32> -> vector<2000x8xf32>
    %get3A_73 = arith.constant 0 : index
    %get3A_74 = arith.constant 0 : index
    %get3A_75 = vector.load %arg13[%get3A_73, %get3A_74] : memref<1x8xf32, #tpu.memory_space<vmem>>, vector<1x8xf32>
    %add3A_76 = vector.broadcast %get3A_75 : vector<1x8xf32> to vector<2000x8xf32>
    %add3A_77 = arith.addf %dot_general3A_72, %add3A_76 : vector<2000x8xf32>
    %swap3A = arith.constant 0 : index
    %swap3A_78 = arith.constant 0 : index
    %swap3A_79 = vector.load %arg14[%swap3A, %swap3A_78] : memref<2000x8xf32, #tpu.memory_space<vmem>>, vector<2000x8xf32>
    tpu.vector_store %arg14[%swap3A, %swap3A_78], %add3A_77 {strides = array<i32>} : memref<2000x8xf32, #tpu.memory_space<vmem>>, vector<2000x8xf32>,
    return
  }
  func.func @transform_0(%arg0: i32) -> (i32, i32) {
    %c0_i32 = arith.constant 0 : i32
    %c0_i32_0 = arith.constant 0 : i32
    return %arg0, %c0_i32 : i32, i32
  }
  func.func @transform_1(%arg0: i32) -> (i32, i32, i32) {
    %c0_i32 = arith.constant 0 : i32
    %c0_i32_0 = arith.constant 0 : i32
    %c0_i32_1 = arith.constant 0 : i32
    return %c0_i32, %arg0, %c0_i32_0 : i32, i32, i32
  }
  func.func @transform_2(%arg0: i32) -> (i32, i32) {
    %c0_i32 = arith.constant 0 : i32
    %c0_i32_0 = arith.constant 0 : i32
    %c0_i32_1 = arith.constant 0 : i32
    return %c0_i32, %c0_i32_0 : i32, i32
  }
  func.func @transform_3(%arg0: i32) -> (i32, i32) {
    %c0_i32 = arith.constant 0 : i32
    %c0_i32_0 = arith.constant 0 : i32
    %c0_i32_1 = arith.constant 0 : i32
    return %c0_i32, %c0_i32_0 : i32, i32
  }
  func.func @transform_4(%arg0: i32) -> (i32, i32) {
    %c0_i32 = arith.constant 0 : i32
    %c0_i32_0 = arith.constant 0 : i32
    %c0_i32_1 = arith.constant 0 : i32
    return %c0_i32, %c0_i32_0 : i32, i32
  }
  func.func @transform_5(%arg0: i32) -> (i32, i32) {
    %c0_i32 = arith.constant 0 : i32
    %c0_i32_0 = arith.constant 0 : i32
    %c0_i32_1 = arith.constant 0 : i32
    return %c0_i32, %c0_i32_0 : i32, i32
  }
  func.func @transform_6(%arg0: i32) -> (i32, i32) {
    %c0_i32 = arith.constant 0 : i32
    %c0_i32_0 = arith.constant 0 : i32
    %c0_i32_1 = arith.constant 0 : i32
    return %c0_i32, %c0_i32_0 : i32, i32
  }
  func.func @transform_7(%arg0: i32) -> (i32, i32) {
    %c0_i32 = arith.constant 0 : i32
    %c0_i32_0 = arith.constant 0 : i32
    %c0_i32_1 = arith.constant 0 : i32
    return %c0_i32, %c0_i32_0 : i32, i32
  }
  func.func @transform_8(%arg0: i32) -> (i32, i32) {
    %c0_i32 = arith.constant 0 : i32
    %c0_i32_0 = arith.constant 0 : i32
    %c0_i32_1 = arith.constant 0 : i32
    return %c0_i32, %c0_i32_0 : i32, i32
  }
  func.func @transform_9(%arg0: i32) -> (i32, i32) {
    %c0_i32 = arith.constant 0 : i32
    %c0_i32_0 = arith.constant 0 : i32
    %c0_i32_1 = arith.constant 0 : i32
    return %c0_i32, %c0_i32_0 : i32, i32
  }
  func.func @transform_10(%arg0: i32) -> (i32, i32) {
    %c0_i32 = arith.constant 0 : i32
    %c0_i32_0 = arith.constant 0 : i32
    %c0_i32_1 = arith.constant 0 : i32
    return %c0_i32, %c0_i32_0 : i32, i32
  }
  func.func @transform_11(%arg0: i32) -> (i32, i32) {
    %c0_i32 = arith.constant 0 : i32
    %c0_i32_0 = arith.constant 0 : i32
    %c0_i32_1 = arith.constant 0 : i32
    return %c0_i32, %c0_i32_0 : i32, i32
  }
  func.func @transform_12(%arg0: i32) -> (i32, i32) {
    %c0_i32 = arith.constant 0 : i32
    %c0_i32_0 = arith.constant 0 : i32
    %c0_i32_1 = arith.constant 0 : i32
    return %c0_i32, %c0_i32_0 : i32, i32
  }
  func.func @transform_13(%arg0: i32) -> (i32, i32) {
    %c0_i32 = arith.constant 0 : i32
    %c0_i32_0 = arith.constant 0 : i32
    return %arg0, %c0_i32 : i32, i32
  }
}

</mosaic_0001>

<sc_bundles>
// kernel: kernel.5.cloned.1.call-start
scs
__scs_entry_jumppad:
0x0: {  	(pc) =	sbr.rel $0x88, $3  }
0x1: {  	(tag) =	ssettag $0x0;
	lr =	simm.s32 $0x1  }
0x2: {  	[smem:$0x3F8F] =	sst lr;
	_ =	strace $0xD0000000  }
0x3: {  	_ = 	snop  }
0x4: {  	_ = 	snop  }
0x5: {  	_ = 	snop  }
0x6: {  	_ = 	snop  }
0x7: {  	_ = 	snop  }
__scs_overlays_trampoline_lowered:
0x8: {  	[smem:$0x3F9E] =	sst s0  }
0x9: {  	[smem:$0x3F9F] =	sst s1  }
0xa: {  	[smem:$0x3FA0] =	sst s2  }
0xb: {  	[smem:$0x3FA1] =	sst s3  }
0xc: {  	[smem:$0x3FA2] =	sst s4  }
0xd: {  	[smem:$0x3FA3] =	sst s5  }
0xe: {  	[smem:$0x3FA4] =	sst s6  }
0xf: {  	[smem:$0x3FA5] =	sst s7  }
0x10: {  	[smem:$0x3FA6] =	sst s8  }
0x11: {  	[smem:$0x3FA7] =	sst s9;
	s0 =	simm.s32 @!p0 $0x0  }
0x12: {  	s1 =	sld [smem:$0x3F8D];
	s0 =	simm.s32 @p0 $0x1  }
0x13: {  	[smem:$0x3FA8] =	sst s0;
	s0 =	simm.s32 @!p1 $0x0  }
0x14: {  	s2 =	sld [smem:$0x3F8C];
	s0 =	simm.s32 @p1 $0x1  }
0x15: {  	[smem:$0x3FA9] =	sst s0;
	s0 =	simm.s32 @!p2 $0x0  }
0x16: {  	s3 =	sld [smem:$0x3FDB];
	s0 =	simm.s32 @p2 $0x1  }
0x17: {  	s4 =	simm.s32 $0x1BF5;
	[smem:$0x3FAB] =	sst s0  }
0x18: {  	s0 =	sld [smem:$0x3F8E];
	_ =	swait.ge [sflag:s4], $0x0  }
0x19: {  	s7 =	sld [smem:$0x3F8F]  }
0x1a: {  	s8 =	sadd.s32 $0xFFFFE003, lr  }
0x1b: {  	s9 =	sadd.s32 $0xFFFFFEF7, lr;
	s5 =	simm.s32 $0xFFFFFFFF;
	p2 =	slt.u32 s8, $0xFFFFF086  }
0x1c: {  	p1 =	slt.u32 s9, $0xF7A;
	s5 =	simm.s32 @!p2 $0x0  }
0x1d: {  	s5 =	simm.s32 @p1 $0x1;
	p0 =	seq.s32 s7, s2  }
0x1e: {  	s7 =	smul.u32 @!p0 $0xF7A, s2;
	p2 =	seq.s32 @!p0 s5, $0x0  }
0x1f: {  	s9 =	smul.u32 $0xF7A, s1;
	s8 =	simm.s32 @!p0 $0x1BF5;
	p2 =	por !p2, p0  }
0x20: {  	[sflag:s8] =	ssyncset.s32 @!p0 $0xFFFFF086;
	s6 =	sadd.s32 @!p0 s3, s7;
	s7 =	simm.s32 @!p0 $0x108  }
0x21: {  	s3 =	sadd.s32 s3, s9;
	s6 =	sadd.s32 @!p0 $0x88, s6;
	s7 =	simm.s32 @p2 $0x1082  }
0x22: {  	[simem:s7], [sflag:s8] =	dma.local @!p0 [hbm:s6], $0xF7A  }
0x23: {  	s9 =	sor.u32 $0xD0000000, s2;
	s6 =	simm.s32 $0x108;
	_ =	swait.ge @!p0 [sflag:s8], $0x0  }
0x24: {  	s3 =	sadd.s32 $0x88, s3;
	s6 =	simm.s32 @!p1 $0x1082;
	[sflag:s4] =	ssyncset.s32 $0xFFFFF086  }
0x25: {  	[simem:s6], [sflag:s4] =	dma.local [hbm:s3], $0xF7A  }
0x26: {  	[smem:$0x3F8F] =	sst s1;
	(tag) =	ssettag s2;
	_ =	strace s9  }
0x27: {  	s1 =	sld [smem:$0x3F9F]  }
0x28: {  	s2 =	sld [smem:$0x3FA0]  }
0x29: {  	s4 =	sld [smem:$0x3FA2]  }
0x2a: {  	p0 =	seq.s32 s5, $0x0;
	s5 =	sld [smem:$0x3FA3]  }
0x2b: {  	s6 =	sld [smem:$0x3FA4]  }
0x2c: {  	s7 =	sld [smem:$0x3FA5]  }
0x2d: {  	s3 =	simm.s32 $0x108;
	s8 =	sld [smem:$0x3FA6]  }
0x2e: {  	s3 =	simm.s32 @!p0 $0x1082;
	s9 =	sld [smem:$0x3FA7]  }
0x2f: {  	lr =	sadd.s32 s0, s3;
	s0 =	sld [smem:$0x3F9E]  }
0x30: {  	s3 =	sld [smem:$0x3FA1]  }
0x31: {  	[smem:$0x3FAA] =	sst s10  }
0x32: {  	s10 =	sld [smem:$0x3FA8];
	_ =	sdelay $0x3  }
0x33: {  	p0 =	seq.s32 s10, $0x1;
	s10 =	sld [smem:$0x3FAA];
	_ =	sdelay $0x3  }
0x34: {  	[smem:$0x3FAA] =	sst s10  }
0x35: {  	s10 =	sld [smem:$0x3FA9];
	_ =	sdelay $0x3  }
0x36: {  	p1 =	seq.s32 s10, $0x1;
	s10 =	sld [smem:$0x3FAA];
	_ =	sdelay $0x3  }
0x37: {  	[smem:$0x3FAA] =	sst s10  }
0x38: {  	s10 =	sld [smem:$0x3FAB]  }
0x39: {  	_ = 	snop;
	(pc) =	sbr.ind lr, $3  }
0x3a: {  	_ = 	snop  }
0x3b: {  	_ = 	snop  }
0x3c: {  	p2 =	seq.s32 s10, $0x1;
	s10 =	sld [smem:$0x3FAA]  }
0x3d: {  	_ =	shalt  }
0x3e: {  	_ =	shalt  }
0x3f: {  	_ =	shalt  }
0x40: {  	_ =	shalt  }
0x41: {  	_ =	shalt  }
0x42: {  	_ =	shalt  }
0x43: {  	_ =	shalt  }
0x44: {  	_ =	shalt  }
0x45: {  	_ =	shalt  }
0x46: {  	_ =	shalt  }
0x47: {  	_ =	shalt  }
0x48: {  	_ =	shalt  }
0x49: {  	_ =	shalt  }
0x4a: {  	_ =	shalt  }
0x4b: {  	_ =	shalt  }
0x4c: {  	_ =	shalt  }
0x4d: {  	_ =	shalt  }
0x4e: {  	_ =	shalt  }
0x4f: {  	_ =	shalt  }
0x50: {  	_ =	shalt  }
0x51: {  	_ =	shalt  }
0x52: {  	_ =	shalt  }
0x53: {  	_ =	shalt  }
0x54: {  	_ =	shalt  }
0x55: {  	_ =	shalt  }
0x56: {  	_ =	shalt  }
0x57: {  	_ =	shalt  }
0x58: {  	_ =	shalt  }
0x59: {  	_ =	shalt  }
0x5a: {  	_ =	shalt  }
0x5b: {  	_ =	shalt  }
0x5c: {  	_ =	shalt  }
0x5d: {  	_ =	shalt  }
0x5e: {  	_ =	shalt  }
0x5f: {  	_ =	shalt  }
0x60: {  	_ =	shalt  }
0x61: {  	_ =	shalt  }
0x62: {  	_ =	shalt  }
0x63: {  	_ =	shalt  }
0x64: {  	_ =	shalt  }
0x65: {  	_ =	shalt  }
0x66: {  	_ =	shalt  }
0x67: {  	_ =	shalt  }
0x68: {  	_ =	shalt  }
0x69: {  	_ =	shalt  }
0x6a: {  	_ =	shalt  }
0x6b: {  	_ =	shalt  }
0x6c: {  	_ =	shalt  }
0x6d: {  	_ =	shalt  }
0x6e: {  	_ =	shalt  }
0x6f: {  	_ =	shalt  }
0x70: {  	_ =	shalt  }
0x71: {  	_ =	shalt  }
0x72: {  	_ =	shalt  }
0x73: {  	_ =	shalt  }
0x74: {  	_ =	shalt  }
0x75: {  	_ =	shalt  }
0x76: {  	_ =	shalt  }
0x77: {  	_ =	shalt  }
0x78: {  	_ =	shalt  }
0x79: {  	_ =	shalt  }
0x7a: {  	_ =	shalt  }
0x7b: {  	_ =	shalt  }
0x7c: {  	_ =	shalt  }
0x7d: {  	_ =	shalt  }
0x7e: {  	_ =	shalt  }
0x7f: {  	_ =	shalt  }
0x80: {  	_ =	shalt  }
0x81: {  	_ =	shalt  }
0x82: {  	_ =	shalt  }
0x83: {  	_ =	shalt  }
0x84: {  	_ =	shalt  }
0x85: {  	_ =	shalt  }
0x86: {  	_ =	shalt  }
0x87: {  	_ =	shalt  }
.Lfunc_end0:
.L_simem_size_0:
called_computation_lowered:
.L_overlay_start_0:
0x88: {  	s2 =	sld [smem:$0x3FD9]  }
0x89: {  	s3 =	sld [smem:$0x3FFE];
	_ =	sdelay $0x1  }
0x8a: {  	s1 =	srdreg.scid  }
0x8b: {  	s0 =	sand.u32 $0x1, s1  }
0x8c: {  	s17 =	sshll.u32 s0, $0xA;
	s2 =	sadd.s32 s3, s2  }
0x8d: {  	s2 =	sadd.s32 s2, s17  }
0x8e: {  	[smem:$0x3FB6] =	sst s2  }
0x8f: {  	_ = 	snop  }
0x90: {  	s2 =	sld [smem:$0x3FD0];
	(tm) =	ssettm $0x1  }
0x91: {  	s18 =	sld [smem:$0x3FFB];
	_ =	sdelay $0x3  }
0x92: {  	_ =	strace s18  }
0x93: {  	s3 =	sld [smem:$0x3FFC];
	_ =	sdelay $0x3  }
0x94: {  	_ =	strace s3  }
0x95: {  	s3 =	sld [smem:$0x3FFD];
	_ =	sdelay $0x3  }
0x96: {  	_ =	strace s3  }
0x97: {  	_ =	strace $0x8FFFFFFF  }
0x98: {  	s19 =	sld [smem:$0x3FDB];
	_ =	sdelay $0x1  }
0x99: {  	s4 =	simm.s32 $_scs_section_size  }
0x9a: {  	s5 =	simm.s32 $_size__tile_overlayer_lowered;
	s6 =	simm.s32 $_tile_overlayer_lowered  }
0x9b: {  	s22 =	simm.s32 $0x1BFF;
	s21 =	sshll.u32 s6, $0x1;
	s3 =	sadd.s32 s4, s19  }
0x9c: {  	s7 =	simm.s32 $0x0;
	s20 =	sshll.u32 s5, $0x1;
	s5 =	sadd.s32 s21, s3  }
0x9d: {  	[timem:s7], [sflag:s22] =	dma.local [hbm:s5], s20  }
0x9e: {  	_ =	swait.ge [sflag:s22], s20  }
0x9f: {  	s4 =	ssub.s32 $0x0, s20;
	[sflag:s22] =	ssyncset.done $0x0  }
0xa0: {  	[sflag:s22] =	ssyncadd.s32 s4;
	_ =	sdelay $0x1  }
0xa1: {  	s23 =	simm.s32 $0x1B8B  }
0xa2: {  	_ =	swait.ge [sflag:s23], $0x1  }
0xa3: {  	[sflag:s23] =	ssyncset.done $0x0  }
0xa4: {  	s25 =	simm.s32 $0x1B8E;
	s24 =	sld [smem:$0x3FFE];
	[sflag:s23] =	ssyncadd.s32 $0xFFFFFFFF  }
0xa5: {  	s26 =	simm.s32 $execute0_lowered;
	[smem:$0x3FD2] =	sst s25  }
0xa6: {  	s5 =	sshll.u32 s26, $0x1;
	_ =	strace $0x80000046;
	[dreg:$0x1] =	wrdreg $0xFFFFFFFF  }
0xa7: {  	s28 =	simm.s32 $_size_execute0_lowered;
	s3 =	sadd.s32 s3, s5;
	[dreg:$0x0] =	wrdreg $0x0  }
0xa8: {  	s5 =	sshll.u32 s28, $0x1;
	[dreg:$0x2] =	wrdreg s3  }
0xa9: {  	[dreg:$0x3] =	wrdreg s5  }
0xaa: {  	[dreg:$0x4] =	wrdreg $0xC0  }
0xab: {  	_ =	task [dreg:s7], $0x5FFFF  }
0xac: {  	[dreg:$0x1] =	wrdreg $0xFFFFFFFF  }
0xad: {  	[dreg:$0x0] =	wrdreg $0x60  }
0xae: {  	[dreg:$0x2] =	wrdreg s24  }
0xaf: {  	[dreg:$0x3] =	wrdreg s2  }
0xb0: {  	[dreg:$0x4] =	wrdreg $0x10CC00  }
0xb1: {  	[dreg:$0x5] =	wrdreg $0x9  }
0xb2: {  	_ =	task.clear_ibuf [dreg:s7], $0x6FFFF;
	_ =	strace $0x90000046  }
0xb3: {  	s29 =	simm.s32 $0x9;
	_ =	strace $0x80000048  }
0xb4: {  	_ =	swait.ge [sflag:s29], $0x1  }
0xb5: {  	[sflag:s29] =	ssyncadd.s32 $0xFFFFFFFF  }
0xb6: {  	_ =	strace $0x90000048  }
0xb7: {  	_ =	sfence  }
0xb8: {  	s30 =	sld [smem:$0x0];
	_ =	sdelay $0x2  }
0xb9: {  	s31 =	sshll.u32 s1, $0xD;
	s1 =	sshrl.u32 s1, $0x2  }
0xba: {  	s3 =	sand.u32 $0x4000, s31;
	s1 =	sadd.s32 s1, s30  }
0xbb: {  	s0 =	sor.u32 s3, s0;
	s1 =	sshll.u32 s1, $0x11  }
0xbc: {  	s0 =	sor.u32 s1, s0  }
0xbd: {  	s0 =	sadd.s32 $0x8F2B, s0  }
0xbe: {  	[sflag:s0] =	ssyncadd.remote.s32 $0x1  }
0xbf: {  	_ =	sfence.sel $0xFFFF  }
0xc0: {  	[dreg:$0x0] =	wrdreg $0xFFFFFFFF;
	(pc) =	sbr.abs _section_cstart, $3  }
0xc1: {  	[dreg:$0x1] =	wrdreg $0xFFFFFFFF  }
0xc2: {  	_ =	task.clear_ibuf [dreg:s7], $0x2FFFF;
	_ =	strace $0x9FFFFFFF  }
0xc3: {  	(tm) =	ssettm $0x7FFFFFFF  }
tec
execute0_lowered:
.L_overlay_start_1:
0x0: {  	(tag) =	ssettag $0x1  }
0x1: {  	s0 =	rddreg [dreg:$0x0]  }
0x2: {  	s3 =	rddreg [dreg:$0x2]  }
0x3: {  	s4 =	simm.s32 $0x0;
	s1 =	srdreg.scid;
	s10 =	stileid.u32  }
0x4: {  	s15 =	simm.s32 $0x5;
	s16 =	simm.s32 $0xCE40;
	s17 =	simm.s32 $0x190  }
0x5: {  	s18 =	simm.s32 $0x640;
	s19 =	simm.s32 $0x6A40;
	s20 =	simm.s32 $0x320  }
0x6: {  	s21 =	simm.s32 $0x1;
	s28 =	simm.s32 $0x3;
	s29 =	simm.s32 $0x3E8  }
0x7: {  	s30 =	simm.s32 $0x578;
	s31 =	simm.s32 $0x0;
	[smem:$0x7FF] =	sst s4  }
0x8: {  	s1 =	sand.u32 $0x1, s1;
	s2 =	smul.u32 $0x19000, s10;
	s5 =	sadd.s32 $0x2000, s0  }
0x9: {  	s6 =	sadd.s32 $0x29200, s0;
	s22 =	sadd.s32 $0x3CC00, s0;
	s23 =	sshll.u32 s10, $0x6  }
0xa: {  	_ =	strace $0x80000047;
	s7 =	smul.u32 $0x190000, s1;
	s8 =	sshll.u32 s1, $0x4  }
0xb: {  	s1 =	ssub.s32 $0x2, s1;
	[dreg:$0x4] =	wrdreg s22;
	s22 =	simm.s32 $0x4  }
0xc: {  	s8 =	sor.u32 s10, s8;
	s9 =	sshrl.u32 s1, $0x1;
	s7 =	sadd.s32 s2, s7  }
0xd: {  	s11 =	smul.u32 $0x4E20, s8;
	s1 =	ssub.s32 s1, s9;
	s2 =	sshrl.u32 s2, $0x1  }
0xe: {  	s8 =	sor.u32 $0x1C05, s23;
	s23 =	simm.s32 $0xC8;
	s7 =	sshrl.u32 s7, $0x4  }
0xf: {  	s2 =	sadd.s32 s2, s3;
	s26 =	smax.u32 s1, $0x1;
	s0 =	sadd.s32 s7, s0  }
0x10: {  	s24 =	sshrl.u32 s11, $0x3;
	s10 =	sadd.s32 $0x320, s11;
	s11 =	sadd.s32 $0x640, s11  }
0x11: {  	[dreg:$0x7] =	wrdreg s26;
	s14 =	sshrl.u32 s2, $0x3;
	s25 =	sadd.s32 s6, s24  }
0x12: {  	s26 =	simm.s32 $0x258;
	s0 =	sadd.s32 $0x3D400, s0;
	[dreg:$0x5] =	wrdreg s25  }
0x13: {  	v0 =	vimm.bf16 $0.0e+00;
	s24 =	simm.s32 $0x2;
	[dreg:$0x6] =	wrdreg s0;
	s25 =	simm.s32 $0x4B0  }
.LBB2_1:
0x14: {  	s0 =	rddreg [dreg:$0x1]  }
0x15: {  	[spmem:s14], [sflag:s8] =	dma.local [hbm:s0], $0x1900  }
0x16: {  	_ =	swait.ge [sflag:s15], $0x1900  }
0x17: {  	[sflag:s15] =	ssyncset.done $0x0  }
0x18: {  	s12 =	rddreg [dreg:$0x4];
	[sflag:s15] =	ssyncadd.s32 $0xFFFFE700  }
0x19: {  	[tilespmem:s16], [sflag:$0x5] =	stream.linear.gather [hbm4b:s12+s4], $0x3E80, $0x38;
	[tilespmem:$0x1D4C0] =	vst v63  }
0x1a: {  	_ =	swait.ge [sflag:s15], $0x3E80  }
0x1b: {  	[sflag:s15] =	ssyncset.done $0x0  }
0x1c: {  	[sflag:s15] =	ssyncadd.s32 $0xFFFFC180  }
0x1d: {  	[bflag:$0x0] =	sbarrier.arrive $0xFFFF  }
0x1e: {  	s13 =	rddreg [dreg:$0x5]  }
0x1f: {  	[tilespmem:s4], [sflag:$0x5] =	stream.linear.gather [hbm4b:s13+s4], $0x320, $0x38;
	[tilespmem:$0x1D4C0] =	vst v63  }
0x20: {  	_ =	swait.ge [sflag:s15], $0x320  }
0x21: {  	[sflag:s15] =	ssyncset.done $0x0  }
0x22: {  	[sflag:s15] =	ssyncadd.s32 $0xFFFFFCE0  }
0x23: {  	[tilespmem:s18], [sflag:$0x1] =	stream.indirect.gather [hbm4b:s5+s17], $0x40, s4, s17, $0xb8;
	[tilespmem:$0x1D4C0] =	vst v63  }
0x24: {  	s0 =	simm.s32 $0x0  }
0x25: {  	[tilespmem:s19], [sflag:$0x2] =	stream.indirect.gather [hbm4b:s5+s17], $0x40, s17, s17, $0xb8;
	[tilespmem:$0x1D4C0] =	vst v63  }
.LBB2_2:
0x26: {  	s2 =	smul.u32 $0x640, s0;
	_ =	sdelay $0x1  }
0x27: {  	s1 =	sadd.s32 s2, s10  }
0x28: {  	s1 =	sshrl.u32 s1, $0x3  }
0x29: {  	s1 =	sadd.s32 s6, s1  }
0x2a: {  	[tilespmem:s20], [sflag:$0x4] =	stream.linear.gather [hbm4b:s1+s4], $0x320, $0x38;
	[tilespmem:$0x1D4C0] =	vst v63  }
0x2b: {  	_ =	swait.ge [sflag:s21], $0x6400  }
0x2c: {  	[sflag:s21] =	ssyncset.done $0x0  }
0x2d: {  	s12 =	simm.s32 $0x3930;
	[sflag:s21] =	ssyncadd.s32 $0xFFFF9C00  }
0x2e: {  	v1 =	vld [tilespmem:s12+$0xFFFFCDD0]  }
0x2f: {  	v2 =	vld [tilespmem:s12+$0xFFFFFFD0];
	_ =	sdelay $0x1  }
0x30: {  	v3 =	vld [tilespmem:s12+$0xFFFFCD50]  }
0x31: {  	v4 =	vld [tilespmem:s12+$0xFFFFFF50]  }
0x32: {  	v5 =	vld [tilespmem:s12+$0xFFFFFF10]  }
0x33: {  	v1 =	vadd.bf16 v2, v1;
	v2 =	vld [tilespmem:s12+$0xFFFFCD10]  }
0x34: {  	v6 =	vld [tilespmem:s12+$0xFFFFCD90]  }
0x35: {  	s7 =	simm.s32 $0x3A30;
	s1 =	simm.s32 $0xCEE0;
	v7 =	vld [tilespmem:s12+$0xFFFFFF90];
	v1 =	vmax.bf16 v1, v0  }
0x36: {  	v9 =	vld [tilespmem:s7+$0xFFFFCDD0];
	[tilespmem:s1+$0x50] =	vst v1;
	v1 =	vadd.bf16 v4, v3  }
0x37: {  	v10 =	vld [tilespmem:s7+$0xFFFFFFD0]  }
0x38: {  	v3 =	vld [tilespmem:s12+$0xFFFFCDE0];
	v1 =	vmax.bf16 v1, v0;
	v2 =	vadd.bf16 v5, v2  }
0x39: {  	v4 =	vld [tilespmem:s12+$0xFFFFFFE0];
	[tilespmem:s1+$0xFFFFFFB0] =	vst v1  }
0x3a: {  	v1 =	vadd.bf16 v7, v6;
	v5 =	vld [tilespmem:s12+$0xFFFFCD60];
	v2 =	vmax.bf16 v2, v0  }
0x3b: {  	v6 =	vld [tilespmem:s12+$0xFFFFFF60];
	[tilespmem:s1+$0xFFFFFF60] =	vst v2  }
0x3c: {  	v1 =	vmax.bf16 v1, v0;
	v2 =	vld [tilespmem:s12+$0xFFFFCD20]  }
0x3d: {  	[tilespmem:s1+$0x0] =	vst v1;
	v1 =	vld [tilespmem:s12+$0xFFFFFF20]  }
0x3e: {  	v3 =	vadd.bf16 v4, v3;
	v4 =	vld [tilespmem:s12+$0xFFFFCDA0]  }
0x3f: {  	v7 =	vld [tilespmem:s12+$0xFFFFFFA0]  }
0x40: {  	v11 =	vld [tilespmem:s7+$0xFFFFFF10];
	v3 =	vmax.bf16 v3, v0  }
0x41: {  	v12 =	vld [tilespmem:s7+$0xFFFFCD50];
	[tilespmem:s1+$0x60] =	vst v3;
	v3 =	vadd.bf16 v6, v5  }
0x42: {  	v13 =	vld [tilespmem:s7+$0xFFFFCD90];
	v1 =	vadd.bf16 v1, v2  }
0x43: {  	v5 =	vld [tilespmem:s12+$0xFFFFCDF0];
	v3 =	vmax.bf16 v3, v0  }
0x44: {  	v6 =	vld [tilespmem:s12+$0xFFFFFFF0];
	[tilespmem:s1+$0xFFFFFFC0] =	vst v3;
	v3 =	vadd.bf16 v7, v4;
	v1 =	vmax.bf16 v1, v0  }
0x45: {  	v2 =	vld [tilespmem:s12+$0xFFFFCD70];
	[tilespmem:s1+$0xFFFFFF70] =	vst v1  }
0x46: {  	v1 =	vmax.bf16 v3, v0;
	v3 =	vld [tilespmem:s12+$0xFFFFCD30]  }
0x47: {  	[tilespmem:s1+$0x10] =	vst v1;
	v1 =	vld [tilespmem:s12+$0xFFFFFF30]  }
0x48: {  	v4 =	vld [tilespmem:s12+$0xFFFFFF70]  }
0x49: {  	v9 =	vadd.bf16 v10, v9;
	v10 =	vld [tilespmem:s7+$0xFFFFFF90];
	v5 =	vadd.bf16 v6, v5  }
0x4a: {  	v6 =	vld [tilespmem:s12+$0xFFFFCDB0]  }
0x4b: {  	v7 =	vld [tilespmem:s12+$0xFFFFFFB0];
	v5 =	vmax.bf16 v5, v0  }
0x4c: {  	[tilespmem:s1+$0x70] =	vst v5;
	v1 =	vadd.bf16 v1, v3;
	v3 =	vld [tilespmem:s7+$0xFFFFFF50]  }
0x4d: {  	s9 =	simm.s32 $0xD020;
	v2 =	vadd.bf16 v4, v2;
	v4 =	vmax.bf16 v9, v0;
	v5 =	vld [tilespmem:s12+$0xFFFFCE00]  }
0x4e: {  	v8 =	vld [tilespmem:s12+$0x0];
	[tilespmem:s9+$0x50] =	vst v4;
	v1 =	vmax.bf16 v1, v0  }
0x4f: {  	[tilespmem:s1+$0xFFFFFF80] =	vst v1;
	v1 =	vld [tilespmem:s7+$0xFFFFCD10]  }
0x50: {  	v59 =	vld [tilespmem:s7+$0xFFFFCDE0];
	v6 =	vadd.bf16 v7, v6  }
0x51: {  	v2 =	vmax.bf16 v2, v0;
	v9 =	vld [tilespmem:s12+$0xFFFFCD40];
	v3 =	vadd.bf16 v3, v12  }
0x52: {  	[tilespmem:s1+$0xFFFFFFD0] =	vst v2;
	v6 =	vmax.bf16 v6, v0;
	v4 =	vld [tilespmem:s12+$0xFFFFFF40]  }
0x53: {  	[tilespmem:s1+$0x20] =	vst v6;
	v2 =	vmax.bf16 v3, v0;
	v3 =	vadd.bf16 v10, v13;
	v10 =	vld [tilespmem:s7+$0xFFFFFFE0]  }
0x54: {  	v63 =	vld [tilespmem:s12+$0xFFFFCDC0];
	v1 =	vadd.bf16 v11, v1;
	[tilespmem:s9+$0xFFFFFFB0] =	vst v2  }
0x55: {  	v2 =	vld [tilespmem:s7+$0xFFFFCD60]  }
0x56: {  	v60 =	vld [tilespmem:s7+$0xFFFFFF60];
	v1 =	vmax.bf16 v1, v0  }
0x57: {  	v11 =	vld [tilespmem:s12+$0xFFFFCD80];
	v3 =	vmax.bf16 v3, v0;
	[tilespmem:s9+$0xFFFFFF60] =	vst v1  }
0x58: {  	[tilespmem:s9+$0x0] =	vst v3;
	v3 =	vld [tilespmem:s7+$0xFFFFCD20];
	v10 =	vadd.bf16 v10, v59  }
0x59: {  	v61 =	vld [tilespmem:s7+$0xFFFFFF20]  }
0x5a: {  	v1 =	vld [tilespmem:s7+$0xFFFFCDA0];
	v10 =	vmax.bf16 v10, v0  }
0x5b: {  	v7 =	vld [tilespmem:s7+$0xFFFFFFA0];
	v2 =	vadd.bf16 v60, v2;
	[tilespmem:s9+$0x60] =	vst v10  }
0x5c: {  	v62 =	vld [tilespmem:s7+$0xFFFFCDF0]  }
0x5d: {  	v2 =	vmax.bf16 v2, v0;
	v6 =	vld [tilespmem:s7+$0xFFFFFFF0]  }
0x5e: {  	v10 =	vld [tilespmem:s12+$0xFFFFFF80];
	v3 =	vadd.bf16 v61, v3;
	[tilespmem:s9+$0xFFFFFFC0] =	vst v2  }
0x5f: {  	v14 =	vld [tilespmem:s7+$0xFFFFCD70]  }
0x60: {  	v1 =	vadd.bf16 v7, v1;
	v7 =	vld [tilespmem:s7+$0xFFFFFF70];
	v2 =	vmax.bf16 v3, v0  }
0x61: {  	v3 =	vadd.bf16 v8, v5;
	v8 =	vld [tilespmem:s12+$0xFFFFFFC0];
	[tilespmem:s9+$0xFFFFFF70] =	vst v2  }
0x62: {  	v1 =	vmax.bf16 v1, v0;
	v6 =	vadd.bf16 v6, v62;
	v2 =	vld [tilespmem:s7+$0xFFFFCD30]  }
0x63: {  	v4 =	vadd.bf16 v4, v9;
	[tilespmem:s9+$0x10] =	vst v1;
	v3 =	vmax.bf16 v3, v0;
	v5 =	vld [tilespmem:s7+$0xFFFFFF30]  }
0x64: {  	v1 =	vadd.bf16 v10, v11;
	[tilespmem:s1+$0x80] =	vst v3;
	v3 =	vld [tilespmem:s7+$0xFFFFCDB0];
	v6 =	vmax.bf16 v6, v0  }
0x65: {  	v4 =	vmax.bf16 v4, v0;
	v9 =	vadd.bf16 v7, v14;
	[tilespmem:s9+$0x70] =	vst v6;
	v6 =	vld [tilespmem:s7+$0xFFFFFFB0]  }
0x66: {  	[tilespmem:s1+$0xFFFFFF90] =	vst v4;
	v4 =	vmax.bf16 v1, v0;
	v7 =	vadd.bf16 v8, v63;
	v1 =	vld [tilespmem:s7+$0xFFFFCE00]  }
0x67: {  	s13 =	simm.s32 $0x3B30;
	s12 =	simm.s32 $0x4;
	[tilespmem:s1+$0xFFFFFFE0] =	vst v4;
	v8 =	vmax.bf16 v9, v0;
	v4 =	vld [tilespmem:s7+$0x0]  }
.LBB2_3:
0x68: {  	v9 =	vld [tilespmem:s13+$0xFFFFCDD0];
	v2 =	vadd.bf16 v5, v2;
	[tilespmem:s9+$0xFFFFFFD0] =	vst v8;
	v5 =	vmax.bf16 v7, v0  }
0x69: {  	v7 =	vld [tilespmem:s13+$0xFFFFFFD0];
	[tilespmem:s1+$0x30] =	vst v5;
	s1 =	smov.u32 s9  }
0x6a: {  	v5 =	vld [tilespmem:s13+$0xFFFFFF10];
	v2 =	vmax.bf16 v2, v0;
	v3 =	vadd.bf16 v6, v3  }
0x6b: {  	v6 =	vld [tilespmem:s13+$0xFFFFCD50];
	[tilespmem:s9+$0xFFFFFF80] =	vst v2  }
0x6c: {  	s12 =	sadd.s32 $0x4, s12;
	v2 =	vld [tilespmem:s13+$0xFFFFFF50];
	v3 =	vmax.bf16 v3, v0;
	v1 =	vadd.bf16 v4, v1  }
0x6d: {  	p0 =	slt.u32 s12, $0xC4;
	v4 =	vld [tilespmem:s13+$0xFFFFCD90];
	[tilespmem:s9+$0x20] =	vst v3  }
0x6e: {  	v3 =	vld [tilespmem:s13+$0xFFFFFF90];
	v7 =	vadd.bf16 v7, v9;
	v1 =	vmax.bf16 v1, v0  }
0x6f: {  	v8 =	vld [tilespmem:s13+$0xFFFFCD10];
	[tilespmem:s9+$0x80] =	vst v1  }
0x70: {  	s9 =	sadd.s32 $0x140, s9;
	v1 =	vmax.bf16 v7, v0;
	v7 =	vld [tilespmem:s7+$0xFFFFCD40]  }
0x71: {  	v2 =	vadd.bf16 v2, v6;
	[tilespmem:s9+$0x50] =	vst v1;
	v1 =	vld [tilespmem:s7+$0xFFFFFF40]  }
0x72: {  	v6 =	vld [tilespmem:s13+$0xFFFFCDE0]  }
0x73: {  	v2 =	vmax.bf16 v2, v0;
	v3 =	vadd.bf16 v3, v4;
	v4 =	vld [tilespmem:s13+$0xFFFFFFE0]  }
0x74: {  	v5 =	vadd.bf16 v5, v8;
	[tilespmem:s9+$0xFFFFFFB0] =	vst v2;
	v2 =	vld [tilespmem:s7+$0xFFFFCD80]  }
0x75: {  	v8 =	vld [tilespmem:s13+$0xFFFFCD60];
	v3 =	vmax.bf16 v3, v0  }
0x76: {  	v5 =	vmax.bf16 v5, v0;
	v9 =	vld [tilespmem:s13+$0xFFFFFF60];
	[tilespmem:s9+$0x0] =	vst v3;
	v1 =	vadd.bf16 v1, v7  }
0x77: {  	[tilespmem:s9+$0xFFFFFF60] =	vst v5;
	v3 =	vld [tilespmem:s13+$0xFFFFCDA0]  }
0x78: {  	v5 =	vld [tilespmem:s13+$0xFFFFCD20];
	v4 =	vadd.bf16 v4, v6;
	v1 =	vmax.bf16 v1, v0  }
0x79: {  	v6 =	vld [tilespmem:s13+$0xFFFFFF20];
	[tilespmem:s1+$0xFFFFFF90] =	vst v1  }
0x7a: {  	v1 =	vld [tilespmem:s13+$0xFFFFFFA0];
	v4 =	vmax.bf16 v4, v0  }
0x7b: {  	v7 =	vadd.bf16 v9, v8;
	[tilespmem:s9+$0x60] =	vst v4;
	v4 =	vld [tilespmem:s7+$0xFFFFFF80]  }
0x7c: {  	v8 =	vld [tilespmem:s13+$0xFFFFCDF0]  }
0x7d: {  	v7 =	vmax.bf16 v7, v0;
	v9 =	vld [tilespmem:s13+$0xFFFFFFF0]  }
0x7e: {  	v5 =	vadd.bf16 v6, v5;
	[tilespmem:s9+$0xFFFFFFC0] =	vst v7;
	v7 =	vld [tilespmem:s7+$0xFFFFCDC0]  }
0x7f: {  	v6 =	vld [tilespmem:s13+$0xFFFFCD70];
	v1 =	vadd.bf16 v1, v3  }
0x80: {  	v3 =	vmax.bf16 v5, v0;
	v10 =	vld [tilespmem:s13+$0xFFFFFF70];
	v4 =	vadd.bf16 v4, v2  }
0x81: {  	[tilespmem:s9+$0xFFFFFF70] =	vst v3;
	v1 =	vmax.bf16 v1, v0;
	v11 =	vld [tilespmem:s7+$0xFFFFFFC0];
	s7 =	smov.u32 s13  }
0x82: {  	v2 =	vld [tilespmem:s13+$0xFFFFCD30];
	[tilespmem:s9+$0x10] =	vst v1;
	v1 =	vadd.bf16 v9, v8;
	v3 =	vmax.bf16 v4, v0  }
.Ltmp0:
0x83: {  	v5 =	vld [tilespmem:s13+$0xFFFFFF30];
	[tilespmem:s1+$0xFFFFFFE0] =	vst v3;
	(pc) =	sbr.rel @p0 .LBB2_3-.Ltmp0, $4  }
0x84: {  	v3 =	vld [tilespmem:s13+$0xFFFFCDB0];
	v1 =	vmax.bf16 v1, v0  }
0x85: {  	v4 =	vadd.bf16 v10, v6;
	v6 =	vld [tilespmem:s13+$0xFFFFFFB0];
	[tilespmem:s9+$0x70] =	vst v1  }
0x86: {  	v1 =	vld [tilespmem:s13+$0xFFFFCE00];
	v7 =	vadd.bf16 v11, v7  }
0x87: {  	s13 =	sadd.s32 $0x100, s13;
	v8 =	vmax.bf16 v4, v0;
	v4 =	vld [tilespmem:s7+$0x0]  }
0x88: {  	v2 =	vadd.bf16 v5, v2;
	_ =	sdelay $0x1  }
0x89: {  	[tilespmem:s9+$0xFFFFFFD0] =	vst v8;
	v2 =	vmax.bf16 v2, v0  }
0x8a: {  	[tilespmem:s9+$0xFFFFFF80] =	vst v2;
	v2 =	vadd.bf16 v6, v3;
	v6 =	vld [tilespmem:s7+$0xFFFFCD80]  }
0x8b: {  	v3 =	vld [tilespmem:s7+$0xFFFFCD40]  }
0x8c: {  	v5 =	vld [tilespmem:s7+$0xFFFFFF40];
	v2 =	vmax.bf16 v2, v0  }
0x8d: {  	[tilespmem:s9+$0x20] =	vst v2;
	v2 =	vld [tilespmem:s7+$0xFFFFFF80]  }
0x8e: {  	v8 =	vld [tilespmem:s7+$0xFFFFCDC0]  }
0x8f: {  	v9 =	vld [tilespmem:s7+$0xFFFFFFC0];
	_ =	sdelay $0x1  }
0x90: {  	v1 =	vadd.bf16 v4, v1  }
0x91: {  	v4 =	vmax.bf16 v7, v0;
	v3 =	vadd.bf16 v5, v3  }
0x92: {  	[tilespmem:s1+$0x30] =	vst v4;
	v1 =	vmax.bf16 v1, v0;
	v2 =	vadd.bf16 v2, v6  }
0x93: {  	[tilespmem:s9+$0x80] =	vst v1;
	v1 =	vmax.bf16 v3, v0;
	v3 =	vadd.bf16 v9, v8  }
0x94: {  	[tilespmem:s9+$0xFFFFFF90] =	vst v1;
	v1 =	vmax.bf16 v2, v0  }
0x95: {  	[tilespmem:s9+$0xFFFFFFE0] =	vst v1;
	v1 =	vmax.bf16 v3, v0  }
0x96: {  	[tilespmem:s9+$0x30] =	vst v1  }
0x97: {  	_ =	swait.ge [sflag:s22], $0x320  }
0x98: {  	[sflag:s22] =	ssyncset.done $0x0  }
0x99: {  	[sflag:s22] =	ssyncadd.s32 $0xFFFFFCE0  }
0x9a: {  	[tilespmem:s18], [sflag:$0x1] =	stream.indirect.gather [hbm4b:s5+s17], $0x40, s20, s17, $0xb8;
	[tilespmem:$0x1D4C0] =	vst v63  }
0x9b: {  	_ = 	snop  }
0x9c: {  	[spmem:s3] =	stream.indirect.scatter.add.bf16 [tilespmem:s16], [sflag:$0x5], $0x50, s23, s23, $0xb8;
	[tilespmem:$0x1D4C0] =	vst v63  }
0x9d: {  	_ =	swait.ge [sflag:s15], $0x3E80  }
0x9e: {  	[sflag:s15] =	ssyncset.done $0x0  }
0x9f: {  	[sflag:s15] =	ssyncadd.s32 $0xFFFFC180  }
0xa0: {  	_ =	swait.ge [sflag:s24], $0x6400  }
0xa1: {  	[sflag:s24] =	ssyncset.done $0x0  }
0xa2: {  	s12 =	simm.s32 $0x6A40;
	[sflag:s24] =	ssyncadd.s32 $0xFFFF9C00  }
0xa3: {  	v1 =	vld [tilespmem:s12+$0xC0]  }
0xa4: {  	v2 =	vld [tilespmem:s12+$0x32C0];
	_ =	sdelay $0x1  }
0xa5: {  	v3 =	vld [tilespmem:s12+$0x40]  }
0xa6: {  	v4 =	vld [tilespmem:s12+$0x3240]  }
0xa7: {  	v5 =	vld [tilespmem:s12+$0x3200]  }
0xa8: {  	v1 =	vadd.bf16 v2, v1;
	v2 =	vld [tilespmem:s12+$0x0]  }
0xa9: {  	v6 =	vld [tilespmem:s12+$0x80]  }
0xaa: {  	s1 =	simm.s32 $0xCEE0;
	s7 =	simm.s32 $0x6B40;
	v7 =	vld [tilespmem:s12+$0x3280];
	v1 =	vmax.bf16 v1, v0  }
0xab: {  	v9 =	vld [tilespmem:s7+$0xC0];
	[tilespmem:s1+$0x50] =	vst v1;
	v1 =	vadd.bf16 v4, v3  }
0xac: {  	v10 =	vld [tilespmem:s7+$0x32C0]  }
0xad: {  	v3 =	vld [tilespmem:s12+$0xD0];
	v1 =	vmax.bf16 v1, v0;
	v2 =	vadd.bf16 v5, v2  }
0xae: {  	v4 =	vld [tilespmem:s12+$0x32D0];
	[tilespmem:s1+$0xFFFFFFB0] =	vst v1  }
0xaf: {  	v1 =	vadd.bf16 v7, v6;
	v5 =	vld [tilespmem:s12+$0x50];
	v2 =	vmax.bf16 v2, v0  }
0xb0: {  	v6 =	vld [tilespmem:s12+$0x3250];
	[tilespmem:s1+$0xFFFFFF60] =	vst v2  }
0xb1: {  	v1 =	vmax.bf16 v1, v0;
	v2 =	vld [tilespmem:s12+$0x10]  }
0xb2: {  	[tilespmem:s1+$0x0] =	vst v1;
	v1 =	vld [tilespmem:s12+$0x3210]  }
0xb3: {  	v3 =	vadd.bf16 v4, v3;
	v4 =	vld [tilespmem:s12+$0x90]  }
0xb4: {  	v7 =	vld [tilespmem:s12+$0x3290]  }
0xb5: {  	v11 =	vld [tilespmem:s7+$0x3200];
	v3 =	vmax.bf16 v3, v0  }
0xb6: {  	v12 =	vld [tilespmem:s7+$0x40];
	[tilespmem:s1+$0x60] =	vst v3;
	v3 =	vadd.bf16 v6, v5  }
0xb7: {  	v13 =	vld [tilespmem:s7+$0x80];
	v1 =	vadd.bf16 v1, v2  }
0xb8: {  	v5 =	vld [tilespmem:s12+$0xE0];
	v3 =	vmax.bf16 v3, v0  }
0xb9: {  	v6 =	vld [tilespmem:s12+$0x32E0];
	[tilespmem:s1+$0xFFFFFFC0] =	vst v3;
	v3 =	vadd.bf16 v7, v4;
	v1 =	vmax.bf16 v1, v0  }
0xba: {  	v2 =	vld [tilespmem:s12+$0x60];
	[tilespmem:s1+$0xFFFFFF70] =	vst v1  }
0xbb: {  	v1 =	vmax.bf16 v3, v0;
	v3 =	vld [tilespmem:s12+$0x20]  }
0xbc: {  	[tilespmem:s1+$0x10] =	vst v1;
	v1 =	vld [tilespmem:s12+$0x3220]  }
0xbd: {  	v4 =	vld [tilespmem:s12+$0x3260]  }
0xbe: {  	v9 =	vadd.bf16 v10, v9;
	v10 =	vld [tilespmem:s7+$0x3280];
	v5 =	vadd.bf16 v6, v5  }
0xbf: {  	v6 =	vld [tilespmem:s12+$0xA0]  }
0xc0: {  	v7 =	vld [tilespmem:s12+$0x32A0];
	v5 =	vmax.bf16 v5, v0  }
0xc1: {  	[tilespmem:s1+$0x70] =	vst v5;
	v1 =	vadd.bf16 v1, v3;
	v3 =	vld [tilespmem:s7+$0x3240]  }
0xc2: {  	s9 =	simm.s32 $0xD020;
	v2 =	vadd.bf16 v4, v2;
	v4 =	vmax.bf16 v9, v0;
	v5 =	vld [tilespmem:s12+$0xF0]  }
0xc3: {  	v8 =	vld [tilespmem:s12+$0x32F0];
	[tilespmem:s9+$0x50] =	vst v4;
	v1 =	vmax.bf16 v1, v0  }
0xc4: {  	[tilespmem:s1+$0xFFFFFF80] =	vst v1;
	v1 =	vld [tilespmem:s7+$0x0]  }
0xc5: {  	v59 =	vld [tilespmem:s7+$0xD0];
	v6 =	vadd.bf16 v7, v6  }
0xc6: {  	v2 =	vmax.bf16 v2, v0;
	v9 =	vld [tilespmem:s12+$0x30];
	v3 =	vadd.bf16 v3, v12  }
0xc7: {  	[tilespmem:s1+$0xFFFFFFD0] =	vst v2;
	v6 =	vmax.bf16 v6, v0;
	v4 =	vld [tilespmem:s12+$0x3230]  }
0xc8: {  	[tilespmem:s1+$0x20] =	vst v6;
	v2 =	vmax.bf16 v3, v0;
	v3 =	vadd.bf16 v10, v13;
	v10 =	vld [tilespmem:s7+$0x32D0]  }
0xc9: {  	v63 =	vld [tilespmem:s12+$0xB0];
	v1 =	vadd.bf16 v11, v1;
	[tilespmem:s9+$0xFFFFFFB0] =	vst v2  }
0xca: {  	v2 =	vld [tilespmem:s7+$0x50]  }
0xcb: {  	v60 =	vld [tilespmem:s7+$0x3250];
	v1 =	vmax.bf16 v1, v0  }
0xcc: {  	v11 =	vld [tilespmem:s12+$0x70];
	v3 =	vmax.bf16 v3, v0;
	[tilespmem:s9+$0xFFFFFF60] =	vst v1  }
0xcd: {  	[tilespmem:s9+$0x0] =	vst v3;
	v3 =	vld [tilespmem:s7+$0x10];
	v10 =	vadd.bf16 v10, v59  }
0xce: {  	v61 =	vld [tilespmem:s7+$0x3210]  }
0xcf: {  	v1 =	vld [tilespmem:s7+$0x90];
	v10 =	vmax.bf16 v10, v0  }
0xd0: {  	v7 =	vld [tilespmem:s7+$0x3290];
	v2 =	vadd.bf16 v60, v2;
	[tilespmem:s9+$0x60] =	vst v10  }
0xd1: {  	v62 =	vld [tilespmem:s7+$0xE0]  }
0xd2: {  	v2 =	vmax.bf16 v2, v0;
	v6 =	vld [tilespmem:s7+$0x32E0]  }
0xd3: {  	v10 =	vld [tilespmem:s12+$0x3270];
	v3 =	vadd.bf16 v61, v3;
	[tilespmem:s9+$0xFFFFFFC0] =	vst v2  }
0xd4: {  	v14 =	vld [tilespmem:s7+$0x60]  }
0xd5: {  	v1 =	vadd.bf16 v7, v1;
	v7 =	vld [tilespmem:s7+$0x3260];
	v2 =	vmax.bf16 v3, v0  }
0xd6: {  	v3 =	vadd.bf16 v8, v5;
	v8 =	vld [tilespmem:s12+$0x32B0];
	[tilespmem:s9+$0xFFFFFF70] =	vst v2  }
0xd7: {  	v1 =	vmax.bf16 v1, v0;
	v6 =	vadd.bf16 v6, v62;
	v2 =	vld [tilespmem:s7+$0x20]  }
0xd8: {  	v4 =	vadd.bf16 v4, v9;
	[tilespmem:s9+$0x10] =	vst v1;
	v3 =	vmax.bf16 v3, v0;
	v5 =	vld [tilespmem:s7+$0x3220]  }
0xd9: {  	v1 =	vadd.bf16 v10, v11;
	[tilespmem:s1+$0x80] =	vst v3;
	v3 =	vld [tilespmem:s7+$0xA0];
	v6 =	vmax.bf16 v6, v0  }
0xda: {  	v4 =	vmax.bf16 v4, v0;
	v9 =	vadd.bf16 v7, v14;
	[tilespmem:s9+$0x70] =	vst v6;
	v6 =	vld [tilespmem:s7+$0x32A0]  }
0xdb: {  	[tilespmem:s1+$0xFFFFFF90] =	vst v4;
	v4 =	vmax.bf16 v1, v0;
	v7 =	vadd.bf16 v8, v63;
	v1 =	vld [tilespmem:s7+$0xF0]  }
0xdc: {  	s13 =	simm.s32 $0x6C40;
	s12 =	simm.s32 $0x4;
	[tilespmem:s1+$0xFFFFFFE0] =	vst v4;
	v8 =	vmax.bf16 v9, v0;
	v4 =	vld [tilespmem:s7+$0x32F0]  }
.LBB2_5:
0xdd: {  	v9 =	vld [tilespmem:s13+$0xC0];
	v2 =	vadd.bf16 v5, v2;
	[tilespmem:s9+$0xFFFFFFD0] =	vst v8;
	v5 =	vmax.bf16 v7, v0  }
0xde: {  	v7 =	vld [tilespmem:s13+$0x32C0];
	[tilespmem:s1+$0x30] =	vst v5;
	s1 =	smov.u32 s9  }
0xdf: {  	v5 =	vld [tilespmem:s13+$0x3200];
	v2 =	vmax.bf16 v2, v0;
	v3 =	vadd.bf16 v6, v3  }
0xe0: {  	v6 =	vld [tilespmem:s13+$0x40];
	[tilespmem:s9+$0xFFFFFF80] =	vst v2  }
0xe1: {  	s12 =	sadd.s32 $0x4, s12;
	v2 =	vld [tilespmem:s13+$0x3240];
	v3 =	vmax.bf16 v3, v0;
	v1 =	vadd.bf16 v4, v1  }
0xe2: {  	p0 =	slt.u32 s12, $0xC4;
	v4 =	vld [tilespmem:s13+$0x80];
	[tilespmem:s9+$0x20] =	vst v3  }
0xe3: {  	v3 =	vld [tilespmem:s13+$0x3280];
	v7 =	vadd.bf16 v7, v9;
	v1 =	vmax.bf16 v1, v0  }
0xe4: {  	v8 =	vld [tilespmem:s13+$0x0];
	[tilespmem:s9+$0x80] =	vst v1  }
0xe5: {  	s9 =	sadd.s32 $0x140, s9;
	v1 =	vmax.bf16 v7, v0;
	v7 =	vld [tilespmem:s7+$0x30]  }
0xe6: {  	v2 =	vadd.bf16 v2, v6;
	[tilespmem:s9+$0x50] =	vst v1;
	v1 =	vld [tilespmem:s7+$0x3230]  }
0xe7: {  	v6 =	vld [tilespmem:s13+$0xD0]  }
0xe8: {  	v2 =	vmax.bf16 v2, v0;
	v3 =	vadd.bf16 v3, v4;
	v4 =	vld [tilespmem:s13+$0x32D0]  }
0xe9: {  	v5 =	vadd.bf16 v5, v8;
	[tilespmem:s9+$0xFFFFFFB0] =	vst v2;
	v2 =	vld [tilespmem:s7+$0x70]  }
0xea: {  	v8 =	vld [tilespmem:s13+$0x50];
	v3 =	vmax.bf16 v3, v0  }
0xeb: {  	v5 =	vmax.bf16 v5, v0;
	v9 =	vld [tilespmem:s13+$0x3250];
	[tilespmem:s9+$0x0] =	vst v3;
	v1 =	vadd.bf16 v1, v7  }
0xec: {  	[tilespmem:s9+$0xFFFFFF60] =	vst v5;
	v3 =	vld [tilespmem:s13+$0x90]  }
0xed: {  	v5 =	vld [tilespmem:s13+$0x10];
	v4 =	vadd.bf16 v4, v6;
	v1 =	vmax.bf16 v1, v0  }
0xee: {  	v6 =	vld [tilespmem:s13+$0x3210];
	[tilespmem:s1+$0xFFFFFF90] =	vst v1  }
0xef: {  	v1 =	vld [tilespmem:s13+$0x3290];
	v4 =	vmax.bf16 v4, v0  }
0xf0: {  	v7 =	vadd.bf16 v9, v8;
	[tilespmem:s9+$0x60] =	vst v4;
	v4 =	vld [tilespmem:s7+$0x3270]  }
0xf1: {  	v8 =	vld [tilespmem:s13+$0xE0]  }
0xf2: {  	v7 =	vmax.bf16 v7, v0;
	v9 =	vld [tilespmem:s13+$0x32E0]  }
0xf3: {  	v5 =	vadd.bf16 v6, v5;
	[tilespmem:s9+$0xFFFFFFC0] =	vst v7;
	v7 =	vld [tilespmem:s7+$0xB0]  }
0xf4: {  	v6 =	vld [tilespmem:s13+$0x60];
	v1 =	vadd.bf16 v1, v3  }
0xf5: {  	v3 =	vmax.bf16 v5, v0;
	v10 =	vld [tilespmem:s13+$0x3260];
	v4 =	vadd.bf16 v4, v2  }
0xf6: {  	[tilespmem:s9+$0xFFFFFF70] =	vst v3;
	v1 =	vmax.bf16 v1, v0;
	v11 =	vld [tilespmem:s7+$0x32B0];
	s7 =	smov.u32 s13  }
0xf7: {  	v2 =	vld [tilespmem:s13+$0x20];
	[tilespmem:s9+$0x10] =	vst v1;
	v1 =	vadd.bf16 v9, v8;
	v3 =	vmax.bf16 v4, v0  }
.Ltmp1:
0xf8: {  	v5 =	vld [tilespmem:s13+$0x3220];
	[tilespmem:s1+$0xFFFFFFE0] =	vst v3;
	(pc) =	sbr.rel @p0 .LBB2_5-.Ltmp1, $4  }
0xf9: {  	v3 =	vld [tilespmem:s13+$0xA0];
	v1 =	vmax.bf16 v1, v0  }
0xfa: {  	v4 =	vadd.bf16 v10, v6;
	v6 =	vld [tilespmem:s13+$0x32A0];
	[tilespmem:s9+$0x70] =	vst v1  }
0xfb: {  	v1 =	vld [tilespmem:s13+$0xF0];
	v7 =	vadd.bf16 v11, v7  }
0xfc: {  	s13 =	sadd.s32 $0x100, s13;
	v8 =	vmax.bf16 v4, v0;
	v4 =	vld [tilespmem:s7+$0x32F0]  }
0xfd: {  	v2 =	vadd.bf16 v5, v2;
	_ =	sdelay $0x1  }
0xfe: {  	[tilespmem:s9+$0xFFFFFFD0] =	vst v8;
	v2 =	vmax.bf16 v2, v0  }
0xff: {  	[tilespmem:s9+$0xFFFFFF80] =	vst v2;
	v2 =	vadd.bf16 v6, v3;
	v6 =	vld [tilespmem:s7+$0x70]  }
0x100: {  	v3 =	vld [tilespmem:s7+$0x30]  }
0x101: {  	v5 =	vld [tilespmem:s7+$0x3230];
	v2 =	vmax.bf16 v2, v0  }
0x102: {  	[tilespmem:s9+$0x20] =	vst v2;
	v2 =	vld [tilespmem:s7+$0x3270]  }
0x103: {  	v8 =	vld [tilespmem:s7+$0xB0]  }
0x104: {  	v9 =	vld [tilespmem:s7+$0x32B0];
	_ =	sdelay $0x1  }
0x105: {  	v1 =	vadd.bf16 v4, v1  }
0x106: {  	v4 =	vmax.bf16 v7, v0;
	v3 =	vadd.bf16 v5, v3  }
0x107: {  	[tilespmem:s1+$0x30] =	vst v4;
	v1 =	vmax.bf16 v1, v0;
	v2 =	vadd.bf16 v2, v6  }
0x108: {  	[tilespmem:s9+$0x80] =	vst v1;
	v1 =	vmax.bf16 v3, v0;
	v3 =	vadd.bf16 v9, v8  }
0x109: {  	[tilespmem:s9+$0xFFFFFF90] =	vst v1;
	v1 =	vmax.bf16 v2, v0  }
0x10a: {  	[tilespmem:s9+$0xFFFFFFE0] =	vst v1;
	v1 =	vmax.bf16 v3, v0  }
0x10b: {  	[tilespmem:s9+$0x30] =	vst v1  }
0x10c: {  	[tilespmem:s19], [sflag:$0x2] =	stream.indirect.gather [hbm4b:s5+s17], $0x40, s25, s17, $0xb8;
	[tilespmem:$0x1D4C0] =	vst v63  }
0x10d: {  	_ = 	snop  }
0x10e: {  	[spmem:s3] =	stream.indirect.scatter.add.bf16 [tilespmem:s16], [sflag:$0x5], $0x50, s26, s23, $0xb8;
	[tilespmem:$0x1D4C0] =	vst v63  }
0x10f: {  	s12 =	sadd.s32 s2, s11;
	_ =	swait.ge [sflag:s15], $0x3E80  }
0x110: {  	s1 =	sshrl.u32 s12, $0x3;
	[sflag:s15] =	ssyncset.done $0x0  }
0x111: {  	s1 =	sadd.s32 s6, s1;
	[sflag:s15] =	ssyncadd.s32 $0xFFFFC180  }
0x112: {  	[tilespmem:s4], [sflag:$0x3] =	stream.linear.gather [hbm4b:s1+s4], $0x320, $0x38;
	[tilespmem:$0x1D4C0] =	vst v63  }
0x113: {  	_ =	swait.ge [sflag:s21], $0x6400  }
0x114: {  	[sflag:s21] =	ssyncset.done $0x0  }
0x115: {  	s13 =	simm.s32 $0x3930;
	[sflag:s21] =	ssyncadd.s32 $0xFFFF9C00  }
0x116: {  	v1 =	vld [tilespmem:s13+$0xFFFFCDD0]  }
0x117: {  	v2 =	vld [tilespmem:s13+$0xFFFFFFD0];
	_ =	sdelay $0x1  }
0x118: {  	v3 =	vld [tilespmem:s13+$0xFFFFCD50]  }
0x119: {  	v4 =	vld [tilespmem:s13+$0xFFFFFF50]  }
0x11a: {  	v5 =	vld [tilespmem:s13+$0xFFFFFF10]  }
0x11b: {  	v1 =	vadd.bf16 v2, v1;
	v2 =	vld [tilespmem:s13+$0xFFFFCD10]  }
0x11c: {  	v6 =	vld [tilespmem:s13+$0xFFFFCD90]  }
0x11d: {  	s2 =	simm.s32 $0x3A30;
	s1 =	simm.s32 $0xCEE0;
	v7 =	vld [tilespmem:s13+$0xFFFFFF90];
	v1 =	vmax.bf16 v1, v0  }
0x11e: {  	v9 =	vld [tilespmem:s2+$0xFFFFCDD0];
	[tilespmem:s1+$0x50] =	vst v1;
	v1 =	vadd.bf16 v4, v3  }
0x11f: {  	v10 =	vld [tilespmem:s2+$0xFFFFFFD0]  }
0x120: {  	v3 =	vld [tilespmem:s13+$0xFFFFCDE0];
	v1 =	vmax.bf16 v1, v0;
	v2 =	vadd.bf16 v5, v2  }
0x121: {  	v4 =	vld [tilespmem:s13+$0xFFFFFFE0];
	[tilespmem:s1+$0xFFFFFFB0] =	vst v1  }
0x122: {  	v1 =	vadd.bf16 v7, v6;
	v5 =	vld [tilespmem:s13+$0xFFFFCD60];
	v2 =	vmax.bf16 v2, v0  }
0x123: {  	v6 =	vld [tilespmem:s13+$0xFFFFFF60];
	[tilespmem:s1+$0xFFFFFF60] =	vst v2  }
0x124: {  	v1 =	vmax.bf16 v1, v0;
	v2 =	vld [tilespmem:s13+$0xFFFFCD20]  }
0x125: {  	[tilespmem:s1+$0x0] =	vst v1;
	v1 =	vld [tilespmem:s13+$0xFFFFFF20]  }
0x126: {  	v3 =	vadd.bf16 v4, v3;
	v4 =	vld [tilespmem:s13+$0xFFFFCDA0]  }
0x127: {  	v7 =	vld [tilespmem:s13+$0xFFFFFFA0]  }
0x128: {  	v11 =	vld [tilespmem:s2+$0xFFFFFF10];
	v3 =	vmax.bf16 v3, v0  }
0x129: {  	v12 =	vld [tilespmem:s2+$0xFFFFCD50];
	[tilespmem:s1+$0x60] =	vst v3;
	v3 =	vadd.bf16 v6, v5  }
0x12a: {  	v13 =	vld [tilespmem:s2+$0xFFFFCD90];
	v1 =	vadd.bf16 v1, v2  }
0x12b: {  	v5 =	vld [tilespmem:s13+$0xFFFFCDF0];
	v3 =	vmax.bf16 v3, v0  }
0x12c: {  	v6 =	vld [tilespmem:s13+$0xFFFFFFF0];
	[tilespmem:s1+$0xFFFFFFC0] =	vst v3;
	v3 =	vadd.bf16 v7, v4;
	v1 =	vmax.bf16 v1, v0  }
0x12d: {  	v2 =	vld [tilespmem:s13+$0xFFFFCD70];
	[tilespmem:s1+$0xFFFFFF70] =	vst v1  }
0x12e: {  	v1 =	vmax.bf16 v3, v0;
	v3 =	vld [tilespmem:s13+$0xFFFFCD30]  }
0x12f: {  	[tilespmem:s1+$0x10] =	vst v1;
	v1 =	vld [tilespmem:s13+$0xFFFFFF30]  }
0x130: {  	v4 =	vld [tilespmem:s13+$0xFFFFFF70]  }
0x131: {  	v9 =	vadd.bf16 v10, v9;
	v10 =	vld [tilespmem:s2+$0xFFFFFF90];
	v5 =	vadd.bf16 v6, v5  }
0x132: {  	v6 =	vld [tilespmem:s13+$0xFFFFCDB0]  }
0x133: {  	v7 =	vld [tilespmem:s13+$0xFFFFFFB0];
	v5 =	vmax.bf16 v5, v0  }
0x134: {  	[tilespmem:s1+$0x70] =	vst v5;
	v1 =	vadd.bf16 v1, v3;
	v3 =	vld [tilespmem:s2+$0xFFFFFF50]  }
0x135: {  	s7 =	simm.s32 $0xD020;
	v2 =	vadd.bf16 v4, v2;
	v4 =	vmax.bf16 v9, v0;
	v5 =	vld [tilespmem:s13+$0xFFFFCE00]  }
0x136: {  	v8 =	vld [tilespmem:s13+$0x0];
	[tilespmem:s7+$0x50] =	vst v4;
	v1 =	vmax.bf16 v1, v0  }
0x137: {  	[tilespmem:s1+$0xFFFFFF80] =	vst v1;
	v1 =	vld [tilespmem:s2+$0xFFFFCD10]  }
0x138: {  	v59 =	vld [tilespmem:s2+$0xFFFFCDE0];
	v6 =	vadd.bf16 v7, v6  }
0x139: {  	v2 =	vmax.bf16 v2, v0;
	v9 =	vld [tilespmem:s13+$0xFFFFCD40];
	v3 =	vadd.bf16 v3, v12  }
0x13a: {  	[tilespmem:s1+$0xFFFFFFD0] =	vst v2;
	v6 =	vmax.bf16 v6, v0;
	v4 =	vld [tilespmem:s13+$0xFFFFFF40]  }
0x13b: {  	[tilespmem:s1+$0x20] =	vst v6;
	v2 =	vmax.bf16 v3, v0;
	v3 =	vadd.bf16 v10, v13;
	v10 =	vld [tilespmem:s2+$0xFFFFFFE0]  }
0x13c: {  	v63 =	vld [tilespmem:s13+$0xFFFFCDC0];
	v1 =	vadd.bf16 v11, v1;
	[tilespmem:s7+$0xFFFFFFB0] =	vst v2  }
0x13d: {  	v2 =	vld [tilespmem:s2+$0xFFFFCD60]  }
0x13e: {  	v60 =	vld [tilespmem:s2+$0xFFFFFF60];
	v1 =	vmax.bf16 v1, v0  }
0x13f: {  	v11 =	vld [tilespmem:s13+$0xFFFFCD80];
	v3 =	vmax.bf16 v3, v0;
	[tilespmem:s7+$0xFFFFFF60] =	vst v1  }
0x140: {  	[tilespmem:s7+$0x0] =	vst v3;
	v3 =	vld [tilespmem:s2+$0xFFFFCD20];
	v10 =	vadd.bf16 v10, v59  }
0x141: {  	v61 =	vld [tilespmem:s2+$0xFFFFFF20]  }
0x142: {  	v1 =	vld [tilespmem:s2+$0xFFFFCDA0];
	v10 =	vmax.bf16 v10, v0  }
0x143: {  	v7 =	vld [tilespmem:s2+$0xFFFFFFA0];
	v2 =	vadd.bf16 v60, v2;
	[tilespmem:s7+$0x60] =	vst v10  }
0x144: {  	v62 =	vld [tilespmem:s2+$0xFFFFCDF0]  }
0x145: {  	v2 =	vmax.bf16 v2, v0;
	v6 =	vld [tilespmem:s2+$0xFFFFFFF0]  }
0x146: {  	v10 =	vld [tilespmem:s13+$0xFFFFFF80];
	v3 =	vadd.bf16 v61, v3;
	[tilespmem:s7+$0xFFFFFFC0] =	vst v2  }
0x147: {  	v14 =	vld [tilespmem:s2+$0xFFFFCD70]  }
0x148: {  	v1 =	vadd.bf16 v7, v1;
	v7 =	vld [tilespmem:s2+$0xFFFFFF70];
	v2 =	vmax.bf16 v3, v0  }
0x149: {  	v3 =	vadd.bf16 v8, v5;
	v8 =	vld [tilespmem:s13+$0xFFFFFFC0];
	[tilespmem:s7+$0xFFFFFF70] =	vst v2  }
0x14a: {  	v1 =	vmax.bf16 v1, v0;
	v6 =	vadd.bf16 v6, v62;
	v2 =	vld [tilespmem:s2+$0xFFFFCD30]  }
0x14b: {  	v4 =	vadd.bf16 v4, v9;
	[tilespmem:s7+$0x10] =	vst v1;
	v3 =	vmax.bf16 v3, v0;
	v5 =	vld [tilespmem:s2+$0xFFFFFF30]  }
0x14c: {  	v1 =	vadd.bf16 v10, v11;
	[tilespmem:s1+$0x80] =	vst v3;
	v3 =	vld [tilespmem:s2+$0xFFFFCDB0];
	v6 =	vmax.bf16 v6, v0  }
0x14d: {  	v4 =	vmax.bf16 v4, v0;
	v9 =	vadd.bf16 v7, v14;
	[tilespmem:s7+$0x70] =	vst v6;
	v6 =	vld [tilespmem:s2+$0xFFFFFFB0]  }
0x14e: {  	[tilespmem:s1+$0xFFFFFF90] =	vst v4;
	v4 =	vmax.bf16 v1, v0;
	v7 =	vadd.bf16 v8, v63;
	v1 =	vld [tilespmem:s2+$0xFFFFCE00]  }
0x14f: {  	s12 =	simm.s32 $0x3B30;
	s9 =	simm.s32 $0x4;
	[tilespmem:s1+$0xFFFFFFE0] =	vst v4;
	v8 =	vmax.bf16 v9, v0;
	v4 =	vld [tilespmem:s2+$0x0]  }
.LBB2_7:
0x150: {  	v9 =	vld [tilespmem:s12+$0xFFFFCDD0];
	v2 =	vadd.bf16 v5, v2;
	[tilespmem:s7+$0xFFFFFFD0] =	vst v8;
	v5 =	vmax.bf16 v7, v0  }
0x151: {  	v7 =	vld [tilespmem:s12+$0xFFFFFFD0];
	[tilespmem:s1+$0x30] =	vst v5;
	s1 =	smov.u32 s7  }
0x152: {  	v5 =	vld [tilespmem:s12+$0xFFFFFF10];
	v2 =	vmax.bf16 v2, v0;
	v3 =	vadd.bf16 v6, v3  }
0x153: {  	v6 =	vld [tilespmem:s12+$0xFFFFCD50];
	[tilespmem:s7+$0xFFFFFF80] =	vst v2  }
0x154: {  	s9 =	sadd.s32 $0x4, s9;
	v2 =	vld [tilespmem:s12+$0xFFFFFF50];
	v3 =	vmax.bf16 v3, v0;
	v1 =	vadd.bf16 v4, v1  }
0x155: {  	p0 =	slt.u32 s9, $0xC4;
	v4 =	vld [tilespmem:s12+$0xFFFFCD90];
	[tilespmem:s7+$0x20] =	vst v3  }
0x156: {  	v3 =	vld [tilespmem:s12+$0xFFFFFF90];
	v7 =	vadd.bf16 v7, v9;
	v1 =	vmax.bf16 v1, v0  }
0x157: {  	v8 =	vld [tilespmem:s12+$0xFFFFCD10];
	[tilespmem:s7+$0x80] =	vst v1  }
0x158: {  	s7 =	sadd.s32 $0x140, s7;
	v1 =	vmax.bf16 v7, v0;
	v7 =	vld [tilespmem:s2+$0xFFFFCD40]  }
0x159: {  	v2 =	vadd.bf16 v2, v6;
	[tilespmem:s7+$0x50] =	vst v1;
	v1 =	vld [tilespmem:s2+$0xFFFFFF40]  }
0x15a: {  	v6 =	vld [tilespmem:s12+$0xFFFFCDE0]  }
0x15b: {  	v2 =	vmax.bf16 v2, v0;
	v3 =	vadd.bf16 v3, v4;
	v4 =	vld [tilespmem:s12+$0xFFFFFFE0]  }
0x15c: {  	v5 =	vadd.bf16 v5, v8;
	[tilespmem:s7+$0xFFFFFFB0] =	vst v2;
	v2 =	vld [tilespmem:s2+$0xFFFFCD80]  }
0x15d: {  	v8 =	vld [tilespmem:s12+$0xFFFFCD60];
	v3 =	vmax.bf16 v3, v0  }
0x15e: {  	v5 =	vmax.bf16 v5, v0;
	v9 =	vld [tilespmem:s12+$0xFFFFFF60];
	[tilespmem:s7+$0x0] =	vst v3;
	v1 =	vadd.bf16 v1, v7  }
0x15f: {  	[tilespmem:s7+$0xFFFFFF60] =	vst v5;
	v3 =	vld [tilespmem:s12+$0xFFFFCDA0]  }
0x160: {  	v5 =	vld [tilespmem:s12+$0xFFFFCD20];
	v4 =	vadd.bf16 v4, v6;
	v1 =	vmax.bf16 v1, v0  }
0x161: {  	v6 =	vld [tilespmem:s12+$0xFFFFFF20];
	[tilespmem:s1+$0xFFFFFF90] =	vst v1  }
0x162: {  	v1 =	vld [tilespmem:s12+$0xFFFFFFA0];
	v4 =	vmax.bf16 v4, v0  }
0x163: {  	v7 =	vadd.bf16 v9, v8;
	[tilespmem:s7+$0x60] =	vst v4;
	v4 =	vld [tilespmem:s2+$0xFFFFFF80]  }
0x164: {  	v8 =	vld [tilespmem:s12+$0xFFFFCDF0]  }
0x165: {  	v7 =	vmax.bf16 v7, v0;
	v9 =	vld [tilespmem:s12+$0xFFFFFFF0]  }
0x166: {  	v5 =	vadd.bf16 v6, v5;
	[tilespmem:s7+$0xFFFFFFC0] =	vst v7;
	v7 =	vld [tilespmem:s2+$0xFFFFCDC0]  }
0x167: {  	v6 =	vld [tilespmem:s12+$0xFFFFCD70];
	v1 =	vadd.bf16 v1, v3  }
0x168: {  	v3 =	vmax.bf16 v5, v0;
	v10 =	vld [tilespmem:s12+$0xFFFFFF70];
	v4 =	vadd.bf16 v4, v2  }
0x169: {  	[tilespmem:s7+$0xFFFFFF70] =	vst v3;
	v1 =	vmax.bf16 v1, v0;
	v11 =	vld [tilespmem:s2+$0xFFFFFFC0];
	s2 =	smov.u32 s12  }
0x16a: {  	v2 =	vld [tilespmem:s12+$0xFFFFCD30];
	[tilespmem:s7+$0x10] =	vst v1;
	v1 =	vadd.bf16 v9, v8;
	v3 =	vmax.bf16 v4, v0  }
.Ltmp2:
0x16b: {  	v5 =	vld [tilespmem:s12+$0xFFFFFF30];
	[tilespmem:s1+$0xFFFFFFE0] =	vst v3;
	(pc) =	sbr.rel @p0 .LBB2_7-.Ltmp2, $4  }
0x16c: {  	v3 =	vld [tilespmem:s12+$0xFFFFCDB0];
	v1 =	vmax.bf16 v1, v0  }
0x16d: {  	v4 =	vadd.bf16 v10, v6;
	v6 =	vld [tilespmem:s12+$0xFFFFFFB0];
	[tilespmem:s7+$0x70] =	vst v1  }
0x16e: {  	v1 =	vld [tilespmem:s12+$0xFFFFCE00];
	v7 =	vadd.bf16 v11, v7  }
0x16f: {  	s12 =	sadd.s32 $0x100, s12;
	v8 =	vmax.bf16 v4, v0;
	v4 =	vld [tilespmem:s2+$0x0]  }
0x170: {  	v2 =	vadd.bf16 v5, v2;
	_ =	sdelay $0x1  }
0x171: {  	[tilespmem:s7+$0xFFFFFFD0] =	vst v8;
	v2 =	vmax.bf16 v2, v0  }
0x172: {  	[tilespmem:s7+$0xFFFFFF80] =	vst v2;
	v2 =	vadd.bf16 v6, v3;
	v6 =	vld [tilespmem:s2+$0xFFFFCD80]  }
0x173: {  	v3 =	vld [tilespmem:s2+$0xFFFFCD40]  }
0x174: {  	v5 =	vld [tilespmem:s2+$0xFFFFFF40];
	v2 =	vmax.bf16 v2, v0  }
0x175: {  	[tilespmem:s7+$0x20] =	vst v2;
	v2 =	vld [tilespmem:s2+$0xFFFFFF80]  }
0x176: {  	v8 =	vld [tilespmem:s2+$0xFFFFCDC0]  }
0x177: {  	v9 =	vld [tilespmem:s2+$0xFFFFFFC0];
	_ =	sdelay $0x1  }
0x178: {  	v1 =	vadd.bf16 v4, v1  }
0x179: {  	v4 =	vmax.bf16 v7, v0;
	v3 =	vadd.bf16 v5, v3  }
0x17a: {  	[tilespmem:s1+$0x30] =	vst v4;
	v1 =	vmax.bf16 v1, v0;
	v2 =	vadd.bf16 v2, v6  }
0x17b: {  	[tilespmem:s7+$0x80] =	vst v1;
	v1 =	vmax.bf16 v3, v0;
	v3 =	vadd.bf16 v9, v8  }
0x17c: {  	[tilespmem:s7+$0xFFFFFF90] =	vst v1;
	v1 =	vmax.bf16 v2, v0  }
0x17d: {  	[tilespmem:s7+$0xFFFFFFE0] =	vst v1;
	v1 =	vmax.bf16 v3, v0  }
0x17e: {  	[tilespmem:s7+$0x30] =	vst v1  }
0x17f: {  	_ =	swait.ge [sflag:s28], $0x320  }
0x180: {  	[sflag:s28] =	ssyncset.done $0x0  }
0x181: {  	[sflag:s28] =	ssyncadd.s32 $0xFFFFFCE0  }
0x182: {  	[tilespmem:s18], [sflag:$0x1] =	stream.indirect.gather [hbm4b:s5+s17], $0x40, s4, s17, $0xb8;
	[tilespmem:$0x1D4C0] =	vst v63  }
0x183: {  	_ = 	snop  }
0x184: {  	[spmem:s3] =	stream.indirect.scatter.add.bf16 [tilespmem:s16], [sflag:$0x5], $0x50, s29, s23, $0xb8;
	[tilespmem:$0x1D4C0] =	vst v63  }
0x185: {  	_ =	swait.ge [sflag:s15], $0x3E80  }
0x186: {  	[sflag:s15] =	ssyncset.done $0x0  }
0x187: {  	[sflag:s15] =	ssyncadd.s32 $0xFFFFC180  }
0x188: {  	_ =	swait.ge [sflag:s24], $0x6400  }
0x189: {  	[sflag:s24] =	ssyncset.done $0x0  }
0x18a: {  	s9 =	simm.s32 $0x6A40;
	[sflag:s24] =	ssyncadd.s32 $0xFFFF9C00  }
0x18b: {  	v1 =	vld [tilespmem:s9+$0xC0]  }
0x18c: {  	v2 =	vld [tilespmem:s9+$0x32C0];
	_ =	sdelay $0x1  }
0x18d: {  	v3 =	vld [tilespmem:s9+$0x40]  }
0x18e: {  	v4 =	vld [tilespmem:s9+$0x3240]  }
0x18f: {  	v5 =	vld [tilespmem:s9+$0x3200]  }
0x190: {  	v1 =	vadd.bf16 v2, v1;
	v2 =	vld [tilespmem:s9+$0x0]  }
0x191: {  	v6 =	vld [tilespmem:s9+$0x80]  }
0x192: {  	s1 =	simm.s32 $0xCEE0;
	s2 =	simm.s32 $0x6B40;
	v7 =	vld [tilespmem:s9+$0x3280];
	v1 =	vmax.bf16 v1, v0  }
0x193: {  	v9 =	vld [tilespmem:s2+$0xC0];
	[tilespmem:s1+$0x50] =	vst v1;
	v1 =	vadd.bf16 v4, v3  }
0x194: {  	v10 =	vld [tilespmem:s2+$0x32C0]  }
0x195: {  	v3 =	vld [tilespmem:s9+$0xD0];
	v1 =	vmax.bf16 v1, v0;
	v2 =	vadd.bf16 v5, v2  }
0x196: {  	v4 =	vld [tilespmem:s9+$0x32D0];
	[tilespmem:s1+$0xFFFFFFB0] =	vst v1  }
0x197: {  	v1 =	vadd.bf16 v7, v6;
	v5 =	vld [tilespmem:s9+$0x50];
	v2 =	vmax.bf16 v2, v0  }
0x198: {  	v6 =	vld [tilespmem:s9+$0x3250];
	[tilespmem:s1+$0xFFFFFF60] =	vst v2  }
0x199: {  	v1 =	vmax.bf16 v1, v0;
	v2 =	vld [tilespmem:s9+$0x10]  }
0x19a: {  	[tilespmem:s1+$0x0] =	vst v1;
	v1 =	vld [tilespmem:s9+$0x3210]  }
0x19b: {  	v3 =	vadd.bf16 v4, v3;
	v4 =	vld [tilespmem:s9+$0x90]  }
0x19c: {  	v7 =	vld [tilespmem:s9+$0x3290]  }
0x19d: {  	v11 =	vld [tilespmem:s2+$0x3200];
	v3 =	vmax.bf16 v3, v0  }
0x19e: {  	v12 =	vld [tilespmem:s2+$0x40];
	[tilespmem:s1+$0x60] =	vst v3;
	v3 =	vadd.bf16 v6, v5  }
0x19f: {  	v13 =	vld [tilespmem:s2+$0x80];
	v1 =	vadd.bf16 v1, v2  }
0x1a0: {  	v5 =	vld [tilespmem:s9+$0xE0];
	v3 =	vmax.bf16 v3, v0  }
0x1a1: {  	v6 =	vld [tilespmem:s9+$0x32E0];
	[tilespmem:s1+$0xFFFFFFC0] =	vst v3;
	v3 =	vadd.bf16 v7, v4;
	v1 =	vmax.bf16 v1, v0  }
0x1a2: {  	v2 =	vld [tilespmem:s9+$0x60];
	[tilespmem:s1+$0xFFFFFF70] =	vst v1  }
0x1a3: {  	v1 =	vmax.bf16 v3, v0;
	v3 =	vld [tilespmem:s9+$0x20]  }
0x1a4: {  	[tilespmem:s1+$0x10] =	vst v1;
	v1 =	vld [tilespmem:s9+$0x3220]  }
0x1a5: {  	v4 =	vld [tilespmem:s9+$0x3260]  }
0x1a6: {  	v9 =	vadd.bf16 v10, v9;
	v10 =	vld [tilespmem:s2+$0x3280];
	v5 =	vadd.bf16 v6, v5  }
0x1a7: {  	v6 =	vld [tilespmem:s9+$0xA0]  }
0x1a8: {  	v7 =	vld [tilespmem:s9+$0x32A0];
	v5 =	vmax.bf16 v5, v0  }
0x1a9: {  	[tilespmem:s1+$0x70] =	vst v5;
	v1 =	vadd.bf16 v1, v3;
	v3 =	vld [tilespmem:s2+$0x3240]  }
0x1aa: {  	s7 =	simm.s32 $0xD020;
	v2 =	vadd.bf16 v4, v2;
	v4 =	vmax.bf16 v9, v0;
	v5 =	vld [tilespmem:s9+$0xF0]  }
0x1ab: {  	v8 =	vld [tilespmem:s9+$0x32F0];
	[tilespmem:s7+$0x50] =	vst v4;
	v1 =	vmax.bf16 v1, v0  }
0x1ac: {  	[tilespmem:s1+$0xFFFFFF80] =	vst v1;
	v1 =	vld [tilespmem:s2+$0x0]  }
0x1ad: {  	v59 =	vld [tilespmem:s2+$0xD0];
	v6 =	vadd.bf16 v7, v6  }
0x1ae: {  	v2 =	vmax.bf16 v2, v0;
	v9 =	vld [tilespmem:s9+$0x30];
	v3 =	vadd.bf16 v3, v12  }
0x1af: {  	[tilespmem:s1+$0xFFFFFFD0] =	vst v2;
	v6 =	vmax.bf16 v6, v0;
	v4 =	vld [tilespmem:s9+$0x3230]  }
0x1b0: {  	[tilespmem:s1+$0x20] =	vst v6;
	v2 =	vmax.bf16 v3, v0;
	v3 =	vadd.bf16 v10, v13;
	v10 =	vld [tilespmem:s2+$0x32D0]  }
0x1b1: {  	v63 =	vld [tilespmem:s9+$0xB0];
	v1 =	vadd.bf16 v11, v1;
	[tilespmem:s7+$0xFFFFFFB0] =	vst v2  }
0x1b2: {  	v2 =	vld [tilespmem:s2+$0x50]  }
0x1b3: {  	v60 =	vld [tilespmem:s2+$0x3250];
	v1 =	vmax.bf16 v1, v0  }
0x1b4: {  	v11 =	vld [tilespmem:s9+$0x70];
	v3 =	vmax.bf16 v3, v0;
	[tilespmem:s7+$0xFFFFFF60] =	vst v1  }
0x1b5: {  	[tilespmem:s7+$0x0] =	vst v3;
	v3 =	vld [tilespmem:s2+$0x10];
	v10 =	vadd.bf16 v10, v59  }
0x1b6: {  	v61 =	vld [tilespmem:s2+$0x3210]  }
0x1b7: {  	v1 =	vld [tilespmem:s2+$0x90];
	v10 =	vmax.bf16 v10, v0  }
0x1b8: {  	v7 =	vld [tilespmem:s2+$0x3290];
	v2 =	vadd.bf16 v60, v2;
	[tilespmem:s7+$0x60] =	vst v10  }
0x1b9: {  	v62 =	vld [tilespmem:s2+$0xE0]  }
0x1ba: {  	v2 =	vmax.bf16 v2, v0;
	v6 =	vld [tilespmem:s2+$0x32E0]  }
0x1bb: {  	v10 =	vld [tilespmem:s9+$0x3270];
	v3 =	vadd.bf16 v61, v3;
	[tilespmem:s7+$0xFFFFFFC0] =	vst v2  }
0x1bc: {  	v14 =	vld [tilespmem:s2+$0x60]  }
0x1bd: {  	v1 =	vadd.bf16 v7, v1;
	v7 =	vld [tilespmem:s2+$0x3260];
	v2 =	vmax.bf16 v3, v0  }
0x1be: {  	v3 =	vadd.bf16 v8, v5;
	v8 =	vld [tilespmem:s9+$0x32B0];
	[tilespmem:s7+$0xFFFFFF70] =	vst v2  }
0x1bf: {  	v1 =	vmax.bf16 v1, v0;
	v6 =	vadd.bf16 v6, v62;
	v2 =	vld [tilespmem:s2+$0x20]  }
0x1c0: {  	v4 =	vadd.bf16 v4, v9;
	[tilespmem:s7+$0x10] =	vst v1;
	v3 =	vmax.bf16 v3, v0;
	v5 =	vld [tilespmem:s2+$0x3220]  }
0x1c1: {  	v1 =	vadd.bf16 v10, v11;
	[tilespmem:s1+$0x80] =	vst v3;
	v3 =	vld [tilespmem:s2+$0xA0];
	v6 =	vmax.bf16 v6, v0  }
0x1c2: {  	v4 =	vmax.bf16 v4, v0;
	v9 =	vadd.bf16 v7, v14;
	[tilespmem:s7+$0x70] =	vst v6;
	v6 =	vld [tilespmem:s2+$0x32A0]  }
0x1c3: {  	[tilespmem:s1+$0xFFFFFF90] =	vst v4;
	v4 =	vmax.bf16 v1, v0;
	v7 =	vadd.bf16 v8, v63;
	v1 =	vld [tilespmem:s2+$0xF0]  }
0x1c4: {  	s12 =	simm.s32 $0x6C40;
	s9 =	simm.s32 $0x4;
	[tilespmem:s1+$0xFFFFFFE0] =	vst v4;
	v8 =	vmax.bf16 v9, v0;
	v4 =	vld [tilespmem:s2+$0x32F0]  }
.LBB2_9:
0x1c5: {  	v9 =	vld [tilespmem:s12+$0xC0];
	v2 =	vadd.bf16 v5, v2;
	[tilespmem:s7+$0xFFFFFFD0] =	vst v8;
	v5 =	vmax.bf16 v7, v0  }
0x1c6: {  	v7 =	vld [tilespmem:s12+$0x32C0];
	[tilespmem:s1+$0x30] =	vst v5;
	s1 =	smov.u32 s7  }
0x1c7: {  	v5 =	vld [tilespmem:s12+$0x3200];
	v2 =	vmax.bf16 v2, v0;
	v3 =	vadd.bf16 v6, v3  }
0x1c8: {  	v6 =	vld [tilespmem:s12+$0x40];
	[tilespmem:s7+$0xFFFFFF80] =	vst v2  }
0x1c9: {  	s9 =	sadd.s32 $0x4, s9;
	v2 =	vld [tilespmem:s12+$0x3240];
	v3 =	vmax.bf16 v3, v0;
	v1 =	vadd.bf16 v4, v1  }
0x1ca: {  	p0 =	slt.u32 s9, $0xC4;
	v4 =	vld [tilespmem:s12+$0x80];
	[tilespmem:s7+$0x20] =	vst v3  }
0x1cb: {  	v3 =	vld [tilespmem:s12+$0x3280];
	v7 =	vadd.bf16 v7, v9;
	v1 =	vmax.bf16 v1, v0  }
0x1cc: {  	v8 =	vld [tilespmem:s12+$0x0];
	[tilespmem:s7+$0x80] =	vst v1  }
0x1cd: {  	s7 =	sadd.s32 $0x140, s7;
	v1 =	vmax.bf16 v7, v0;
	v7 =	vld [tilespmem:s2+$0x30]  }
0x1ce: {  	v2 =	vadd.bf16 v2, v6;
	[tilespmem:s7+$0x50] =	vst v1;
	v1 =	vld [tilespmem:s2+$0x3230]  }
0x1cf: {  	v6 =	vld [tilespmem:s12+$0xD0]  }
0x1d0: {  	v2 =	vmax.bf16 v2, v0;
	v3 =	vadd.bf16 v3, v4;
	v4 =	vld [tilespmem:s12+$0x32D0]  }
0x1d1: {  	v5 =	vadd.bf16 v5, v8;
	[tilespmem:s7+$0xFFFFFFB0] =	vst v2;
	v2 =	vld [tilespmem:s2+$0x70]  }
0x1d2: {  	v8 =	vld [tilespmem:s12+$0x50];
	v3 =	vmax.bf16 v3, v0  }
0x1d3: {  	v5 =	vmax.bf16 v5, v0;
	v9 =	vld [tilespmem:s12+$0x3250];
	[tilespmem:s7+$0x0] =	vst v3;
	v1 =	vadd.bf16 v1, v7  }
0x1d4: {  	[tilespmem:s7+$0xFFFFFF60] =	vst v5;
	v3 =	vld [tilespmem:s12+$0x90]  }
0x1d5: {  	v5 =	vld [tilespmem:s12+$0x10];
	v4 =	vadd.bf16 v4, v6;
	v1 =	vmax.bf16 v1, v0  }
0x1d6: {  	v6 =	vld [tilespmem:s12+$0x3210];
	[tilespmem:s1+$0xFFFFFF90] =	vst v1  }
0x1d7: {  	v1 =	vld [tilespmem:s12+$0x3290];
	v4 =	vmax.bf16 v4, v0  }
0x1d8: {  	v7 =	vadd.bf16 v9, v8;
	[tilespmem:s7+$0x60] =	vst v4;
	v4 =	vld [tilespmem:s2+$0x3270]  }
0x1d9: {  	v8 =	vld [tilespmem:s12+$0xE0]  }
0x1da: {  	v7 =	vmax.bf16 v7, v0;
	v9 =	vld [tilespmem:s12+$0x32E0]  }
0x1db: {  	v5 =	vadd.bf16 v6, v5;
	[tilespmem:s7+$0xFFFFFFC0] =	vst v7;
	v7 =	vld [tilespmem:s2+$0xB0]  }
0x1dc: {  	v6 =	vld [tilespmem:s12+$0x60];
	v1 =	vadd.bf16 v1, v3  }
0x1dd: {  	v3 =	vmax.bf16 v5, v0;
	v10 =	vld [tilespmem:s12+$0x3260];
	v4 =	vadd.bf16 v4, v2  }
0x1de: {  	[tilespmem:s7+$0xFFFFFF70] =	vst v3;
	v1 =	vmax.bf16 v1, v0;
	v11 =	vld [tilespmem:s2+$0x32B0];
	s2 =	smov.u32 s12  }
0x1df: {  	v2 =	vld [tilespmem:s12+$0x20];
	[tilespmem:s7+$0x10] =	vst v1;
	v1 =	vadd.bf16 v9, v8;
	v3 =	vmax.bf16 v4, v0  }
.Ltmp3:
0x1e0: {  	v5 =	vld [tilespmem:s12+$0x3220];
	[tilespmem:s1+$0xFFFFFFE0] =	vst v3;
	(pc) =	sbr.rel @p0 .LBB2_9-.Ltmp3, $4  }
0x1e1: {  	v3 =	vld [tilespmem:s12+$0xA0];
	v1 =	vmax.bf16 v1, v0  }
0x1e2: {  	v4 =	vadd.bf16 v10, v6;
	v6 =	vld [tilespmem:s12+$0x32A0];
	[tilespmem:s7+$0x70] =	vst v1  }
0x1e3: {  	v1 =	vld [tilespmem:s12+$0xF0];
	v7 =	vadd.bf16 v11, v7  }
0x1e4: {  	s12 =	sadd.s32 $0x100, s12;
	v8 =	vmax.bf16 v4, v0;
	v4 =	vld [tilespmem:s2+$0x32F0]  }
0x1e5: {  	v2 =	vadd.bf16 v5, v2;
	_ =	sdelay $0x1  }
0x1e6: {  	[tilespmem:s7+$0xFFFFFFD0] =	vst v8;
	v2 =	vmax.bf16 v2, v0  }
0x1e7: {  	v61 =	vld [tilespmem:s2+$0x70];
	[tilespmem:s7+$0xFFFFFF80] =	vst v2;
	v2 =	vadd.bf16 v6, v3  }
0x1e8: {  	v3 =	vld [tilespmem:s2+$0x30]  }
0x1e9: {  	v60 =	vld [tilespmem:s2+$0x3230];
	v2 =	vmax.bf16 v2, v0  }
0x1ea: {  	[tilespmem:s7+$0x20] =	vst v2;
	v2 =	vld [tilespmem:s2+$0x3270]  }
0x1eb: {  	v62 =	vld [tilespmem:s2+$0xB0]  }
0x1ec: {  	v9 =	vld [tilespmem:s2+$0x32B0];
	_ =	sdelay $0x1  }
0x1ed: {  	v1 =	vadd.bf16 v4, v1  }
0x1ee: {  	v63 =	vmax.bf16 v7, v0;
	v3 =	vadd.bf16 v60, v3  }
0x1ef: {  	[tilespmem:s1+$0x30] =	vst v63;
	v1 =	vmax.bf16 v1, v0;
	v2 =	vadd.bf16 v2, v61  }
0x1f0: {  	[tilespmem:s7+$0x80] =	vst v1;
	v1 =	vmax.bf16 v3, v0;
	v3 =	vadd.bf16 v9, v62  }
0x1f1: {  	[tilespmem:s7+$0xFFFFFF90] =	vst v1;
	v1 =	vmax.bf16 v2, v0  }
0x1f2: {  	s0 =	sadd.s32 $0x1, s0;
	[tilespmem:s7+$0xFFFFFFE0] =	vst v1;
	v1 =	vmax.bf16 v3, v0  }
0x1f3: {  	p0 =	sne.s32 s0, $0xC;
	[tilespmem:s7+$0x30] =	vst v1  }
0x1f4: {  	[tilespmem:s19], [sflag:$0x2] =	stream.indirect.gather [hbm4b:s5+s17], $0x40, s17, s17, $0xb8;
	[tilespmem:$0x1D4C0] =	vst v63  }
.Ltmp4:
0x1f5: {  	_ = 	snop;
	(pc) =	sbr.rel @p0 .LBB2_2-.Ltmp4, $4  }
0x1f6: {  	[spmem:s3] =	stream.indirect.scatter.add.bf16 [tilespmem:s16], [sflag:$0x5], $0x50, s30, s23, $0xb8;
	[tilespmem:$0x1D4C0] =	vst v63  }
0x1f7: {  	_ =	swait.ge [sflag:s15], $0x3E80  }
0x1f8: {  	[sflag:s15] =	ssyncset.done $0x0  }
0x1f9: {  	[sflag:s15] =	ssyncadd.s32 $0xFFFFC180  }
0x1fa: {  	_ =	swait.ge [sflag:s21], $0x6400  }
0x1fb: {  	[sflag:s21] =	ssyncset.done $0x0  }
0x1fc: {  	s7 =	simm.s32 $0x3930;
	[sflag:s21] =	ssyncadd.s32 $0xFFFF9C00  }
0x1fd: {  	v1 =	vld [tilespmem:s7+$0xFFFFCDD0]  }
0x1fe: {  	v2 =	vld [tilespmem:s7+$0xFFFFFFD0];
	_ =	sdelay $0x1  }
0x1ff: {  	v3 =	vld [tilespmem:s7+$0xFFFFCD50]  }
0x200: {  	v4 =	vld [tilespmem:s7+$0xFFFFFF50]  }
0x201: {  	v5 =	vld [tilespmem:s7+$0xFFFFFF10]  }
0x202: {  	v1 =	vadd.bf16 v2, v1;
	v2 =	vld [tilespmem:s7+$0xFFFFCD10]  }
0x203: {  	v6 =	vld [tilespmem:s7+$0xFFFFCD90]  }
0x204: {  	s0 =	simm.s32 $0xCEE0;
	s1 =	simm.s32 $0x3A30;
	v7 =	vld [tilespmem:s7+$0xFFFFFF90];
	v1 =	vmax.bf16 v1, v0  }
0x205: {  	v9 =	vld [tilespmem:s1+$0xFFFFCDD0];
	[tilespmem:s0+$0x50] =	vst v1;
	v1 =	vadd.bf16 v4, v3  }
0x206: {  	v10 =	vld [tilespmem:s1+$0xFFFFFFD0]  }
0x207: {  	v3 =	vld [tilespmem:s7+$0xFFFFCDE0];
	v1 =	vmax.bf16 v1, v0;
	v2 =	vadd.bf16 v5, v2  }
0x208: {  	v4 =	vld [tilespmem:s7+$0xFFFFFFE0];
	[tilespmem:s0+$0xFFFFFFB0] =	vst v1  }
0x209: {  	v1 =	vadd.bf16 v7, v6;
	v5 =	vld [tilespmem:s7+$0xFFFFCD60];
	v2 =	vmax.bf16 v2, v0  }
0x20a: {  	v6 =	vld [tilespmem:s7+$0xFFFFFF60];
	[tilespmem:s0+$0xFFFFFF60] =	vst v2  }
0x20b: {  	v1 =	vmax.bf16 v1, v0;
	v2 =	vld [tilespmem:s7+$0xFFFFCD20]  }
0x20c: {  	[tilespmem:s0+$0x0] =	vst v1;
	v1 =	vld [tilespmem:s7+$0xFFFFFF20]  }
0x20d: {  	v3 =	vadd.bf16 v4, v3;
	v4 =	vld [tilespmem:s7+$0xFFFFCDA0]  }
0x20e: {  	v7 =	vld [tilespmem:s7+$0xFFFFFFA0]  }
0x20f: {  	v11 =	vld [tilespmem:s1+$0xFFFFFF10];
	v3 =	vmax.bf16 v3, v0  }
0x210: {  	v12 =	vld [tilespmem:s1+$0xFFFFCD50];
	[tilespmem:s0+$0x60] =	vst v3;
	v3 =	vadd.bf16 v6, v5  }
0x211: {  	v13 =	vld [tilespmem:s1+$0xFFFFCD90];
	v1 =	vadd.bf16 v1, v2  }
0x212: {  	v5 =	vld [tilespmem:s7+$0xFFFFCDF0];
	v3 =	vmax.bf16 v3, v0  }
0x213: {  	v6 =	vld [tilespmem:s7+$0xFFFFFFF0];
	[tilespmem:s0+$0xFFFFFFC0] =	vst v3;
	v3 =	vadd.bf16 v7, v4;
	v1 =	vmax.bf16 v1, v0  }
0x214: {  	v2 =	vld [tilespmem:s7+$0xFFFFCD70];
	[tilespmem:s0+$0xFFFFFF70] =	vst v1  }
0x215: {  	v1 =	vmax.bf16 v3, v0;
	v3 =	vld [tilespmem:s7+$0xFFFFCD30]  }
0x216: {  	[tilespmem:s0+$0x10] =	vst v1;
	v1 =	vld [tilespmem:s7+$0xFFFFFF30]  }
0x217: {  	v4 =	vld [tilespmem:s7+$0xFFFFFF70]  }
0x218: {  	v9 =	vadd.bf16 v10, v9;
	v10 =	vld [tilespmem:s1+$0xFFFFFF90];
	v5 =	vadd.bf16 v6, v5  }
0x219: {  	v6 =	vld [tilespmem:s7+$0xFFFFCDB0]  }
0x21a: {  	v7 =	vld [tilespmem:s7+$0xFFFFFFB0];
	v5 =	vmax.bf16 v5, v0  }
0x21b: {  	[tilespmem:s0+$0x70] =	vst v5;
	v1 =	vadd.bf16 v1, v3;
	v3 =	vld [tilespmem:s1+$0xFFFFFF50]  }
0x21c: {  	s2 =	simm.s32 $0xD020;
	v2 =	vadd.bf16 v4, v2;
	v4 =	vmax.bf16 v9, v0;
	v5 =	vld [tilespmem:s7+$0xFFFFCE00]  }
0x21d: {  	v8 =	vld [tilespmem:s7+$0x0];
	[tilespmem:s2+$0x50] =	vst v4;
	v1 =	vmax.bf16 v1, v0  }
0x21e: {  	[tilespmem:s0+$0xFFFFFF80] =	vst v1;
	v1 =	vld [tilespmem:s1+$0xFFFFCD10]  }
0x21f: {  	v59 =	vld [tilespmem:s1+$0xFFFFCDE0];
	v6 =	vadd.bf16 v7, v6  }
0x220: {  	v2 =	vmax.bf16 v2, v0;
	v9 =	vld [tilespmem:s7+$0xFFFFCD40];
	v3 =	vadd.bf16 v3, v12  }
0x221: {  	[tilespmem:s0+$0xFFFFFFD0] =	vst v2;
	v6 =	vmax.bf16 v6, v0;
	v4 =	vld [tilespmem:s7+$0xFFFFFF40]  }
0x222: {  	[tilespmem:s0+$0x20] =	vst v6;
	v2 =	vmax.bf16 v3, v0;
	v3 =	vadd.bf16 v10, v13;
	v10 =	vld [tilespmem:s1+$0xFFFFFFE0]  }
0x223: {  	v63 =	vld [tilespmem:s7+$0xFFFFCDC0];
	v1 =	vadd.bf16 v11, v1;
	[tilespmem:s2+$0xFFFFFFB0] =	vst v2  }
0x224: {  	v2 =	vld [tilespmem:s1+$0xFFFFCD60]  }
0x225: {  	v60 =	vld [tilespmem:s1+$0xFFFFFF60];
	v1 =	vmax.bf16 v1, v0  }
0x226: {  	v11 =	vld [tilespmem:s7+$0xFFFFCD80];
	v3 =	vmax.bf16 v3, v0;
	[tilespmem:s2+$0xFFFFFF60] =	vst v1  }
0x227: {  	[tilespmem:s2+$0x0] =	vst v3;
	v3 =	vld [tilespmem:s1+$0xFFFFCD20];
	v10 =	vadd.bf16 v10, v59  }
0x228: {  	v61 =	vld [tilespmem:s1+$0xFFFFFF20]  }
0x229: {  	v1 =	vld [tilespmem:s1+$0xFFFFCDA0];
	v10 =	vmax.bf16 v10, v0  }
0x22a: {  	v7 =	vld [tilespmem:s1+$0xFFFFFFA0];
	v2 =	vadd.bf16 v60, v2;
	[tilespmem:s2+$0x60] =	vst v10  }
0x22b: {  	v62 =	vld [tilespmem:s1+$0xFFFFCDF0]  }
0x22c: {  	v2 =	vmax.bf16 v2, v0;
	v6 =	vld [tilespmem:s1+$0xFFFFFFF0]  }
0x22d: {  	v10 =	vld [tilespmem:s7+$0xFFFFFF80];
	v3 =	vadd.bf16 v61, v3;
	[tilespmem:s2+$0xFFFFFFC0] =	vst v2  }
0x22e: {  	v14 =	vld [tilespmem:s1+$0xFFFFCD70]  }
0x22f: {  	v1 =	vadd.bf16 v7, v1;
	v7 =	vld [tilespmem:s1+$0xFFFFFF70];
	v2 =	vmax.bf16 v3, v0  }
0x230: {  	v3 =	vadd.bf16 v8, v5;
	v8 =	vld [tilespmem:s7+$0xFFFFFFC0];
	[tilespmem:s2+$0xFFFFFF70] =	vst v2  }
0x231: {  	v1 =	vmax.bf16 v1, v0;
	v6 =	vadd.bf16 v6, v62;
	v2 =	vld [tilespmem:s1+$0xFFFFCD30]  }
0x232: {  	v4 =	vadd.bf16 v4, v9;
	[tilespmem:s2+$0x10] =	vst v1;
	v3 =	vmax.bf16 v3, v0;
	v5 =	vld [tilespmem:s1+$0xFFFFFF30]  }
0x233: {  	v1 =	vadd.bf16 v10, v11;
	[tilespmem:s0+$0x80] =	vst v3;
	v3 =	vld [tilespmem:s1+$0xFFFFCDB0];
	v6 =	vmax.bf16 v6, v0  }
0x234: {  	v4 =	vmax.bf16 v4, v0;
	v9 =	vadd.bf16 v7, v14;
	[tilespmem:s2+$0x70] =	vst v6;
	v6 =	vld [tilespmem:s1+$0xFFFFFFB0]  }
0x235: {  	[tilespmem:s0+$0xFFFFFF90] =	vst v4;
	v4 =	vmax.bf16 v1, v0;
	v7 =	vadd.bf16 v8, v63;
	v1 =	vld [tilespmem:s1+$0xFFFFCE00]  }
0x236: {  	s9 =	simm.s32 $0x3B30;
	s7 =	simm.s32 $0x4;
	[tilespmem:s0+$0xFFFFFFE0] =	vst v4;
	v8 =	vmax.bf16 v9, v0;
	v4 =	vld [tilespmem:s1+$0x0]  }
.LBB2_12:
0x237: {  	v9 =	vld [tilespmem:s9+$0xFFFFCDD0];
	v2 =	vadd.bf16 v5, v2;
	[tilespmem:s2+$0xFFFFFFD0] =	vst v8;
	v5 =	vmax.bf16 v7, v0  }
0x238: {  	v7 =	vld [tilespmem:s9+$0xFFFFFFD0];
	[tilespmem:s0+$0x30] =	vst v5;
	s0 =	smov.u32 s2  }
0x239: {  	v5 =	vld [tilespmem:s9+$0xFFFFFF10];
	v2 =	vmax.bf16 v2, v0;
	v3 =	vadd.bf16 v6, v3  }
0x23a: {  	v6 =	vld [tilespmem:s9+$0xFFFFCD50];
	[tilespmem:s2+$0xFFFFFF80] =	vst v2  }
0x23b: {  	s7 =	sadd.s32 $0x4, s7;
	v2 =	vld [tilespmem:s9+$0xFFFFFF50];
	v3 =	vmax.bf16 v3, v0;
	v1 =	vadd.bf16 v4, v1  }
0x23c: {  	p0 =	slt.u32 s7, $0xC4;
	v4 =	vld [tilespmem:s9+$0xFFFFCD90];
	[tilespmem:s2+$0x20] =	vst v3  }
0x23d: {  	v3 =	vld [tilespmem:s9+$0xFFFFFF90];
	v7 =	vadd.bf16 v7, v9;
	v1 =	vmax.bf16 v1, v0  }
0x23e: {  	v8 =	vld [tilespmem:s9+$0xFFFFCD10];
	[tilespmem:s2+$0x80] =	vst v1  }
0x23f: {  	s2 =	sadd.s32 $0x140, s2;
	v1 =	vmax.bf16 v7, v0;
	v7 =	vld [tilespmem:s1+$0xFFFFCD40]  }
0x240: {  	v2 =	vadd.bf16 v2, v6;
	[tilespmem:s2+$0x50] =	vst v1;
	v1 =	vld [tilespmem:s1+$0xFFFFFF40]  }
0x241: {  	v6 =	vld [tilespmem:s9+$0xFFFFCDE0]  }
0x242: {  	v2 =	vmax.bf16 v2, v0;
	v3 =	vadd.bf16 v3, v4;
	v4 =	vld [tilespmem:s9+$0xFFFFFFE0]  }
0x243: {  	v5 =	vadd.bf16 v5, v8;
	[tilespmem:s2+$0xFFFFFFB0] =	vst v2;
	v2 =	vld [tilespmem:s1+$0xFFFFCD80]  }
0x244: {  	v8 =	vld [tilespmem:s9+$0xFFFFCD60];
	v3 =	vmax.bf16 v3, v0  }
0x245: {  	v5 =	vmax.bf16 v5, v0;
	v9 =	vld [tilespmem:s9+$0xFFFFFF60];
	[tilespmem:s2+$0x0] =	vst v3;
	v1 =	vadd.bf16 v1, v7  }
0x246: {  	[tilespmem:s2+$0xFFFFFF60] =	vst v5;
	v3 =	vld [tilespmem:s9+$0xFFFFCDA0]  }
0x247: {  	v5 =	vld [tilespmem:s9+$0xFFFFCD20];
	v4 =	vadd.bf16 v4, v6;
	v1 =	vmax.bf16 v1, v0  }
0x248: {  	v6 =	vld [tilespmem:s9+$0xFFFFFF20];
	[tilespmem:s0+$0xFFFFFF90] =	vst v1  }
0x249: {  	v1 =	vld [tilespmem:s9+$0xFFFFFFA0];
	v4 =	vmax.bf16 v4, v0  }
0x24a: {  	v7 =	vadd.bf16 v9, v8;
	[tilespmem:s2+$0x60] =	vst v4;
	v4 =	vld [tilespmem:s1+$0xFFFFFF80]  }
0x24b: {  	v8 =	vld [tilespmem:s9+$0xFFFFCDF0]  }
0x24c: {  	v7 =	vmax.bf16 v7, v0;
	v9 =	vld [tilespmem:s9+$0xFFFFFFF0]  }
0x24d: {  	v5 =	vadd.bf16 v6, v5;
	[tilespmem:s2+$0xFFFFFFC0] =	vst v7;
	v7 =	vld [tilespmem:s1+$0xFFFFCDC0]  }
0x24e: {  	v6 =	vld [tilespmem:s9+$0xFFFFCD70];
	v1 =	vadd.bf16 v1, v3  }
0x24f: {  	v3 =	vmax.bf16 v5, v0;
	v10 =	vld [tilespmem:s9+$0xFFFFFF70];
	v4 =	vadd.bf16 v4, v2  }
0x250: {  	[tilespmem:s2+$0xFFFFFF70] =	vst v3;
	v1 =	vmax.bf16 v1, v0;
	v11 =	vld [tilespmem:s1+$0xFFFFFFC0];
	s1 =	smov.u32 s9  }
0x251: {  	v2 =	vld [tilespmem:s9+$0xFFFFCD30];
	[tilespmem:s2+$0x10] =	vst v1;
	v1 =	vadd.bf16 v9, v8;
	v3 =	vmax.bf16 v4, v0  }
.Ltmp5:
0x252: {  	v5 =	vld [tilespmem:s9+$0xFFFFFF30];
	[tilespmem:s0+$0xFFFFFFE0] =	vst v3;
	(pc) =	sbr.rel @p0 .LBB2_12-.Ltmp5, $4  }
0x253: {  	v3 =	vld [tilespmem:s9+$0xFFFFCDB0];
	v1 =	vmax.bf16 v1, v0  }
0x254: {  	v4 =	vadd.bf16 v10, v6;
	v6 =	vld [tilespmem:s9+$0xFFFFFFB0];
	[tilespmem:s2+$0x70] =	vst v1  }
0x255: {  	v1 =	vld [tilespmem:s9+$0xFFFFCE00];
	v7 =	vadd.bf16 v11, v7  }
0x256: {  	s9 =	sadd.s32 $0x100, s9;
	v8 =	vmax.bf16 v4, v0;
	v4 =	vld [tilespmem:s1+$0x0]  }
0x257: {  	v2 =	vadd.bf16 v5, v2;
	_ =	sdelay $0x1  }
0x258: {  	[tilespmem:s2+$0xFFFFFFD0] =	vst v8;
	v2 =	vmax.bf16 v2, v0  }
0x259: {  	[tilespmem:s2+$0xFFFFFF80] =	vst v2;
	v2 =	vadd.bf16 v6, v3;
	v6 =	vld [tilespmem:s1+$0xFFFFCD80]  }
0x25a: {  	v3 =	vld [tilespmem:s1+$0xFFFFCD40]  }
0x25b: {  	v5 =	vld [tilespmem:s1+$0xFFFFFF40];
	v2 =	vmax.bf16 v2, v0  }
0x25c: {  	[tilespmem:s2+$0x20] =	vst v2;
	v2 =	vld [tilespmem:s1+$0xFFFFFF80]  }
0x25d: {  	v8 =	vld [tilespmem:s1+$0xFFFFCDC0]  }
0x25e: {  	v9 =	vld [tilespmem:s1+$0xFFFFFFC0];
	_ =	sdelay $0x1  }
0x25f: {  	v1 =	vadd.bf16 v4, v1  }
0x260: {  	v4 =	vmax.bf16 v7, v0;
	v3 =	vadd.bf16 v5, v3  }
0x261: {  	[tilespmem:s0+$0x30] =	vst v4;
	v1 =	vmax.bf16 v1, v0;
	v2 =	vadd.bf16 v2, v6  }
0x262: {  	[tilespmem:s2+$0x80] =	vst v1;
	v1 =	vmax.bf16 v3, v0;
	v3 =	vadd.bf16 v9, v8  }
0x263: {  	[tilespmem:s2+$0xFFFFFF90] =	vst v1;
	v1 =	vmax.bf16 v2, v0  }
0x264: {  	[tilespmem:s2+$0xFFFFFFE0] =	vst v1;
	v1 =	vmax.bf16 v3, v0  }
0x265: {  	[tilespmem:s2+$0x30] =	vst v1  }
0x266: {  	[spmem:s3] =	stream.indirect.scatter.add.bf16 [tilespmem:s16], [sflag:$0x5], $0x50, s23, s23, $0xb8;
	[tilespmem:$0x1D4C0] =	vst v63  }
0x267: {  	_ =	swait.ge [sflag:s15], $0x3E80  }
0x268: {  	[sflag:s15] =	ssyncset.done $0x0  }
0x269: {  	[sflag:s15] =	ssyncadd.s32 $0xFFFFC180  }
0x26a: {  	_ =	swait.ge [sflag:s24], $0x6400  }
0x26b: {  	[sflag:s24] =	ssyncset.done $0x0  }
0x26c: {  	s7 =	simm.s32 $0x6A40;
	[sflag:s24] =	ssyncadd.s32 $0xFFFF9C00  }
0x26d: {  	v1 =	vld [tilespmem:s7+$0xC0]  }
0x26e: {  	v2 =	vld [tilespmem:s7+$0x32C0];
	_ =	sdelay $0x1  }
0x26f: {  	v3 =	vld [tilespmem:s7+$0x40]  }
0x270: {  	v4 =	vld [tilespmem:s7+$0x3240]  }
0x271: {  	v5 =	vld [tilespmem:s7+$0x3200]  }
0x272: {  	v1 =	vadd.bf16 v2, v1;
	v2 =	vld [tilespmem:s7+$0x0]  }
0x273: {  	v6 =	vld [tilespmem:s7+$0x80]  }
0x274: {  	s0 =	simm.s32 $0xCEE0;
	s1 =	simm.s32 $0x6B40;
	v7 =	vld [tilespmem:s7+$0x3280];
	v1 =	vmax.bf16 v1, v0  }
0x275: {  	v9 =	vld [tilespmem:s1+$0xC0];
	[tilespmem:s0+$0x50] =	vst v1;
	v1 =	vadd.bf16 v4, v3  }
0x276: {  	v10 =	vld [tilespmem:s1+$0x32C0]  }
0x277: {  	v3 =	vld [tilespmem:s7+$0xD0];
	v1 =	vmax.bf16 v1, v0;
	v2 =	vadd.bf16 v5, v2  }
0x278: {  	v4 =	vld [tilespmem:s7+$0x32D0];
	[tilespmem:s0+$0xFFFFFFB0] =	vst v1  }
0x279: {  	v1 =	vadd.bf16 v7, v6;
	v5 =	vld [tilespmem:s7+$0x50];
	v2 =	vmax.bf16 v2, v0  }
0x27a: {  	v6 =	vld [tilespmem:s7+$0x3250];
	[tilespmem:s0+$0xFFFFFF60] =	vst v2  }
0x27b: {  	v1 =	vmax.bf16 v1, v0;
	v2 =	vld [tilespmem:s7+$0x10]  }
0x27c: {  	[tilespmem:s0+$0x0] =	vst v1;
	v1 =	vld [tilespmem:s7+$0x3210]  }
0x27d: {  	v3 =	vadd.bf16 v4, v3;
	v4 =	vld [tilespmem:s7+$0x90]  }
0x27e: {  	v7 =	vld [tilespmem:s7+$0x3290]  }
0x27f: {  	v11 =	vld [tilespmem:s1+$0x3200];
	v3 =	vmax.bf16 v3, v0  }
0x280: {  	v12 =	vld [tilespmem:s1+$0x40];
	[tilespmem:s0+$0x60] =	vst v3;
	v3 =	vadd.bf16 v6, v5  }
0x281: {  	v13 =	vld [tilespmem:s1+$0x80];
	v1 =	vadd.bf16 v1, v2  }
0x282: {  	v5 =	vld [tilespmem:s7+$0xE0];
	v3 =	vmax.bf16 v3, v0  }
0x283: {  	v6 =	vld [tilespmem:s7+$0x32E0];
	[tilespmem:s0+$0xFFFFFFC0] =	vst v3;
	v3 =	vadd.bf16 v7, v4;
	v1 =	vmax.bf16 v1, v0  }
0x284: {  	v2 =	vld [tilespmem:s7+$0x60];
	[tilespmem:s0+$0xFFFFFF70] =	vst v1  }
0x285: {  	v1 =	vmax.bf16 v3, v0;
	v3 =	vld [tilespmem:s7+$0x20]  }
0x286: {  	[tilespmem:s0+$0x10] =	vst v1;
	v1 =	vld [tilespmem:s7+$0x3220]  }
0x287: {  	v4 =	vld [tilespmem:s7+$0x3260]  }
0x288: {  	v9 =	vadd.bf16 v10, v9;
	v10 =	vld [tilespmem:s1+$0x3280];
	v5 =	vadd.bf16 v6, v5  }
0x289: {  	v6 =	vld [tilespmem:s7+$0xA0]  }
0x28a: {  	v7 =	vld [tilespmem:s7+$0x32A0];
	v5 =	vmax.bf16 v5, v0  }
0x28b: {  	[tilespmem:s0+$0x70] =	vst v5;
	v1 =	vadd.bf16 v1, v3;
	v3 =	vld [tilespmem:s1+$0x3240]  }
0x28c: {  	s2 =	simm.s32 $0xD020;
	v2 =	vadd.bf16 v4, v2;
	v4 =	vmax.bf16 v9, v0;
	v5 =	vld [tilespmem:s7+$0xF0]  }
0x28d: {  	v8 =	vld [tilespmem:s7+$0x32F0];
	[tilespmem:s2+$0x50] =	vst v4;
	v1 =	vmax.bf16 v1, v0  }
0x28e: {  	[tilespmem:s0+$0xFFFFFF80] =	vst v1;
	v1 =	vld [tilespmem:s1+$0x0]  }
0x28f: {  	v59 =	vld [tilespmem:s1+$0xD0];
	v6 =	vadd.bf16 v7, v6  }
0x290: {  	v2 =	vmax.bf16 v2, v0;
	v9 =	vld [tilespmem:s7+$0x30];
	v3 =	vadd.bf16 v3, v12  }
0x291: {  	[tilespmem:s0+$0xFFFFFFD0] =	vst v2;
	v6 =	vmax.bf16 v6, v0;
	v4 =	vld [tilespmem:s7+$0x3230]  }
0x292: {  	[tilespmem:s0+$0x20] =	vst v6;
	v2 =	vmax.bf16 v3, v0;
	v3 =	vadd.bf16 v10, v13;
	v10 =	vld [tilespmem:s1+$0x32D0]  }
0x293: {  	v63 =	vld [tilespmem:s7+$0xB0];
	v1 =	vadd.bf16 v11, v1;
	[tilespmem:s2+$0xFFFFFFB0] =	vst v2  }
0x294: {  	v2 =	vld [tilespmem:s1+$0x50]  }
0x295: {  	v60 =	vld [tilespmem:s1+$0x3250];
	v1 =	vmax.bf16 v1, v0  }
0x296: {  	v11 =	vld [tilespmem:s7+$0x70];
	v3 =	vmax.bf16 v3, v0;
	[tilespmem:s2+$0xFFFFFF60] =	vst v1  }
0x297: {  	[tilespmem:s2+$0x0] =	vst v3;
	v3 =	vld [tilespmem:s1+$0x10];
	v10 =	vadd.bf16 v10, v59  }
0x298: {  	v61 =	vld [tilespmem:s1+$0x3210]  }
0x299: {  	v1 =	vld [tilespmem:s1+$0x90];
	v10 =	vmax.bf16 v10, v0  }
0x29a: {  	v7 =	vld [tilespmem:s1+$0x3290];
	v2 =	vadd.bf16 v60, v2;
	[tilespmem:s2+$0x60] =	vst v10  }
0x29b: {  	v62 =	vld [tilespmem:s1+$0xE0]  }
0x29c: {  	v2 =	vmax.bf16 v2, v0;
	v6 =	vld [tilespmem:s1+$0x32E0]  }
0x29d: {  	v10 =	vld [tilespmem:s7+$0x3270];
	v3 =	vadd.bf16 v61, v3;
	[tilespmem:s2+$0xFFFFFFC0] =	vst v2  }
0x29e: {  	v14 =	vld [tilespmem:s1+$0x60]  }
0x29f: {  	v1 =	vadd.bf16 v7, v1;
	v7 =	vld [tilespmem:s1+$0x3260];
	v2 =	vmax.bf16 v3, v0  }
0x2a0: {  	v3 =	vadd.bf16 v8, v5;
	v8 =	vld [tilespmem:s7+$0x32B0];
	[tilespmem:s2+$0xFFFFFF70] =	vst v2  }
0x2a1: {  	v1 =	vmax.bf16 v1, v0;
	v6 =	vadd.bf16 v6, v62;
	v2 =	vld [tilespmem:s1+$0x20]  }
0x2a2: {  	v4 =	vadd.bf16 v4, v9;
	[tilespmem:s2+$0x10] =	vst v1;
	v3 =	vmax.bf16 v3, v0;
	v5 =	vld [tilespmem:s1+$0x3220]  }
0x2a3: {  	v1 =	vadd.bf16 v10, v11;
	[tilespmem:s0+$0x80] =	vst v3;
	v3 =	vld [tilespmem:s1+$0xA0];
	v6 =	vmax.bf16 v6, v0  }
0x2a4: {  	v4 =	vmax.bf16 v4, v0;
	v9 =	vadd.bf16 v7, v14;
	[tilespmem:s2+$0x70] =	vst v6;
	v6 =	vld [tilespmem:s1+$0x32A0]  }
0x2a5: {  	[tilespmem:s0+$0xFFFFFF90] =	vst v4;
	v4 =	vmax.bf16 v1, v0;
	v7 =	vadd.bf16 v8, v63;
	v1 =	vld [tilespmem:s1+$0xF0]  }
0x2a6: {  	s9 =	simm.s32 $0x6C40;
	s7 =	simm.s32 $0x4;
	[tilespmem:s0+$0xFFFFFFE0] =	vst v4;
	v8 =	vmax.bf16 v9, v0;
	v4 =	vld [tilespmem:s1+$0x32F0]  }
.LBB2_14:
0x2a7: {  	v9 =	vld [tilespmem:s9+$0xC0];
	v2 =	vadd.bf16 v5, v2;
	[tilespmem:s2+$0xFFFFFFD0] =	vst v8;
	v5 =	vmax.bf16 v7, v0  }
0x2a8: {  	v7 =	vld [tilespmem:s9+$0x32C0];
	[tilespmem:s0+$0x30] =	vst v5;
	s0 =	smov.u32 s2  }
0x2a9: {  	v5 =	vld [tilespmem:s9+$0x3200];
	v2 =	vmax.bf16 v2, v0;
	v3 =	vadd.bf16 v6, v3  }
0x2aa: {  	v6 =	vld [tilespmem:s9+$0x40];
	[tilespmem:s2+$0xFFFFFF80] =	vst v2  }
0x2ab: {  	s7 =	sadd.s32 $0x4, s7;
	v2 =	vld [tilespmem:s9+$0x3240];
	v3 =	vmax.bf16 v3, v0;
	v1 =	vadd.bf16 v4, v1  }
0x2ac: {  	p0 =	slt.u32 s7, $0xC4;
	v4 =	vld [tilespmem:s9+$0x80];
	[tilespmem:s2+$0x20] =	vst v3  }
0x2ad: {  	v3 =	vld [tilespmem:s9+$0x3280];
	v7 =	vadd.bf16 v7, v9;
	v1 =	vmax.bf16 v1, v0  }
0x2ae: {  	v8 =	vld [tilespmem:s9+$0x0];
	[tilespmem:s2+$0x80] =	vst v1  }
0x2af: {  	s2 =	sadd.s32 $0x140, s2;
	v1 =	vmax.bf16 v7, v0;
	v7 =	vld [tilespmem:s1+$0x30]  }
0x2b0: {  	v2 =	vadd.bf16 v2, v6;
	[tilespmem:s2+$0x50] =	vst v1;
	v1 =	vld [tilespmem:s1+$0x3230]  }
0x2b1: {  	v6 =	vld [tilespmem:s9+$0xD0]  }
0x2b2: {  	v2 =	vmax.bf16 v2, v0;
	v3 =	vadd.bf16 v3, v4;
	v4 =	vld [tilespmem:s9+$0x32D0]  }
0x2b3: {  	v5 =	vadd.bf16 v5, v8;
	[tilespmem:s2+$0xFFFFFFB0] =	vst v2;
	v2 =	vld [tilespmem:s1+$0x70]  }
0x2b4: {  	v8 =	vld [tilespmem:s9+$0x50];
	v3 =	vmax.bf16 v3, v0  }
0x2b5: {  	v5 =	vmax.bf16 v5, v0;
	v9 =	vld [tilespmem:s9+$0x3250];
	[tilespmem:s2+$0x0] =	vst v3;
	v1 =	vadd.bf16 v1, v7  }
0x2b6: {  	[tilespmem:s2+$0xFFFFFF60] =	vst v5;
	v3 =	vld [tilespmem:s9+$0x90]  }
0x2b7: {  	v5 =	vld [tilespmem:s9+$0x10];
	v4 =	vadd.bf16 v4, v6;
	v1 =	vmax.bf16 v1, v0  }
0x2b8: {  	v6 =	vld [tilespmem:s9+$0x3210];
	[tilespmem:s0+$0xFFFFFF90] =	vst v1  }
0x2b9: {  	v1 =	vld [tilespmem:s9+$0x3290];
	v4 =	vmax.bf16 v4, v0  }
0x2ba: {  	v7 =	vadd.bf16 v9, v8;
	[tilespmem:s2+$0x60] =	vst v4;
	v4 =	vld [tilespmem:s1+$0x3270]  }
0x2bb: {  	v8 =	vld [tilespmem:s9+$0xE0]  }
0x2bc: {  	v7 =	vmax.bf16 v7, v0;
	v9 =	vld [tilespmem:s9+$0x32E0]  }
0x2bd: {  	v5 =	vadd.bf16 v6, v5;
	[tilespmem:s2+$0xFFFFFFC0] =	vst v7;
	v7 =	vld [tilespmem:s1+$0xB0]  }
0x2be: {  	v6 =	vld [tilespmem:s9+$0x60];
	v1 =	vadd.bf16 v1, v3  }
0x2bf: {  	v3 =	vmax.bf16 v5, v0;
	v10 =	vld [tilespmem:s9+$0x3260];
	v4 =	vadd.bf16 v4, v2  }
0x2c0: {  	[tilespmem:s2+$0xFFFFFF70] =	vst v3;
	v1 =	vmax.bf16 v1, v0;
	v11 =	vld [tilespmem:s1+$0x32B0];
	s1 =	smov.u32 s9  }
0x2c1: {  	v2 =	vld [tilespmem:s9+$0x20];
	[tilespmem:s2+$0x10] =	vst v1;
	v1 =	vadd.bf16 v9, v8;
	v3 =	vmax.bf16 v4, v0  }
.Ltmp6:
0x2c2: {  	v5 =	vld [tilespmem:s9+$0x3220];
	[tilespmem:s0+$0xFFFFFFE0] =	vst v3;
	(pc) =	sbr.rel @p0 .LBB2_14-.Ltmp6, $4  }
0x2c3: {  	v3 =	vld [tilespmem:s9+$0xA0];
	v1 =	vmax.bf16 v1, v0  }
0x2c4: {  	v4 =	vadd.bf16 v10, v6;
	v6 =	vld [tilespmem:s9+$0x32A0];
	[tilespmem:s2+$0x70] =	vst v1  }
0x2c5: {  	v1 =	vld [tilespmem:s9+$0xF0];
	v7 =	vadd.bf16 v11, v7  }
0x2c6: {  	s9 =	sadd.s32 $0x100, s9;
	v8 =	vmax.bf16 v4, v0;
	v4 =	vld [tilespmem:s1+$0x32F0]  }
0x2c7: {  	v2 =	vadd.bf16 v5, v2;
	_ =	sdelay $0x1  }
0x2c8: {  	[tilespmem:s2+$0xFFFFFFD0] =	vst v8;
	v2 =	vmax.bf16 v2, v0  }
0x2c9: {  	v61 =	vld [tilespmem:s1+$0x70];
	[tilespmem:s2+$0xFFFFFF80] =	vst v2;
	v2 =	vadd.bf16 v6, v3  }
0x2ca: {  	v3 =	vld [tilespmem:s1+$0x30]  }
0x2cb: {  	v60 =	vld [tilespmem:s1+$0x3230];
	v2 =	vmax.bf16 v2, v0  }
0x2cc: {  	[tilespmem:s2+$0x20] =	vst v2;
	v2 =	vld [tilespmem:s1+$0x3270]  }
0x2cd: {  	v62 =	vld [tilespmem:s1+$0xB0]  }
0x2ce: {  	v9 =	vld [tilespmem:s1+$0x32B0];
	_ =	sdelay $0x1  }
0x2cf: {  	v1 =	vadd.bf16 v4, v1  }
0x2d0: {  	v63 =	vmax.bf16 v7, v0;
	v3 =	vadd.bf16 v60, v3  }
0x2d1: {  	[tilespmem:s0+$0x30] =	vst v63;
	v1 =	vmax.bf16 v1, v0;
	v2 =	vadd.bf16 v2, v61  }
0x2d2: {  	[tilespmem:s2+$0x80] =	vst v1;
	v1 =	vmax.bf16 v3, v0;
	v3 =	vadd.bf16 v9, v62  }
0x2d3: {  	[tilespmem:s2+$0xFFFFFF90] =	vst v1;
	v1 =	vmax.bf16 v2, v0  }
0x2d4: {  	[tilespmem:s2+$0xFFFFFFE0] =	vst v1;
	v1 =	vmax.bf16 v3, v0  }
0x2d5: {  	[tilespmem:s2+$0x30] =	vst v1  }
0x2d6: {  	[spmem:s3] =	stream.indirect.scatter.add.bf16 [tilespmem:s16], [sflag:$0x5], $0x50, s26, s23, $0xb8;
	[tilespmem:$0x1D4C0] =	vst v63  }
0x2d7: {  	_ =	swait.ge [sflag:s15], $0x3E80  }
0x2d8: {  	[sflag:s15] =	ssyncset.done $0x0  }
0x2d9: {  	[sflag:s15] =	ssyncadd.s32 $0xFFFFC180  }
0x2da: {  	[bflag:$0x0] =	sbarrier.arrive $0xFFFF  }
0x2db: {  	s12 =	rddreg [dreg:$0x6]  }
0x2dc: {  	[hbm:s12], [sflag:s8] =	dma.local [spmem:s14], $0x1900  }
0x2dd: {  	_ =	swait.ge [sflag:s15], $0x1900  }
0x2de: {  	s31 =	sadd.s32 $0x1, s31;
	s13 =	rddreg [dreg:$0x7]  }
0x2df: {  	p0 =	sne.s32 s31, s13  }
.Ltmp7:
0x2e0: {  	_ = 	snop;
	(pc) =	sbr.rel @p0 .LBB2_1-.Ltmp7, $3  }
0x2e1: {  	_ =	sdelay $0x1  }
0x2e2: {  	[sflag:s15] =	ssyncset.done $0x0  }
0x2e3: {  	[sflag:s15] =	ssyncadd.s32 $0xFFFFE700  }
0x2e4: {  	_ =	sfence.sel $0x180000  }
0x2e5: {  	[bflag:$0x0] =	sbarrier.arrive $0xFFFF  }
0x2e6: {  	_ =	strace $0x90000047  }
0x2e7: {  	s0 =	stileid.u32;
	[bflag:$0x2] =	sbarrier.arrive $0xFFFF  }
0x2e8: {  	p0 =	sne.s32 s0, $0x0;
	s0 =	rddreg [dreg:$0x3]  }
0x2e9: {  	s0 =	sadd.s32 @!p0 $0x100000, s0  }
0x2ea: {  	[sflag:s0] =	ssyncadd.tile.s32 @!p0 $0x1;
	_ =	shalt  }
.Lfunc_end2:
_tile_overlayer_lowered:
.L_overlay_start_2:
0x2eb: {  	(tag) =	ssettag $0x2  }
0x2ec: {  	s0 =	rddreg [dreg:$0x0];
	s2 =	stileid.u32  }
0x2ed: {  	s1 =	rddreg [dreg:$0x1];
	p0 =	sne.s32 s2, $0x0  }
0x2ee: {  	s3 =	rddreg [dreg:$0x2];
	[bflag:$0x3] =	sbarrier.arrive $0xFFFF;
	s2 =	simm.s32 @!p0 $0x1C05  }
0x2ef: {  	[timem:s3], [sflag:s2] =	dma.local @!p0 [hbm:s0], s1  }
0x2f0: {  	s0 =	simm.s32 @!p0 $0x5  }
0x2f1: {  	_ =	swait.ge @!p0 [sflag:s0], s1  }
0x2f2: {  	s1 =	ssub.s32 @!p0 $0x0, s1;
	[sflag:s0] =	ssyncset.done @!p0 $0x0  }
0x2f3: {  	[sflag:s0] =	ssyncadd.s32 @!p0 s1  }
0x2f4: {  	[bflag:$0x3] =	sbarrier.arrive $0xFFFF  }
0x2f5: {  	_ =	shalt  }

</sc_bundles>
